<compile_context>
chip_gen: v7x
topology: tpu7x:2x2x1
jax: 0.10.2.dev20260603
libtpu: 0.0.44.dev20260713+nightly
codegen_flags: <defaults>
</compile_context>

<pallas_src>
import functools

import numpy as np
import jax
import jax.numpy as jnp
from jax import lax
from jax.experimental import pallas as pl
from jax.experimental.pallas import tpu as pltpu
from jax.experimental.pallas import tpu_sc as plsc

DIM = 64
PD = 2 * DIM
HEADS = 4
DIM_HEAD = 16
NUM_SPECIAL = 2
_SCALE = DIM_HEAD ** -0.5

_USER_CATS = [100000, 50000, 1000, 100]
_ORDER_CATS = [200000, 5000, 100]

_NW = 32
_CH = 128

_lane = np.arange(PD)
_BM2_NP = (_lane[:, None] // DIM_HEAD == _lane[None, :] // DIM_HEAD).astype(np.float32) * _SCALE
_O1_NP = (_lane[:, None] // DIM == _lane[None, :] // DIM).astype(np.float32) / DIM
_HS_NP = np.zeros((PD, 2), np.float32)
_HS_NP[:DIM, 0] = 1.0
_HS_NP[DIM:, 1] = 1.0


def _sel_np(ncont):
    s = np.zeros((ncont, 2 * ncont, PD), np.float32)
    for t in range(ncont):
        s[t, t, :DIM] = 1.0
        s[t, ncont + t, DIM:] = 1.0
    return s


def _col_offsets(cats):
    return np.concatenate([[NUM_SPECIAL], np.asarray(cats[:-1])]).cumsum().astype(np.int32)


def _bd2(w):
    z = jnp.zeros(w.shape, w.dtype)
    return jnp.concatenate([jnp.concatenate([w, z], axis=1),
                            jnp.concatenate([z, w], axis=1)], axis=0)


def _dup(v):
    v = v.reshape(1, -1)
    return jnp.concatenate([v, v], axis=1)



def _gather_rows(table, idx):
    b = idx.shape[0]
    bpw = b // _NW
    nch = bpw // _CH
    assert bpw % _CH == 0 and b % _NW == 0
    idx2 = idx.reshape(b // _CH, _CH)
    mesh = plsc.VectorSubcoreMesh(core_axis_name="c", subcore_axis_name="s")

    @functools.partial(
        pl.kernel,
        out_type=jax.ShapeDtypeStruct((b, DIM), jnp.float32),
        mesh=mesh,
        scratch_types=[
            pltpu.VMEM((nch, _CH), jnp.int32),
            pltpu.VMEM((bpw, DIM), jnp.float32),
            pltpu.SemaphoreType.DMA,
        ],
        compiler_params=pltpu.CompilerParams(use_tc_tiling_on_sc=False),
    )
    def k(table_hbm, idx_hbm, out_hbm, idx_v, rows_v, sem):
        wid = lax.axis_index("s") * 2 + lax.axis_index("c")
        base = wid * bpw
        pltpu.sync_copy(idx_hbm.at[pl.ds(wid * nch, nch)], idx_v)
        handles = []
        for c in range(nch):
            handles.append(
                pltpu.async_copy(
                    table_hbm.at[idx_v.at[c]],
                    rows_v.at[pl.ds(c * _CH, _CH)],
                    sem,
                )
            )
        for h in handles:
            h.wait()
        pltpu.sync_copy(rows_v, out_hbm.at[pl.ds(base, bpw)])

    return k(table, idx2)



def _lnorm_p(x, g, b, o1, eps=1e-5):
    mu = x @ o1
    var = (x * x) @ o1 - mu * mu
    return (x - mu) * lax.rsqrt(var + eps) * g + b


def _lnorm_pb(x, g, b, o1, eps=1e-5):
    mu = x @ o1
    var = (x * x) @ o1 - mu * mu
    scl = (lax.rsqrt(var + eps)).astype(_BF) * g.astype(_BF)
    return (x - mu).astype(_BF) * scl + b.astype(_BF)


_BF = jnp.bfloat16


def _dotf(a, b):
    return jnp.dot(a, b, preferred_element_type=jnp.float32)


def _tf_block(toks, w, bm, o1):
    (aln_g, aln_b, wq, wk, wv, wo,
     fln_g, fln_b, w1, b1, w2, b2) = [r[...] for r in w]
    n = len(toks)
    r2 = toks[0].shape[0]
    f = jnp.concatenate([t[None] for t in toks], axis=0).reshape(n * r2, PD)
    h = _lnorm_pb(f, aln_g, aln_b, o1)
    q3 = _dotf(h, wq).astype(_BF).reshape(n, r2, PD)
    k3 = _dotf(h, wk).astype(_BF).reshape(n, r2, PD)
    v3 = _dotf(h, wv).astype(_BF).reshape(n, r2, PD)
    outs = []
    for i in range(n):
        prod = q3[i][None] * k3
        s = _dotf(prod.reshape(n * r2, PD), bm).astype(_BF).reshape(n, r2, PD)
        e = jnp.exp(s)
        den = jnp.sum(e, axis=0).astype(jnp.float32)
        num = jnp.sum(e * v3, axis=0).astype(jnp.float32)
        outs.append((num / den).astype(_BF))
    att = _dotf(jnp.concatenate([o[None] for o in outs], axis=0)
                .reshape(n * r2, PD), wo)
    x1 = f + att
    h2 = _lnorm_pb(x1, fln_g, fln_b, o1)
    g2 = jax.nn.gelu((_dotf(h2, w1) + b1).astype(_BF))
    return x1 + _dotf(g2, w2) + b2


def _tf_block_cls(toks, w, bm, o1):
    (aln_g, aln_b, wq, wk, wv, wo,
     fln_g, fln_b, w1, b1, w2, b2) = [r[...] for r in w]
    n = len(toks)
    r2 = toks[0].shape[0]
    f = jnp.concatenate([t[None] for t in toks], axis=0).reshape(n * r2, PD)
    h = _lnorm_pb(f, aln_g, aln_b, o1)
    q0 = _dotf(h[:r2], wq).astype(_BF)
    k3 = _dotf(h, wk).astype(_BF).reshape(n, r2, PD)
    v3 = _dotf(h, wv).astype(_BF).reshape(n, r2, PD)
    prod = q0[None] * k3
    s = _dotf(prod.reshape(n * r2, PD), bm).astype(_BF).reshape(n, r2, PD)
    e = jnp.exp(s)
    den = jnp.sum(e, axis=0).astype(jnp.float32)
    num = jnp.sum(e * v3, axis=0).astype(jnp.float32)
    att0 = _dotf((num / den).astype(_BF), wo)
    x1 = toks[0] + att0
    h2 = _lnorm_pb(x1, fln_g, fln_b, o1)
    g2 = jax.nn.gelu((_dotf(h2, w1) + b1).astype(_BF))
    return x1 + _dotf(g2, w2) + b2


def _tf_params(p):
    a, ff = p["attn"], p["ff"]
    bf = lambda w: _bd2(w).astype(_BF)
    return [_dup(a["ln_g"]), _dup(a["ln_b"]),
            bf(a["wq"]), bf(a["wk"]), bf(a["wv"]), bf(a["wo"]),
            _dup(ff["ln_g"]), _dup(ff["ln_b"]),
            bf(ff["w1"]), _dup(ff["b1"]), bf(ff["w2"]), _dup(ff["b2"])]


def _full_spec(x):
    nd = x.ndim
    return pl.BlockSpec(x.shape, lambda i, _nd=nd: (0,) * _nd)



def _user_body(xc_ref, xn_ref, sel_ref, nw_ref, nb_ref, cls_ref, *rest):
    tf = rest[:12]
    cls_w_ref, cls_b_ref, bm_ref, o1_ref, out_ref = rest[12:]
    r2 = xn_ref.shape[0]
    toks = [jnp.broadcast_to(cls_ref[...], (r2, PD))]
    for t in range(4):
        toks.append(xc_ref[t])
    for t in range(4):
        toks.append(xn_ref[...] @ sel_ref[t] * nw_ref[t:t + 1, :] + nb_ref[t:t + 1, :])
    x0 = _tf_block_cls(toks, tf, bm_ref[...], o1_ref[...])
    out_ref[...] = _dotf(jnp.maximum(x0, 0.0).astype(_BF), cls_w_ref[...]) + cls_b_ref[...]


def _order0_body(xc_ref, xn_ref, sel_ref, nw_ref, nb_ref, cls_ref, *rest):
    tf = rest[:12]
    lg_g_ref, lg_b_ref, log_w_ref, log_b_ref, bm_ref, o1_ref, out_ref = rest[12:]
    r2 = xn_ref.shape[0]
    toks = [jnp.broadcast_to(cls_ref[...], (r2, PD))]
    for t in range(3):
        toks.append(xc_ref[t])
    for t in range(6):
        toks.append(xn_ref[...] @ sel_ref[t] * nw_ref[t:t + 1, :] + nb_ref[t:t + 1, :])
    n = len(toks)
    x2 = _tf_block(toks, tf, bm_ref[...], o1_ref[...])
    lg = _lnorm_pb(x2, lg_g_ref[...], lg_b_ref[...], o1_ref[...])
    out = _dotf(jnp.maximum(lg, 0.0), log_w_ref[...]) + log_b_ref[...]
    out_ref[...] = out.reshape(n, r2, PD).astype(_BF)


def _order1_body(lt_ref, gat_ref, cls_ref, *rest):
    tf = rest[:12]
    (cls_w_ref, cls_b_ref, fg_ref, fb_ref, fw_ref, fb2_ref,
     bm_ref, o1_ref, hs_ref, out_ref) = rest[12:]
    r2 = gat_ref.shape[0]
    toks = [jnp.broadcast_to(cls_ref[...], (r2, PD))]
    for t in range(10):
        toks.append(lt_ref[t])
    toks[10] = toks[10] + gat_ref[...]
    x0 = _tf_block_cls(toks, tf, bm_ref[...], o1_ref[...])
    c = jnp.maximum(x0, 0.0) @ cls_w_ref[...] + cls_b_ref[...]
    y = jnp.maximum(_lnorm_p(c, fg_ref[...], fb_ref[...], o1_ref[...]), 0.0)
    out_ref[...] = (y * fw_ref[...]) @ hs_ref[...] + fb2_ref[...]



_R = 1024


def _run_table0(body, xc, xn2, sel, emb_p, layer_p, extra, n_tok, out_shape, out_spec,
                out_dtype=jnp.float32):
    r2 = _R // 2
    nrows2 = xn2.shape[0]
    ncat = xc.shape[0]
    grid = (nrows2 // r2,)
    nw = jnp.concatenate([emb_p["num_w"], emb_p["num_w"]], axis=1)
    nb = jnp.concatenate([emb_p["num_b"], emb_p["num_b"]], axis=1)
    ops = [xc, xn2, jnp.asarray(sel), nw, nb, _dup(layer_p["cls_token"])]
    ops += _tf_params(layer_p["transformer"])
    ops += extra
    ops += [jnp.asarray(_BM2_NP).astype(_BF), jnp.asarray(_O1_NP)]
    in_specs = [
        pl.BlockSpec((ncat, r2, PD), lambda i: (0, i, 0)),
        pl.BlockSpec((r2, xn2.shape[1]), lambda i: (i, 0)),
    ] + [_full_spec(x) for x in ops[2:]]
    return pl.pallas_call(
        body,
        grid=grid,
        in_specs=in_specs,
        out_specs=out_spec,
        out_shape=jax.ShapeDtypeStruct(out_shape, out_dtype),
    )(*ops)


def _run_order1(lt, gat2, layer_p, fin):
    r2 = _R // 2
    nrows2 = gat2.shape[0]
    grid = (nrows2 // r2,)
    ops = [lt, gat2, _dup(layer_p["cls_token"])]
    ops += _tf_params(layer_p["transformer"])
    ops += [_bd2(layer_p["cls_w"]), _dup(layer_p["cls_b"])]
    ops += fin
    ops += [jnp.asarray(_BM2_NP).astype(_BF), jnp.asarray(_O1_NP), jnp.asarray(_HS_NP)]
    in_specs = [
        pl.BlockSpec((lt.shape[0], r2, PD), lambda i: (0, i, 0)),
        pl.BlockSpec((r2, PD), lambda i: (i, 0)),
    ] + [_full_spec(x) for x in ops[2:]]
    return pl.pallas_call(
        _order1_body,
        grid=grid,
        in_specs=in_specs,
        out_specs=pl.BlockSpec((r2, 2), lambda i: (i, 0)),
        out_shape=jax.ShapeDtypeStruct((nrows2, 2), jnp.float32),
    )(*ops)


def kernel(user_categ, user_numer, order_categ, order_numer, fk_order_user, params):
    p = params
    n_user = user_categ.shape[0]
    n_order = order_categ.shape[0]

    _CARD = 100
    off_u = _col_offsets(_USER_CATS)
    off_o = _col_offsets(_ORDER_CATS)
    tab_u = jnp.concatenate(
        [lax.slice_in_dim(p["embedder"]["user"]["categ_embeds"], int(o), int(o) + _CARD)
         for o in off_u], axis=0)
    tab_o = jnp.concatenate(
        [lax.slice_in_dim(p["embedder"]["order"]["categ_embeds"], int(o), int(o) + _CARD)
         for o in off_o], axis=0)
    col_u = jnp.asarray(np.arange(4, dtype=np.int32) * _CARD)
    col_o = jnp.asarray(np.arange(3, dtype=np.int32) * _CARD)
    idx_u = (user_categ + col_u[None, :]).T.reshape(-1)
    idx_o = (order_categ + col_o[None, :]).T.reshape(-1)

    emb_u = _gather_rows(tab_u, idx_u)
    xc_u = emb_u.reshape(4, n_user // 2, PD)
    emb_o = _gather_rows(tab_o, idx_o)
    xc_o = emb_o.reshape(3, n_order // 2, PD)

    pu0 = p["layers"][0]["user"]
    po0 = p["layers"][0]["order"]
    po1 = p["layers"][1]["order"]

    r2 = _R // 2
    user_cls = _run_table0(
        _user_body, xc_u, user_numer.reshape(n_user // 2, 8), _sel_np(4),
        p["embedder"]["user"], pu0,
        [_bd2(pu0["cls_w"]).astype(_BF), _dup(pu0["cls_b"])],
        9, (n_user // 2, PD), pl.BlockSpec((r2, PD), lambda i: (i, 0)))
    user_cls = user_cls.reshape(n_user, DIM)

    logits = _run_table0(
        _order0_body, xc_o, order_numer.reshape(n_order // 2, 12), _sel_np(6),
        p["embedder"]["order"], po0,
        [_dup(po0["lg_g"]), _dup(po0["lg_b"]),
         _bd2(po0["log_w"]).astype(_BF), _dup(po0["log_b"])],
        10, (10, n_order // 2, PD),
        pl.BlockSpec((10, r2, PD), lambda i: (0, i, 0)), out_dtype=_BF)

    gat = _gather_rows(user_cls, fk_order_user)

    fin = [_dup(p["final_ln_g"]), _dup(p["final_ln_b"]),
           _dup(p["final_w"]), _dup(p["final_b"]).reshape(1, 2)]
    out2 = _run_order1(logits, gat.reshape(n_order // 2, PD), po1, fin)
    return out2.reshape(n_order, 1)

# --- scband reference (transcript-rebuilt; emitter-appended) ---
"""Pipeline reference for scband-dbtransformer-90383291777371 (READ-ONLY COPY).

The authoritative reference and input builder live on the scoring server;
editing this copy changes nothing except your own understanding.
"""

import jax, jax.numpy as jnp
import numpy as np

DIM = 64
HEADS = 4
DIM_HEAD = 16
LAYERS = 2
DIM_OUT = 1
NUM_SPECIAL = 2
N_USER = 8192
N_ORDER = 16384
TABLES = [
    {"name": "user", "categories": [100000, 50000, 1000, 100], "num_continuous": 4, "keys": []},
    {"name": "order", "categories": [200000, 5000, 100], "num_continuous": 6, "keys": [("user", "user_id")]},
]
OUTPUT_TABLE = "order"

def _make_offsets(categories):
    arr = np.concatenate([[NUM_SPECIAL], np.asarray(categories[:-1])]).cumsum()
    return jnp.asarray(arr, dtype=jnp.int32)

OFFSETS = {t["name"]: _make_offsets(t["categories"]) for t in TABLES}

def _ln(x, g, b, eps=1e-5):
    mu = jnp.mean(x, axis=-1, keepdims=True)
    var = jnp.var(x, axis=-1, keepdims=True)
    return (x - mu) / jnp.sqrt(var + eps) * g + b

def _attention(x, p):
    h = _ln(x, p["ln_g"], p["ln_b"])
    B, N, _ = x.shape
    def split(t):
        return t.reshape(B, N, HEADS, DIM_HEAD).transpose(0, 2, 1, 3)
    q = split(h @ p["wq"])
    k = split(h @ p["wk"])
    v = split(h @ p["wv"])
    att = jax.nn.softmax(jnp.einsum("bhid,bhjd->bhij", q, k) * (DIM_HEAD ** -0.5), axis=-1)
    o = jnp.einsum("bhij,bhjd->bhid", att, v).transpose(0, 2, 1, 3).reshape(B, N, HEADS * DIM_HEAD)
    return o @ p["wo"]

def _ff(x, p):
    h = _ln(x, p["ln_g"], p["ln_b"])
    h = jax.nn.gelu(h @ p["w1"] + p["b1"])
    return h @ p["w2"] + p["b2"]

def _transformer(x, p):
    x = x + _attention(x, p["attn"])
    x = x + _ff(x, p["ff"])
    return x

def _simple_table_transformer(x, p):
    b = x.shape[0]
    cls = jnp.broadcast_to(p["cls_token"], (b, 1, DIM))
    x = jnp.concatenate([cls, x], axis=1)
    x = _transformer(x, p["transformer"])
    xs = x[:, 0]
    cls_out = jax.nn.relu(xs) @ p["cls_w"] + p["cls_b"]
    logits = jax.nn.relu(_ln(x, p["lg_g"], p["lg_b"])) @ p["log_w"] + p["log_b"]
    return cls_out, logits

def _embed_columns(x_categ, x_numer, p, offsets):
    xc = jnp.take(p["categ_embeds"], x_categ + offsets[None, :], axis=0)
    xn = x_numer[..., None] * p["num_w"] + p["num_b"]
    return jnp.concatenate([xc, xn], axis=1)

def _db_forward(user_categ, user_numer, order_categ, order_numer, fk_order_user, params):
    cat_in = {"user": user_categ, "order": order_categ}
    num_in = {"user": user_numer, "order": order_numer}
    fkeys = {"user": [], "order": [fk_order_user]}
    xs = {}
    for t in TABLES:
        n = t["name"]
        xs[n] = (0, _embed_columns(cat_in[n], num_in[n], params["embedder"][n], OFFSETS[n]))
    for li in range(LAYERS):
        new_xs = {}
        for t in TABLES:
            n = t["name"]
            new_xs[n] = _simple_table_transformer(xs[n][1], params["layers"][li][n])
        xs = new_xs
        for t in TABLES:
            n = t["name"]
            for index, (foreign, key) in enumerate(zip(fkeys[n], t["keys"])):
                cls_out, w = xs[n]
                upd = jnp.take(xs[key[0]][0], foreign, axis=0) + w[:, -(index + 1), :]
                w = w.at[:, -(index + 1), :].set(upd)
                xs[n] = (cls_out, w)
    x = xs[OUTPUT_TABLE][0]
    x = jax.nn.relu(_ln(x, params["final_ln_g"], params["final_ln_b"]))
    return x @ params["final_w"] + params["final_b"]

def setup_inputs(seed: int = 0):
    key = jax.random.key(seed)
    rng = np.random.default_rng(0)
    def nrm(shape, scale=0.02):
        return jnp.asarray(rng.standard_normal(shape).astype(np.float32) * scale)
    k1, k2, k3, k4, k5 = jax.random.split(key, 5)
    user_categ = jax.random.randint(k1, (N_USER, 4), 0, 100, dtype=jnp.int32)
    user_numer = jax.random.normal(k2, (N_USER, 4), dtype=jnp.float32)
    order_categ = jax.random.randint(k3, (N_ORDER, 3), 0, 100, dtype=jnp.int32)
    order_numer = jax.random.normal(k4, (N_ORDER, 6), dtype=jnp.float32)
    fk_order_user = jax.random.randint(k5, (N_ORDER,), 0, N_USER, dtype=jnp.int32)
    params = {"embedder": {}, "layers": []}
    for t in TABLES:
        total = sum(t["categories"]) + NUM_SPECIAL + 10
        params["embedder"][t["name"]] = {
            "categ_embeds": nrm((total, DIM)),
            "num_w": nrm((t["num_continuous"], DIM), 1.0),
            "num_b": nrm((t["num_continuous"], DIM), 1.0),
        }
    for _ in range(LAYERS):
        lp = {}
        for t in TABLES:
            lp[t["name"]] = {
                "cls_token": nrm((1, 1, DIM), 1.0),
                "transformer": {
                    "attn": {"ln_g": jnp.ones((DIM,), jnp.float32), "ln_b": jnp.zeros((DIM,), jnp.float32), "wq": nrm((DIM, HEADS * DIM_HEAD)), "wk": nrm((DIM, HEADS * DIM_HEAD)), "wv": nrm((DIM, HEADS * DIM_HEAD)), "wo": nrm((HEADS * DIM_HEAD, DIM))},
                    "ff": {"ln_g": jnp.ones((DIM,), jnp.float32), "ln_b": jnp.zeros((DIM,), jnp.float32), "w1": nrm((DIM, 4 * DIM)), "b1": jnp.zeros((4 * DIM,), jnp.float32), "w2": nrm((4 * DIM, DIM)), "b2": jnp.zeros((DIM,), jnp.float32)},
                },
                "cls_w": nrm((DIM, DIM)), "cls_b": jnp.zeros((DIM,), jnp.float32),
                "lg_g": jnp.ones((DIM,), jnp.float32), "lg_b": jnp.zeros((DIM,), jnp.float32),
                "log_w": nrm((DIM, DIM)), "log_b": jnp.zeros((DIM,), jnp.float32),
            }
        params["layers"].append(lp)
    params["final_ln_g"] = jnp.ones((DIM,), jnp.float32)
    params["final_ln_b"] = jnp.zeros((DIM,), jnp.float32)
    params["final_w"] = nrm((DIM, DIM_OUT))
    params["final_b"] = jnp.zeros((DIM_OUT,), jnp.float32)
    return {"user_categ": user_categ, "user_numer": user_numer, "order_categ": order_categ, "order_numer": order_numer, "fk_order_user": fk_order_user, "params": params}

def reference(user_categ, user_numer, order_categ, order_numer, fk_order_user, params):
    return _db_forward(user_categ, user_numer, order_categ, order_numer, fk_order_user, params)

if __name__ == "__main__":
    import jax
    _d = setup_inputs()
    print(jax.jit(kernel)(*tuple(_d.values())))

</pallas_src>

<mosaic_0001>
#map = affine_map<(d0, d1) -> (0, 0)>
module attributes {stable_mosaic.version = 14 : i64} {
  func.func @k(%arg0: i32, %arg1: i32, %arg2: memref<8192x64xf32, #tpu.memory_space<hbm>>, %arg3: memref<128x128xi32, #tpu.memory_space<hbm>>, %arg4: memref<16384x64xf32, #tpu.memory_space<hbm>>, %arg5: memref<4x128xi32, #tpu.memory_space<vmem>>, %arg6: memref<512x64xf32, #tpu.memory_space<vmem>>, %arg7: memref<!tpu.dma_semaphore, #tpu.memory_space<semaphore_mem>>) attributes {dimension_semantics = [#tpu.dimension_semantics<core_parallel>, #tpu.dimension_semantics<subcore_parallel>], iteration_bounds = array<i64: 2, 16>, scalar_prefetch = 0 : i64, scratch_operands = 3 : i64, tpu.core_type = #tpu.core_type<sc_vector_subcore>, window_params = [{transform_indices = #map}, {transform_indices = #map}, {transform_indices = #map}]} {
    %mul3A = arith.constant 2 : i32
    %mul3A_0 = arith.muli %arg1, %mul3A : i32
    %add3A = arith.addi %mul3A_0, %arg0 : i32
    %mul3A_1 = arith.constant 512 : i32
    %mul3A_2 = arith.muli %add3A, %mul3A_1 : i32
    %mul3A_3 = arith.constant 4 : i32
    %mul3A_4 = arith.muli %add3A, %mul3A_3 : i32
    "tpu.region"() ({
      %run_scoped3A = tpu.sem_alloc : memref<!tpu.dma_semaphore, #tpu.memory_space<semaphore_mem>>
      %dma_start3A_83 = arith.constant 0 : i32
      %dma_start3A_84 = tpu.memref_slice %arg3[%mul3A_4, %dma_start3A_83] : memref<128x128xi32, #tpu.memory_space<hbm>> -> memref<4x128xi32, #tpu.memory_space<hbm>>
      %dma_start3A_85 = arith.constant 0 : i32
      %dma_start3A_86 = tpu.memref_slice %arg3[%mul3A_4, %dma_start3A_85] : memref<128x128xi32, #tpu.memory_space<hbm>> -> memref<4x128xi32, #tpu.memory_space<hbm>>
      tpu.enqueue_dma source(%dma_start3A_86 : memref<4x128xi32, #tpu.memory_space<hbm>>) target(%arg5 : memref<4x128xi32, #tpu.memory_space<vmem>>) target_semaphore(%run_scoped3A : memref<!tpu.dma_semaphore, #tpu.memory_space<semaphore_mem>>)
      %dma_wait3A_87 = arith.constant 0 : i32
      %dma_wait3A_88 = tpu.memref_slice %arg3[%mul3A_4, %dma_wait3A_87] : memref<128x128xi32, #tpu.memory_space<hbm>> -> memref<4x128xi32, #tpu.memory_space<hbm>>
      %dma_wait3A_89 = arith.constant 0 : i32
      %dma_wait3A_90 = tpu.memref_slice %arg3[%mul3A_4, %dma_wait3A_89] : memref<128x128xi32, #tpu.memory_space<hbm>> -> memref<4x128xi32, #tpu.memory_space<hbm>>
      tpu.wait_dma2 semaphore(%run_scoped3A : memref<!tpu.dma_semaphore, #tpu.memory_space<semaphore_mem>>) src(%dma_wait3A_90 : memref<4x128xi32, #tpu.memory_space<hbm>>) dst(%arg5 : memref<4x128xi32, #tpu.memory_space<vmem>>)
      tpu.yield
    }) : () -> ()
    %dma_start3A = arith.constant 0 : i32
    %dma_start3A_5 = arith.constant 0 : i32
    %dma_start3A_6 = arith.constant 0 : i32
    %dma_start3A_7 = tpu.memref_slice %arg6[%dma_start3A_5, %dma_start3A_6] : memref<512x64xf32, #tpu.memory_space<vmem>> -> memref<128x64xf32, #tpu.memory_space<vmem>>
    %dma_start3A_8 = arith.constant 0 : i32
    %dma_start3A_9 = tpu.memref_slice %arg5[%dma_start3A, %dma_start3A_8] : memref<4x128xi32, #tpu.memory_space<vmem>> -> memref<1x128xi32, #tpu.memory_space<vmem>>
    %dma_start3A_10 = tpu.memref_squeeze %dma_start3A_9 : memref<1x128xi32, #tpu.memory_space<vmem>> -> memref<128xi32, #tpu.memory_space<vmem>>
    %dma_start3A_11 = arith.constant 0 : i32
    %dma_start3A_12 = arith.constant 0 : i32
    %dma_start3A_13 = tpu.memref_slice %arg2[%dma_start3A_11, %dma_start3A_12] : memref<8192x64xf32, #tpu.memory_space<hbm>> -> memref<8192x64xf32, #tpu.memory_space<hbm>>
    tpu.enqueue_indirect_dma source(%dma_start3A_13 : memref<8192x64xf32, #tpu.memory_space<hbm>>) target(%dma_start3A_7 : memref<128x64xf32, #tpu.memory_space<vmem>>) offsets(%dma_start3A_10 : memref<128xi32, #tpu.memory_space<vmem>>) semaphore(%arg7 : memref<!tpu.dma_semaphore, #tpu.memory_space<semaphore_mem>>)
    %dma_start3A_14 = arith.constant 1 : i32
    %dma_start3A_15 = arith.constant 128 : i32
    %dma_start3A_16 = arith.constant 0 : i32
    %dma_start3A_17 = tpu.memref_slice %arg6[%dma_start3A_15, %dma_start3A_16] : memref<512x64xf32, #tpu.memory_space<vmem>> -> memref<128x64xf32, #tpu.memory_space<vmem>>
    %dma_start3A_18 = arith.constant 0 : i32
    %dma_start3A_19 = tpu.memref_slice %arg5[%dma_start3A_14, %dma_start3A_18] : memref<4x128xi32, #tpu.memory_space<vmem>> -> memref<1x128xi32, #tpu.memory_space<vmem>>
    %dma_start3A_20 = tpu.memref_squeeze %dma_start3A_19 : memref<1x128xi32, #tpu.memory_space<vmem>> -> memref<128xi32, #tpu.memory_space<vmem>>
    %dma_start3A_21 = arith.constant 0 : i32
    %dma_start3A_22 = arith.constant 0 : i32
    %dma_start3A_23 = tpu.memref_slice %arg2[%dma_start3A_21, %dma_start3A_22] : memref<8192x64xf32, #tpu.memory_space<hbm>> -> memref<8192x64xf32, #tpu.memory_space<hbm>>
    tpu.enqueue_indirect_dma source(%dma_start3A_23 : memref<8192x64xf32, #tpu.memory_space<hbm>>) target(%dma_start3A_17 : memref<128x64xf32, #tpu.memory_space<vmem>>) offsets(%dma_start3A_20 : memref<128xi32, #tpu.memory_space<vmem>>) semaphore(%arg7 : memref<!tpu.dma_semaphore, #tpu.memory_space<semaphore_mem>>)
    %dma_start3A_24 = arith.constant 2 : i32
    %dma_start3A_25 = arith.constant 256 : i32
    %dma_start3A_26 = arith.constant 0 : i32
    %dma_start3A_27 = tpu.memref_slice %arg6[%dma_start3A_25, %dma_start3A_26] : memref<512x64xf32, #tpu.memory_space<vmem>> -> memref<128x64xf32, #tpu.memory_space<vmem>>
    %dma_start3A_28 = arith.constant 0 : i32
    %dma_start3A_29 = tpu.memref_slice %arg5[%dma_start3A_24, %dma_start3A_28] : memref<4x128xi32, #tpu.memory_space<vmem>> -> memref<1x128xi32, #tpu.memory_space<vmem>>
    %dma_start3A_30 = tpu.memref_squeeze %dma_start3A_29 : memref<1x128xi32, #tpu.memory_space<vmem>> -> memref<128xi32, #tpu.memory_space<vmem>>
    %dma_start3A_31 = arith.constant 0 : i32
    %dma_start3A_32 = arith.constant 0 : i32
    %dma_start3A_33 = tpu.memref_slice %arg2[%dma_start3A_31, %dma_start3A_32] : memref<8192x64xf32, #tpu.memory_space<hbm>> -> memref<8192x64xf32, #tpu.memory_space<hbm>>
    tpu.enqueue_indirect_dma source(%dma_start3A_33 : memref<8192x64xf32, #tpu.memory_space<hbm>>) target(%dma_start3A_27 : memref<128x64xf32, #tpu.memory_space<vmem>>) offsets(%dma_start3A_30 : memref<128xi32, #tpu.memory_space<vmem>>) semaphore(%arg7 : memref<!tpu.dma_semaphore, #tpu.memory_space<semaphore_mem>>)
    %dma_start3A_34 = arith.constant 3 : i32
    %dma_start3A_35 = arith.constant 384 : i32
    %dma_start3A_36 = arith.constant 0 : i32
    %dma_start3A_37 = tpu.memref_slice %arg6[%dma_start3A_35, %dma_start3A_36] : memref<512x64xf32, #tpu.memory_space<vmem>> -> memref<128x64xf32, #tpu.memory_space<vmem>>
    %dma_start3A_38 = arith.constant 0 : i32
    %dma_start3A_39 = tpu.memref_slice %arg5[%dma_start3A_34, %dma_start3A_38] : memref<4x128xi32, #tpu.memory_space<vmem>> -> memref<1x128xi32, #tpu.memory_space<vmem>>
    %dma_start3A_40 = tpu.memref_squeeze %dma_start3A_39 : memref<1x128xi32, #tpu.memory_space<vmem>> -> memref<128xi32, #tpu.memory_space<vmem>>
    %dma_start3A_41 = arith.constant 0 : i32
    %dma_start3A_42 = arith.constant 0 : i32
    %dma_start3A_43 = tpu.memref_slice %arg2[%dma_start3A_41, %dma_start3A_42] : memref<8192x64xf32, #tpu.memory_space<hbm>> -> memref<8192x64xf32, #tpu.memory_space<hbm>>
    tpu.enqueue_indirect_dma source(%dma_start3A_43 : memref<8192x64xf32, #tpu.memory_space<hbm>>) target(%dma_start3A_37 : memref<128x64xf32, #tpu.memory_space<vmem>>) offsets(%dma_start3A_40 : memref<128xi32, #tpu.memory_space<vmem>>) semaphore(%arg7 : memref<!tpu.dma_semaphore, #tpu.memory_space<semaphore_mem>>)
    %dma_wait3A = arith.constant 0 : i32
    %dma_wait3A_44 = arith.constant 0 : i32
    %dma_wait3A_45 = arith.constant 0 : i32
    %dma_wait3A_46 = tpu.memref_slice %arg6[%dma_wait3A_44, %dma_wait3A_45] : memref<512x64xf32, #tpu.memory_space<vmem>> -> memref<128x64xf32, #tpu.memory_space<vmem>>
    %dma_wait3A_47 = arith.constant 0 : i32
    %dma_wait3A_48 = tpu.memref_slice %arg5[%dma_wait3A, %dma_wait3A_47] : memref<4x128xi32, #tpu.memory_space<vmem>> -> memref<1x128xi32, #tpu.memory_space<vmem>>
    %dma_wait3A_49 = tpu.memref_squeeze %dma_wait3A_48 : memref<1x128xi32, #tpu.memory_space<vmem>> -> memref<128xi32, #tpu.memory_space<vmem>>
    %dma_wait3A_50 = arith.constant 0 : i32
    %dma_wait3A_51 = arith.constant 0 : i32
    %dma_wait3A_52 = tpu.memref_slice %arg2[%dma_wait3A_50, %dma_wait3A_51] : memref<8192x64xf32, #tpu.memory_space<hbm>> -> memref<8192x64xf32, #tpu.memory_space<hbm>>
    tpu.wait_indirect_dma semaphore(%arg7 : memref<!tpu.dma_semaphore, #tpu.memory_space<semaphore_mem>>) src(%dma_wait3A_52 : memref<8192x64xf32, #tpu.memory_space<hbm>>) dst(%dma_wait3A_46 : memref<128x64xf32, #tpu.memory_space<vmem>>)
    %dma_wait3A_53 = arith.constant 1 : i32
    %dma_wait3A_54 = arith.constant 128 : i32
    %dma_wait3A_55 = arith.constant 0 : i32
    %dma_wait3A_56 = tpu.memref_slice %arg6[%dma_wait3A_54, %dma_wait3A_55] : memref<512x64xf32, #tpu.memory_space<vmem>> -> memref<128x64xf32, #tpu.memory_space<vmem>>
    %dma_wait3A_57 = arith.constant 0 : i32
    %dma_wait3A_58 = tpu.memref_slice %arg5[%dma_wait3A_53, %dma_wait3A_57] : memref<4x128xi32, #tpu.memory_space<vmem>> -> memref<1x128xi32, #tpu.memory_space<vmem>>
    %dma_wait3A_59 = tpu.memref_squeeze %dma_wait3A_58 : memref<1x128xi32, #tpu.memory_space<vmem>> -> memref<128xi32, #tpu.memory_space<vmem>>
    %dma_wait3A_60 = arith.constant 0 : i32
    %dma_wait3A_61 = arith.constant 0 : i32
    %dma_wait3A_62 = tpu.memref_slice %arg2[%dma_wait3A_60, %dma_wait3A_61] : memref<8192x64xf32, #tpu.memory_space<hbm>> -> memref<8192x64xf32, #tpu.memory_space<hbm>>
    tpu.wait_indirect_dma semaphore(%arg7 : memref<!tpu.dma_semaphore, #tpu.memory_space<semaphore_mem>>) src(%dma_wait3A_62 : memref<8192x64xf32, #tpu.memory_space<hbm>>) dst(%dma_wait3A_56 : memref<128x64xf32, #tpu.memory_space<vmem>>)
    %dma_wait3A_63 = arith.constant 2 : i32
    %dma_wait3A_64 = arith.constant 256 : i32
    %dma_wait3A_65 = arith.constant 0 : i32
    %dma_wait3A_66 = tpu.memref_slice %arg6[%dma_wait3A_64, %dma_wait3A_65] : memref<512x64xf32, #tpu.memory_space<vmem>> -> memref<128x64xf32, #tpu.memory_space<vmem>>
    %dma_wait3A_67 = arith.constant 0 : i32
    %dma_wait3A_68 = tpu.memref_slice %arg5[%dma_wait3A_63, %dma_wait3A_67] : memref<4x128xi32, #tpu.memory_space<vmem>> -> memref<1x128xi32, #tpu.memory_space<vmem>>
    %dma_wait3A_69 = tpu.memref_squeeze %dma_wait3A_68 : memref<1x128xi32, #tpu.memory_space<vmem>> -> memref<128xi32, #tpu.memory_space<vmem>>
    %dma_wait3A_70 = arith.constant 0 : i32
    %dma_wait3A_71 = arith.constant 0 : i32
    %dma_wait3A_72 = tpu.memref_slice %arg2[%dma_wait3A_70, %dma_wait3A_71] : memref<8192x64xf32, #tpu.memory_space<hbm>> -> memref<8192x64xf32, #tpu.memory_space<hbm>>
    tpu.wait_indirect_dma semaphore(%arg7 : memref<!tpu.dma_semaphore, #tpu.memory_space<semaphore_mem>>) src(%dma_wait3A_72 : memref<8192x64xf32, #tpu.memory_space<hbm>>) dst(%dma_wait3A_66 : memref<128x64xf32, #tpu.memory_space<vmem>>)
    %dma_wait3A_73 = arith.constant 3 : i32
    %dma_wait3A_74 = arith.constant 384 : i32
    %dma_wait3A_75 = arith.constant 0 : i32
    %dma_wait3A_76 = tpu.memref_slice %arg6[%dma_wait3A_74, %dma_wait3A_75] : memref<512x64xf32, #tpu.memory_space<vmem>> -> memref<128x64xf32, #tpu.memory_space<vmem>>
    %dma_wait3A_77 = arith.constant 0 : i32
    %dma_wait3A_78 = tpu.memref_slice %arg5[%dma_wait3A_73, %dma_wait3A_77] : memref<4x128xi32, #tpu.memory_space<vmem>> -> memref<1x128xi32, #tpu.memory_space<vmem>>
    %dma_wait3A_79 = tpu.memref_squeeze %dma_wait3A_78 : memref<1x128xi32, #tpu.memory_space<vmem>> -> memref<128xi32, #tpu.memory_space<vmem>>
    %dma_wait3A_80 = arith.constant 0 : i32
    %dma_wait3A_81 = arith.constant 0 : i32
    %dma_wait3A_82 = tpu.memref_slice %arg2[%dma_wait3A_80, %dma_wait3A_81] : memref<8192x64xf32, #tpu.memory_space<hbm>> -> memref<8192x64xf32, #tpu.memory_space<hbm>>
    tpu.wait_indirect_dma semaphore(%arg7 : memref<!tpu.dma_semaphore, #tpu.memory_space<semaphore_mem>>) src(%dma_wait3A_82 : memref<8192x64xf32, #tpu.memory_space<hbm>>) dst(%dma_wait3A_76 : memref<128x64xf32, #tpu.memory_space<vmem>>)
    "tpu.region"() ({
      %run_scoped3A = tpu.sem_alloc : memref<!tpu.dma_semaphore, #tpu.memory_space<semaphore_mem>>
      %dma_start3A_83 = arith.constant 0 : i32
      %dma_start3A_84 = tpu.memref_slice %arg4[%mul3A_2, %dma_start3A_83] : memref<16384x64xf32, #tpu.memory_space<hbm>> -> memref<512x64xf32, #tpu.memory_space<hbm>>
      %dma_start3A_85 = arith.constant 0 : i32
      %dma_start3A_86 = tpu.memref_slice %arg4[%mul3A_2, %dma_start3A_85] : memref<16384x64xf32, #tpu.memory_space<hbm>> -> memref<512x64xf32, #tpu.memory_space<hbm>>
      tpu.enqueue_dma source(%arg6 : memref<512x64xf32, #tpu.memory_space<vmem>>) target(%dma_start3A_86 : memref<512x64xf32, #tpu.memory_space<hbm>>) target_semaphore(%run_scoped3A : memref<!tpu.dma_semaphore, #tpu.memory_space<semaphore_mem>>)
      %dma_wait3A_87 = arith.constant 0 : i32
      %dma_wait3A_88 = tpu.memref_slice %arg4[%mul3A_2, %dma_wait3A_87] : memref<16384x64xf32, #tpu.memory_space<hbm>> -> memref<512x64xf32, #tpu.memory_space<hbm>>
      %dma_wait3A_89 = arith.constant 0 : i32
      %dma_wait3A_90 = tpu.memref_slice %arg4[%mul3A_2, %dma_wait3A_89] : memref<16384x64xf32, #tpu.memory_space<hbm>> -> memref<512x64xf32, #tpu.memory_space<hbm>>
      tpu.wait_dma2 semaphore(%run_scoped3A : memref<!tpu.dma_semaphore, #tpu.memory_space<semaphore_mem>>) src(%arg6 : memref<512x64xf32, #tpu.memory_space<vmem>>) dst(%dma_wait3A_90 : memref<512x64xf32, #tpu.memory_space<hbm>>)
      tpu.yield
    }) : () -> ()
    return
  }
}

#map = affine_map<(d0, d1) -> (0, 0)>
module attributes {stable_mosaic.version = 14 : i64} {
  func.func @k(%arg0: i32, %arg1: i32, %arg2: memref<400x64xf32, #tpu.memory_space<hbm>>, %arg3: memref<256x128xi32, #tpu.memory_space<hbm>>, %arg4: memref<32768x64xf32, #tpu.memory_space<hbm>>, %arg5: memref<8x128xi32, #tpu.memory_space<vmem>>, %arg6: memref<1024x64xf32, #tpu.memory_space<vmem>>, %arg7: memref<!tpu.dma_semaphore, #tpu.memory_space<semaphore_mem>>) attributes {dimension_semantics = [#tpu.dimension_semantics<core_parallel>, #tpu.dimension_semantics<subcore_parallel>], iteration_bounds = array<i64: 2, 16>, scalar_prefetch = 0 : i64, scratch_operands = 3 : i64, tpu.core_type = #tpu.core_type<sc_vector_subcore>, window_params = [{transform_indices = #map}, {transform_indices = #map}, {transform_indices = #map}]} {
    %mul3A = arith.constant 2 : i32
    %mul3A_0 = arith.muli %arg1, %mul3A : i32
    %add3A = arith.addi %mul3A_0, %arg0 : i32
    %mul3A_1 = arith.constant 1024 : i32
    %mul3A_2 = arith.muli %add3A, %mul3A_1 : i32
    %mul3A_3 = arith.constant 8 : i32
    %mul3A_4 = arith.muli %add3A, %mul3A_3 : i32
    "tpu.region"() ({
      %run_scoped3A = tpu.sem_alloc : memref<!tpu.dma_semaphore, #tpu.memory_space<semaphore_mem>>
      %dma_start3A_163 = arith.constant 0 : i32
      %dma_start3A_164 = tpu.memref_slice %arg3[%mul3A_4, %dma_start3A_163] : memref<256x128xi32, #tpu.memory_space<hbm>> -> memref<8x128xi32, #tpu.memory_space<hbm>>
      %dma_start3A_165 = arith.constant 0 : i32
      %dma_start3A_166 = tpu.memref_slice %arg3[%mul3A_4, %dma_start3A_165] : memref<256x128xi32, #tpu.memory_space<hbm>> -> memref<8x128xi32, #tpu.memory_space<hbm>>
      tpu.enqueue_dma source(%dma_start3A_166 : memref<8x128xi32, #tpu.memory_space<hbm>>) target(%arg5 : memref<8x128xi32, #tpu.memory_space<vmem>>) target_semaphore(%run_scoped3A : memref<!tpu.dma_semaphore, #tpu.memory_space<semaphore_mem>>)
      %dma_wait3A_167 = arith.constant 0 : i32
      %dma_wait3A_168 = tpu.memref_slice %arg3[%mul3A_4, %dma_wait3A_167] : memref<256x128xi32, #tpu.memory_space<hbm>> -> memref<8x128xi32, #tpu.memory_space<hbm>>
      %dma_wait3A_169 = arith.constant 0 : i32
      %dma_wait3A_170 = tpu.memref_slice %arg3[%mul3A_4, %dma_wait3A_169] : memref<256x128xi32, #tpu.memory_space<hbm>> -> memref<8x128xi32, #tpu.memory_space<hbm>>
      tpu.wait_dma2 semaphore(%run_scoped3A : memref<!tpu.dma_semaphore, #tpu.memory_space<semaphore_mem>>) src(%dma_wait3A_170 : memref<8x128xi32, #tpu.memory_space<hbm>>) dst(%arg5 : memref<8x128xi32, #tpu.memory_space<vmem>>)
      tpu.yield
    }) : () -> ()
    %dma_start3A = arith.constant 0 : i32
    %dma_start3A_5 = arith.constant 0 : i32
    %dma_start3A_6 = arith.constant 0 : i32
    %dma_start3A_7 = tpu.memref_slice %arg6[%dma_start3A_5, %dma_start3A_6] : memref<1024x64xf32, #tpu.memory_space<vmem>> -> memref<128x64xf32, #tpu.memory_space<vmem>>
    %dma_start3A_8 = arith.constant 0 : i32
    %dma_start3A_9 = tpu.memref_slice %arg5[%dma_start3A, %dma_start3A_8] : memref<8x128xi32, #tpu.memory_space<vmem>> -> memref<1x128xi32, #tpu.memory_space<vmem>>
    %dma_start3A_10 = tpu.memref_squeeze %dma_start3A_9 : memref<1x128xi32, #tpu.memory_space<vmem>> -> memref<128xi32, #tpu.memory_space<vmem>>
    %dma_start3A_11 = arith.constant 0 : i32
    %dma_start3A_12 = arith.constant 0 : i32
    %dma_start3A_13 = tpu.memref_slice %arg2[%dma_start3A_11, %dma_start3A_12] : memref<400x64xf32, #tpu.memory_space<hbm>> -> memref<400x64xf32, #tpu.memory_space<hbm>>
    tpu.enqueue_indirect_dma source(%dma_start3A_13 : memref<400x64xf32, #tpu.memory_space<hbm>>) target(%dma_start3A_7 : memref<128x64xf32, #tpu.memory_space<vmem>>) offsets(%dma_start3A_10 : memref<128xi32, #tpu.memory_space<vmem>>) semaphore(%arg7 : memref<!tpu.dma_semaphore, #tpu.memory_space<semaphore_mem>>)
    %dma_start3A_14 = arith.constant 1 : i32
    %dma_start3A_15 = arith.constant 128 : i32
    %dma_start3A_16 = arith.constant 0 : i32
    %dma_start3A_17 = tpu.memref_slice %arg6[%dma_start3A_15, %dma_start3A_16] : memref<1024x64xf32, #tpu.memory_space<vmem>> -> memref<128x64xf32, #tpu.memory_space<vmem>>
    %dma_start3A_18 = arith.constant 0 : i32
    %dma_start3A_19 = tpu.memref_slice %arg5[%dma_start3A_14, %dma_start3A_18] : memref<8x128xi32, #tpu.memory_space<vmem>> -> memref<1x128xi32, #tpu.memory_space<vmem>>
    %dma_start3A_20 = tpu.memref_squeeze %dma_start3A_19 : memref<1x128xi32, #tpu.memory_space<vmem>> -> memref<128xi32, #tpu.memory_space<vmem>>
    %dma_start3A_21 = arith.constant 0 : i32
    %dma_start3A_22 = arith.constant 0 : i32
    %dma_start3A_23 = tpu.memref_slice %arg2[%dma_start3A_21, %dma_start3A_22] : memref<400x64xf32, #tpu.memory_space<hbm>> -> memref<400x64xf32, #tpu.memory_space<hbm>>
    tpu.enqueue_indirect_dma source(%dma_start3A_23 : memref<400x64xf32, #tpu.memory_space<hbm>>) target(%dma_start3A_17 : memref<128x64xf32, #tpu.memory_space<vmem>>) offsets(%dma_start3A_20 : memref<128xi32, #tpu.memory_space<vmem>>) semaphore(%arg7 : memref<!tpu.dma_semaphore, #tpu.memory_space<semaphore_mem>>)
    %dma_start3A_24 = arith.constant 2 : i32
    %dma_start3A_25 = arith.constant 256 : i32
    %dma_start3A_26 = arith.constant 0 : i32
    %dma_start3A_27 = tpu.memref_slice %arg6[%dma_start3A_25, %dma_start3A_26] : memref<1024x64xf32, #tpu.memory_space<vmem>> -> memref<128x64xf32, #tpu.memory_space<vmem>>
    %dma_start3A_28 = arith.constant 0 : i32
    %dma_start3A_29 = tpu.memref_slice %arg5[%dma_start3A_24, %dma_start3A_28] : memref<8x128xi32, #tpu.memory_space<vmem>> -> memref<1x128xi32, #tpu.memory_space<vmem>>
    %dma_start3A_30 = tpu.memref_squeeze %dma_start3A_29 : memref<1x128xi32, #tpu.memory_space<vmem>> -> memref<128xi32, #tpu.memory_space<vmem>>
    %dma_start3A_31 = arith.constant 0 : i32
    %dma_start3A_32 = arith.constant 0 : i32
    %dma_start3A_33 = tpu.memref_slice %arg2[%dma_start3A_31, %dma_start3A_32] : memref<400x64xf32, #tpu.memory_space<hbm>> -> memref<400x64xf32, #tpu.memory_space<hbm>>
    tpu.enqueue_indirect_dma source(%dma_start3A_33 : memref<400x64xf32, #tpu.memory_space<hbm>>) target(%dma_start3A_27 : memref<128x64xf32, #tpu.memory_space<vmem>>) offsets(%dma_start3A_30 : memref<128xi32, #tpu.memory_space<vmem>>) semaphore(%arg7 : memref<!tpu.dma_semaphore, #tpu.memory_space<semaphore_mem>>)
    %dma_start3A_34 = arith.constant 3 : i32
    %dma_start3A_35 = arith.constant 384 : i32
    %dma_start3A_36 = arith.constant 0 : i32
    %dma_start3A_37 = tpu.memref_slice %arg6[%dma_start3A_35, %dma_start3A_36] : memref<1024x64xf32, #tpu.memory_space<vmem>> -> memref<128x64xf32, #tpu.memory_space<vmem>>
    %dma_start3A_38 = arith.constant 0 : i32
    %dma_start3A_39 = tpu.memref_slice %arg5[%dma_start3A_34, %dma_start3A_38] : memref<8x128xi32, #tpu.memory_space<vmem>> -> memref<1x128xi32, #tpu.memory_space<vmem>>
    %dma_start3A_40 = tpu.memref_squeeze %dma_start3A_39 : memref<1x128xi32, #tpu.memory_space<vmem>> -> memref<128xi32, #tpu.memory_space<vmem>>
    %dma_start3A_41 = arith.constant 0 : i32
    %dma_start3A_42 = arith.constant 0 : i32
    %dma_start3A_43 = tpu.memref_slice %arg2[%dma_start3A_41, %dma_start3A_42] : memref<400x64xf32, #tpu.memory_space<hbm>> -> memref<400x64xf32, #tpu.memory_space<hbm>>
    tpu.enqueue_indirect_dma source(%dma_start3A_43 : memref<400x64xf32, #tpu.memory_space<hbm>>) target(%dma_start3A_37 : memref<128x64xf32, #tpu.memory_space<vmem>>) offsets(%dma_start3A_40 : memref<128xi32, #tpu.memory_space<vmem>>) semaphore(%arg7 : memref<!tpu.dma_semaphore, #tpu.memory_space<semaphore_mem>>)
    %dma_start3A_44 = arith.constant 4 : i32
    %dma_start3A_45 = arith.constant 512 : i32
    %dma_start3A_46 = arith.constant 0 : i32
    %dma_start3A_47 = tpu.memref_slice %arg6[%dma_start3A_45, %dma_start3A_46] : memref<1024x64xf32, #tpu.memory_space<vmem>> -> memref<128x64xf32, #tpu.memory_space<vmem>>
    %dma_start3A_48 = arith.constant 0 : i32
    %dma_start3A_49 = tpu.memref_slice %arg5[%dma_start3A_44, %dma_start3A_48] : memref<8x128xi32, #tpu.memory_space<vmem>> -> memref<1x128xi32, #tpu.memory_space<vmem>>
    %dma_start3A_50 = tpu.memref_squeeze %dma_start3A_49 : memref<1x128xi32, #tpu.memory_space<vmem>> -> memref<128xi32, #tpu.memory_space<vmem>>
    %dma_start3A_51 = arith.constant 0 : i32
    %dma_start3A_52 = arith.constant 0 : i32
    %dma_start3A_53 = tpu.memref_slice %arg2[%dma_start3A_51, %dma_start3A_52] : memref<400x64xf32, #tpu.memory_space<hbm>> -> memref<400x64xf32, #tpu.memory_space<hbm>>
    tpu.enqueue_indirect_dma source(%dma_start3A_53 : memref<400x64xf32, #tpu.memory_space<hbm>>) target(%dma_start3A_47 : memref<128x64xf32, #tpu.memory_space<vmem>>) offsets(%dma_start3A_50 : memref<128xi32, #tpu.memory_space<vmem>>) semaphore(%arg7 : memref<!tpu.dma_semaphore, #tpu.memory_space<semaphore_mem>>)
    %dma_start3A_54 = arith.constant 5 : i32
    %dma_start3A_55 = arith.constant 640 : i32
    %dma_start3A_56 = arith.constant 0 : i32
    %dma_start3A_57 = tpu.memref_slice %arg6[%dma_start3A_55, %dma_start3A_56] : memref<1024x64xf32, #tpu.memory_space<vmem>> -> memref<128x64xf32, #tpu.memory_space<vmem>>
    %dma_start3A_58 = arith.constant 0 : i32
    %dma_start3A_59 = tpu.memref_slice %arg5[%dma_start3A_54, %dma_start3A_58] : memref<8x128xi32, #tpu.memory_space<vmem>> -> memref<1x128xi32, #tpu.memory_space<vmem>>
    %dma_start3A_60 = tpu.memref_squeeze %dma_start3A_59 : memref<1x128xi32, #tpu.memory_space<vmem>> -> memref<128xi32, #tpu.memory_space<vmem>>
    %dma_start3A_61 = arith.constant 0 : i32
    %dma_start3A_62 = arith.constant 0 : i32
    %dma_start3A_63 = tpu.memref_slice %arg2[%dma_start3A_61, %dma_start3A_62] : memref<400x64xf32, #tpu.memory_space<hbm>> -> memref<400x64xf32, #tpu.memory_space<hbm>>
    tpu.enqueue_indirect_dma source(%dma_start3A_63 : memref<400x64xf32, #tpu.memory_space<hbm>>) target(%dma_start3A_57 : memref<128x64xf32, #tpu.memory_space<vmem>>) offsets(%dma_start3A_60 : memref<128xi32, #tpu.memory_space<vmem>>) semaphore(%arg7 : memref<!tpu.dma_semaphore, #tpu.memory_space<semaphore_mem>>)
    %dma_start3A_64 = arith.constant 6 : i32
    %dma_start3A_65 = arith.constant 768 : i32
    %dma_start3A_66 = arith.constant 0 : i32
    %dma_start3A_67 = tpu.memref_slice %arg6[%dma_start3A_65, %dma_start3A_66] : memref<1024x64xf32, #tpu.memory_space<vmem>> -> memref<128x64xf32, #tpu.memory_space<vmem>>
    %dma_start3A_68 = arith.constant 0 : i32
    %dma_start3A_69 = tpu.memref_slice %arg5[%dma_start3A_64, %dma_start3A_68] : memref<8x128xi32, #tpu.memory_space<vmem>> -> memref<1x128xi32, #tpu.memory_space<vmem>>
    %dma_start3A_70 = tpu.memref_squeeze %dma_start3A_69 : memref<1x128xi32, #tpu.memory_space<vmem>> -> memref<128xi32, #tpu.memory_space<vmem>>
    %dma_start3A_71 = arith.constant 0 : i32
    %dma_start3A_72 = arith.constant 0 : i32
    %dma_start3A_73 = tpu.memref_slice %arg2[%dma_start3A_71, %dma_start3A_72] : memref<400x64xf32, #tpu.memory_space<hbm>> -> memref<400x64xf32, #tpu.memory_space<hbm>>
    tpu.enqueue_indirect_dma source(%dma_start3A_73 : memref<400x64xf32, #tpu.memory_space<hbm>>) target(%dma_start3A_67 : memref<128x64xf32, #tpu.memory_space<vmem>>) offsets(%dma_start3A_70 : memref<128xi32, #tpu.memory_space<vmem>>) semaphore(%arg7 : memref<!tpu.dma_semaphore, #tpu.memory_space<semaphore_mem>>)
    %dma_start3A_74 = arith.constant 7 : i32
    %dma_start3A_75 = arith.constant 896 : i32
    %dma_start3A_76 = arith.constant 0 : i32
    %dma_start3A_77 = tpu.memref_slice %arg6[%dma_start3A_75, %dma_start3A_76] : memref<1024x64xf32, #tpu.memory_space<vmem>> -> memref<128x64xf32, #tpu.memory_space<vmem>>
    %dma_start3A_78 = arith.constant 0 : i32
    %dma_start3A_79 = tpu.memref_slice %arg5[%dma_start3A_74, %dma_start3A_78] : memref<8x128xi32, #tpu.memory_space<vmem>> -> memref<1x128xi32, #tpu.memory_space<vmem>>
    %dma_start3A_80 = tpu.memref_squeeze %dma_start3A_79 : memref<1x128xi32, #tpu.memory_space<vmem>> -> memref<128xi32, #tpu.memory_space<vmem>>
    %dma_start3A_81 = arith.constant 0 : i32
    %dma_start3A_82 = arith.constant 0 : i32
    %dma_start3A_83 = tpu.memref_slice %arg2[%dma_start3A_81, %dma_start3A_82] : memref<400x64xf32, #tpu.memory_space<hbm>> -> memref<400x64xf32, #tpu.memory_space<hbm>>
    tpu.enqueue_indirect_dma source(%dma_start3A_83 : memref<400x64xf32, #tpu.memory_space<hbm>>) target(%dma_start3A_77 : memref<128x64xf32, #tpu.memory_space<vmem>>) offsets(%dma_start3A_80 : memref<128xi32, #tpu.memory_space<vmem>>) semaphore(%arg7 : memref<!tpu.dma_semaphore, #tpu.memory_space<semaphore_mem>>)
    %dma_wait3A = arith.constant 0 : i32
    %dma_wait3A_84 = arith.constant 0 : i32
    %dma_wait3A_85 = arith.constant 0 : i32
    %dma_wait3A_86 = tpu.memref_slice %arg6[%dma_wait3A_84, %dma_wait3A_85] : memref<1024x64xf32, #tpu.memory_space<vmem>> -> memref<128x64xf32, #tpu.memory_space<vmem>>
    %dma_wait3A_87 = arith.constant 0 : i32
    %dma_wait3A_88 = tpu.memref_slice %arg5[%dma_wait3A, %dma_wait3A_87] : memref<8x128xi32, #tpu.memory_space<vmem>> -> memref<1x128xi32, #tpu.memory_space<vmem>>
    %dma_wait3A_89 = tpu.memref_squeeze %dma_wait3A_88 : memref<1x128xi32, #tpu.memory_space<vmem>> -> memref<128xi32, #tpu.memory_space<vmem>>
    %dma_wait3A_90 = arith.constant 0 : i32
    %dma_wait3A_91 = arith.constant 0 : i32
    %dma_wait3A_92 = tpu.memref_slice %arg2[%dma_wait3A_90, %dma_wait3A_91] : memref<400x64xf32, #tpu.memory_space<hbm>> -> memref<400x64xf32, #tpu.memory_space<hbm>>
    tpu.wait_indirect_dma semaphore(%arg7 : memref<!tpu.dma_semaphore, #tpu.memory_space<semaphore_mem>>) src(%dma_wait3A_92 : memref<400x64xf32, #tpu.memory_space<hbm>>) dst(%dma_wait3A_86 : memref<128x64xf32, #tpu.memory_space<vmem>>)
    %dma_wait3A_93 = arith.constant 1 : i32
    %dma_wait3A_94 = arith.constant 128 : i32
    %dma_wait3A_95 = arith.constant 0 : i32
    %dma_wait3A_96 = tpu.memref_slice %arg6[%dma_wait3A_94, %dma_wait3A_95] : memref<1024x64xf32, #tpu.memory_space<vmem>> -> memref<128x64xf32, #tpu.memory_space<vmem>>
    %dma_wait3A_97 = arith.constant 0 : i32
    %dma_wait3A_98 = tpu.memref_slice %arg5[%dma_wait3A_93, %dma_wait3A_97] : memref<8x128xi32, #tpu.memory_space<vmem>> -> memref<1x128xi32, #tpu.memory_space<vmem>>
    %dma_wait3A_99 = tpu.memref_squeeze %dma_wait3A_98 : memref<1x128xi32, #tpu.memory_space<vmem>> -> memref<128xi32, #tpu.memory_space<vmem>>
    %dma_wait3A_100 = arith.constant 0 : i32
    %dma_wait3A_101 = arith.constant 0 : i32
    %dma_wait3A_102 = tpu.memref_slice %arg2[%dma_wait3A_100, %dma_wait3A_101] : memref<400x64xf32, #tpu.memory_space<hbm>> -> memref<400x64xf32, #tpu.memory_space<hbm>>
    tpu.wait_indirect_dma semaphore(%arg7 : memref<!tpu.dma_semaphore, #tpu.memory_space<semaphore_mem>>) src(%dma_wait3A_102 : memref<400x64xf32, #tpu.memory_space<hbm>>) dst(%dma_wait3A_96 : memref<128x64xf32, #tpu.memory_space<vmem>>)
    %dma_wait3A_103 = arith.constant 2 : i32
    %dma_wait3A_104 = arith.constant 256 : i32
    %dma_wait3A_105 = arith.constant 0 : i32
    %dma_wait3A_106 = tpu.memref_slice %arg6[%dma_wait3A_104, %dma_wait3A_105] : memref<1024x64xf32, #tpu.memory_space<vmem>> -> memref<128x64xf32, #tpu.memory_space<vmem>>
    %dma_wait3A_107 = arith.constant 0 : i32
    %dma_wait3A_108 = tpu.memref_slice %arg5[%dma_wait3A_103, %dma_wait3A_107] : memref<8x128xi32, #tpu.memory_space<vmem>> -> memref<1x128xi32, #tpu.memory_space<vmem>>
    %dma_wait3A_109 = tpu.memref_squeeze %dma_wait3A_108 : memref<1x128xi32, #tpu.memory_space<vmem>> -> memref<128xi32, #tpu.memory_space<vmem>>
    %dma_wait3A_110 = arith.constant 0 : i32
    %dma_wait3A_111 = arith.constant 0 : i32
    %dma_wait3A_112 = tpu.memref_slice %arg2[%dma_wait3A_110, %dma_wait3A_111] : memref<400x64xf32, #tpu.memory_space<hbm>> -> memref<400x64xf32, #tpu.memory_space<hbm>>
    tpu.wait_indirect_dma semaphore(%arg7 : memref<!tpu.dma_semaphore, #tpu.memory_space<semaphore_mem>>) src(%dma_wait3A_112 : memref<400x64xf32, #tpu.memory_space<hbm>>) dst(%dma_wait3A_106 : memref<128x64xf32, #tpu.memory_space<vmem>>)
    %dma_wait3A_113 = arith.constant 3 : i32
    %dma_wait3A_114 = arith.constant 384 : i32
    %dma_wait3A_115 = arith.constant 0 : i32
    %dma_wait3A_116 = tpu.memref_slice %arg6[%dma_wait3A_114, %dma_wait3A_115] : memref<1024x64xf32, #tpu.memory_space<vmem>> -> memref<128x64xf32, #tpu.memory_space<vmem>>
    %dma_wait3A_117 = arith.constant 0 : i32
    %dma_wait3A_118 = tpu.memref_slice %arg5[%dma_wait3A_113, %dma_wait3A_117] : memref<8x128xi32, #tpu.memory_space<vmem>> -> memref<1x128xi32, #tpu.memory_space<vmem>>
    %dma_wait3A_119 = tpu.memref_squeeze %dma_wait3A_118 : memref<1x128xi32, #tpu.memory_space<vmem>> -> memref<128xi32, #tpu.memory_space<vmem>>
    %dma_wait3A_120 = arith.constant 0 : i32
    %dma_wait3A_121 = arith.constant 0 : i32
    %dma_wait3A_122 = tpu.memref_slice %arg2[%dma_wait3A_120, %dma_wait3A_121] : memref<400x64xf32, #tpu.memory_space<hbm>> -> memref<400x64xf32, #tpu.memory_space<hbm>>
    tpu.wait_indirect_dma semaphore(%arg7 : memref<!tpu.dma_semaphore, #tpu.memory_space<semaphore_mem>>) src(%dma_wait3A_122 : memref<400x64xf32, #tpu.memory_space<hbm>>) dst(%dma_wait3A_116 : memref<128x64xf32, #tpu.memory_space<vmem>>)
    %dma_wait3A_123 = arith.constant 4 : i32
    %dma_wait3A_124 = arith.constant 512 : i32
    %dma_wait3A_125 = arith.constant 0 : i32
    %dma_wait3A_126 = tpu.memref_slice %arg6[%dma_wait3A_124, %dma_wait3A_125] : memref<1024x64xf32, #tpu.memory_space<vmem>> -> memref<128x64xf32, #tpu.memory_space<vmem>>
    %dma_wait3A_127 = arith.constant 0 : i32
    %dma_wait3A_128 = tpu.memref_slice %arg5[%dma_wait3A_123, %dma_wait3A_127] : memref<8x128xi32, #tpu.memory_space<vmem>> -> memref<1x128xi32, #tpu.memory_space<vmem>>
    %dma_wait3A_129 = tpu.memref_squeeze %dma_wait3A_128 : memref<1x128xi32, #tpu.memory_space<vmem>> -> memref<128xi32, #tpu.memory_space<vmem>>
    %dma_wait3A_130 = arith.constant 0 : i32
    %dma_wait3A_131 = arith.constant 0 : i32
    %dma_wait3A_132 = tpu.memref_slice %arg2[%dma_wait3A_130, %dma_wait3A_131] : memref<400x64xf32, #tpu.memory_space<hbm>> -> memref<400x64xf32, #tpu.memory_space<hbm>>
    tpu.wait_indirect_dma semaphore(%arg7 : memref<!tpu.dma_semaphore, #tpu.memory_space<semaphore_mem>>) src(%dma_wait3A_132 : memref<400x64xf32, #tpu.memory_space<hbm>>) dst(%dma_wait3A_126 : memref<128x64xf32, #tpu.memory_space<vmem>>)
    %dma_wait3A_133 = arith.constant 5 : i32
    %dma_wait3A_134 = arith.constant 640 : i32
    %dma_wait3A_135 = arith.constant 0 : i32
    %dma_wait3A_136 = tpu.memref_slice %arg6[%dma_wait3A_134, %dma_wait3A_135] : memref<1024x64xf32, #tpu.memory_space<vmem>> -> memref<128x64xf32, #tpu.memory_space<vmem>>
    %dma_wait3A_137 = arith.constant 0 : i32
    %dma_wait3A_138 = tpu.memref_slice %arg5[%dma_wait3A_133, %dma_wait3A_137] : memref<8x128xi32, #tpu.memory_space<vmem>> -> memref<1x128xi32, #tpu.memory_space<vmem>>
    %dma_wait3A_139 = tpu.memref_squeeze %dma_wait3A_138 : memref<1x128xi32, #tpu.memory_space<vmem>> -> memref<128xi32, #tpu.memory_space<vmem>>
    %dma_wait3A_140 = arith.constant 0 : i32
    %dma_wait3A_141 = arith.constant 0 : i32
    %dma_wait3A_142 = tpu.memref_slice %arg2[%dma_wait3A_140, %dma_wait3A_141] : memref<400x64xf32, #tpu.memory_space<hbm>> -> memref<400x64xf32, #tpu.memory_space<hbm>>
    tpu.wait_indirect_dma semaphore(%arg7 : memref<!tpu.dma_semaphore, #tpu.memory_space<semaphore_mem>>) src(%dma_wait3A_142 : memref<400x64xf32, #tpu.memory_space<hbm>>) dst(%dma_wait3A_136 : memref<128x64xf32, #tpu.memory_space<vmem>>)
    %dma_wait3A_143 = arith.constant 6 : i32
    %dma_wait3A_144 = arith.constant 768 : i32
    %dma_wait3A_145 = arith.constant 0 : i32
    %dma_wait3A_146 = tpu.memref_slice %arg6[%dma_wait3A_144, %dma_wait3A_145] : memref<1024x64xf32, #tpu.memory_space<vmem>> -> memref<128x64xf32, #tpu.memory_space<vmem>>
    %dma_wait3A_147 = arith.constant 0 : i32
    %dma_wait3A_148 = tpu.memref_slice %arg5[%dma_wait3A_143, %dma_wait3A_147] : memref<8x128xi32, #tpu.memory_space<vmem>> -> memref<1x128xi32, #tpu.memory_space<vmem>>
    %dma_wait3A_149 = tpu.memref_squeeze %dma_wait3A_148 : memref<1x128xi32, #tpu.memory_space<vmem>> -> memref<128xi32, #tpu.memory_space<vmem>>
    %dma_wait3A_150 = arith.constant 0 : i32
    %dma_wait3A_151 = arith.constant 0 : i32
    %dma_wait3A_152 = tpu.memref_slice %arg2[%dma_wait3A_150, %dma_wait3A_151] : memref<400x64xf32, #tpu.memory_space<hbm>> -> memref<400x64xf32, #tpu.memory_space<hbm>>
    tpu.wait_indirect_dma semaphore(%arg7 : memref<!tpu.dma_semaphore, #tpu.memory_space<semaphore_mem>>) src(%dma_wait3A_152 : memref<400x64xf32, #tpu.memory_space<hbm>>) dst(%dma_wait3A_146 : memref<128x64xf32, #tpu.memory_space<vmem>>)
    %dma_wait3A_153 = arith.constant 7 : i32
    %dma_wait3A_154 = arith.constant 896 : i32
    %dma_wait3A_155 = arith.constant 0 : i32
    %dma_wait3A_156 = tpu.memref_slice %arg6[%dma_wait3A_154, %dma_wait3A_155] : memref<1024x64xf32, #tpu.memory_space<vmem>> -> memref<128x64xf32, #tpu.memory_space<vmem>>
    %dma_wait3A_157 = arith.constant 0 : i32
    %dma_wait3A_158 = tpu.memref_slice %arg5[%dma_wait3A_153, %dma_wait3A_157] : memref<8x128xi32, #tpu.memory_space<vmem>> -> memref<1x128xi32, #tpu.memory_space<vmem>>
    %dma_wait3A_159 = tpu.memref_squeeze %dma_wait3A_158 : memref<1x128xi32, #tpu.memory_space<vmem>> -> memref<128xi32, #tpu.memory_space<vmem>>
    %dma_wait3A_160 = arith.constant 0 : i32
    %dma_wait3A_161 = arith.constant 0 : i32
    %dma_wait3A_162 = tpu.memref_slice %arg2[%dma_wait3A_160, %dma_wait3A_161] : memref<400x64xf32, #tpu.memory_space<hbm>> -> memref<400x64xf32, #tpu.memory_space<hbm>>
    tpu.wait_indirect_dma semaphore(%arg7 : memref<!tpu.dma_semaphore, #tpu.memory_space<semaphore_mem>>) src(%dma_wait3A_162 : memref<400x64xf32, #tpu.memory_space<hbm>>) dst(%dma_wait3A_156 : memref<128x64xf32, #tpu.memory_space<vmem>>)
    "tpu.region"() ({
      %run_scoped3A = tpu.sem_alloc : memref<!tpu.dma_semaphore, #tpu.memory_space<semaphore_mem>>
      %dma_start3A_163 = arith.constant 0 : i32
      %dma_start3A_164 = tpu.memref_slice %arg4[%mul3A_2, %dma_start3A_163] : memref<32768x64xf32, #tpu.memory_space<hbm>> -> memref<1024x64xf32, #tpu.memory_space<hbm>>
      %dma_start3A_165 = arith.constant 0 : i32
      %dma_start3A_166 = tpu.memref_slice %arg4[%mul3A_2, %dma_start3A_165] : memref<32768x64xf32, #tpu.memory_space<hbm>> -> memref<1024x64xf32, #tpu.memory_space<hbm>>
      tpu.enqueue_dma source(%arg6 : memref<1024x64xf32, #tpu.memory_space<vmem>>) target(%dma_start3A_166 : memref<1024x64xf32, #tpu.memory_space<hbm>>) target_semaphore(%run_scoped3A : memref<!tpu.dma_semaphore, #tpu.memory_space<semaphore_mem>>)
      %dma_wait3A_167 = arith.constant 0 : i32
      %dma_wait3A_168 = tpu.memref_slice %arg4[%mul3A_2, %dma_wait3A_167] : memref<32768x64xf32, #tpu.memory_space<hbm>> -> memref<1024x64xf32, #tpu.memory_space<hbm>>
      %dma_wait3A_169 = arith.constant 0 : i32
      %dma_wait3A_170 = tpu.memref_slice %arg4[%mul3A_2, %dma_wait3A_169] : memref<32768x64xf32, #tpu.memory_space<hbm>> -> memref<1024x64xf32, #tpu.memory_space<hbm>>
      tpu.wait_dma2 semaphore(%run_scoped3A : memref<!tpu.dma_semaphore, #tpu.memory_space<semaphore_mem>>) src(%arg6 : memref<1024x64xf32, #tpu.memory_space<vmem>>) dst(%dma_wait3A_170 : memref<1024x64xf32, #tpu.memory_space<hbm>>)
      tpu.yield
    }) : () -> ()
    return
  }
}

#map = affine_map<(d0, d1) -> (0, 0)>
module attributes {stable_mosaic.version = 14 : i64} {
  func.func @k(%arg0: i32, %arg1: i32, %arg2: memref<300x64xf32, #tpu.memory_space<hbm>>, %arg3: memref<384x128xi32, #tpu.memory_space<hbm>>, %arg4: memref<49152x64xf32, #tpu.memory_space<hbm>>, %arg5: memref<12x128xi32, #tpu.memory_space<vmem>>, %arg6: memref<1536x64xf32, #tpu.memory_space<vmem>>, %arg7: memref<!tpu.dma_semaphore, #tpu.memory_space<semaphore_mem>>) attributes {dimension_semantics = [#tpu.dimension_semantics<core_parallel>, #tpu.dimension_semantics<subcore_parallel>], iteration_bounds = array<i64: 2, 16>, scalar_prefetch = 0 : i64, scratch_operands = 3 : i64, tpu.core_type = #tpu.core_type<sc_vector_subcore>, window_params = [{transform_indices = #map}, {transform_indices = #map}, {transform_indices = #map}]} {
    %mul3A = arith.constant 2 : i32
    %mul3A_0 = arith.muli %arg1, %mul3A : i32
    %add3A = arith.addi %mul3A_0, %arg0 : i32
    %mul3A_1 = arith.constant 1536 : i32
    %mul3A_2 = arith.muli %add3A, %mul3A_1 : i32
    %mul3A_3 = arith.constant 12 : i32
    %mul3A_4 = arith.muli %add3A, %mul3A_3 : i32
    "tpu.region"() ({
      %run_scoped3A = tpu.sem_alloc : memref<!tpu.dma_semaphore, #tpu.memory_space<semaphore_mem>>
      %dma_start3A_243 = arith.constant 0 : i32
      %dma_start3A_244 = tpu.memref_slice %arg3[%mul3A_4, %dma_start3A_243] : memref<384x128xi32, #tpu.memory_space<hbm>> -> memref<12x128xi32, #tpu.memory_space<hbm>>
      %dma_start3A_245 = arith.constant 0 : i32
      %dma_start3A_246 = tpu.memref_slice %arg3[%mul3A_4, %dma_start3A_245] : memref<384x128xi32, #tpu.memory_space<hbm>> -> memref<12x128xi32, #tpu.memory_space<hbm>>
      tpu.enqueue_dma source(%dma_start3A_246 : memref<12x128xi32, #tpu.memory_space<hbm>>) target(%arg5 : memref<12x128xi32, #tpu.memory_space<vmem>>) target_semaphore(%run_scoped3A : memref<!tpu.dma_semaphore, #tpu.memory_space<semaphore_mem>>)
      %dma_wait3A_247 = arith.constant 0 : i32
      %dma_wait3A_248 = tpu.memref_slice %arg3[%mul3A_4, %dma_wait3A_247] : memref<384x128xi32, #tpu.memory_space<hbm>> -> memref<12x128xi32, #tpu.memory_space<hbm>>
      %dma_wait3A_249 = arith.constant 0 : i32
      %dma_wait3A_250 = tpu.memref_slice %arg3[%mul3A_4, %dma_wait3A_249] : memref<384x128xi32, #tpu.memory_space<hbm>> -> memref<12x128xi32, #tpu.memory_space<hbm>>
      tpu.wait_dma2 semaphore(%run_scoped3A : memref<!tpu.dma_semaphore, #tpu.memory_space<semaphore_mem>>) src(%dma_wait3A_250 : memref<12x128xi32, #tpu.memory_space<hbm>>) dst(%arg5 : memref<12x128xi32, #tpu.memory_space<vmem>>)
      tpu.yield
    }) : () -> ()
    %dma_start3A = arith.constant 0 : i32
    %dma_start3A_5 = arith.constant 0 : i32
    %dma_start3A_6 = arith.constant 0 : i32
    %dma_start3A_7 = tpu.memref_slice %arg6[%dma_start3A_5, %dma_start3A_6] : memref<1536x64xf32, #tpu.memory_space<vmem>> -> memref<128x64xf32, #tpu.memory_space<vmem>>
    %dma_start3A_8 = arith.constant 0 : i32
    %dma_start3A_9 = tpu.memref_slice %arg5[%dma_start3A, %dma_start3A_8] : memref<12x128xi32, #tpu.memory_space<vmem>> -> memref<1x128xi32, #tpu.memory_space<vmem>>
    %dma_start3A_10 = tpu.memref_squeeze %dma_start3A_9 : memref<1x128xi32, #tpu.memory_space<vmem>> -> memref<128xi32, #tpu.memory_space<vmem>>
    %dma_start3A_11 = arith.constant 0 : i32
    %dma_start3A_12 = arith.constant 0 : i32
    %dma_start3A_13 = tpu.memref_slice %arg2[%dma_start3A_11, %dma_start3A_12] : memref<300x64xf32, #tpu.memory_space<hbm>> -> memref<300x64xf32, #tpu.memory_space<hbm>>
    tpu.enqueue_indirect_dma source(%dma_start3A_13 : memref<300x64xf32, #tpu.memory_space<hbm>>) target(%dma_start3A_7 : memref<128x64xf32, #tpu.memory_space<vmem>>) offsets(%dma_start3A_10 : memref<128xi32, #tpu.memory_space<vmem>>) semaphore(%arg7 : memref<!tpu.dma_semaphore, #tpu.memory_space<semaphore_mem>>)
    %dma_start3A_14 = arith.constant 1 : i32
    %dma_start3A_15 = arith.constant 128 : i32
    %dma_start3A_16 = arith.constant 0 : i32
    %dma_start3A_17 = tpu.memref_slice %arg6[%dma_start3A_15, %dma_start3A_16] : memref<1536x64xf32, #tpu.memory_space<vmem>> -> memref<128x64xf32, #tpu.memory_space<vmem>>
    %dma_start3A_18 = arith.constant 0 : i32
    %dma_start3A_19 = tpu.memref_slice %arg5[%dma_start3A_14, %dma_start3A_18] : memref<12x128xi32, #tpu.memory_space<vmem>> -> memref<1x128xi32, #tpu.memory_space<vmem>>
    %dma_start3A_20 = tpu.memref_squeeze %dma_start3A_19 : memref<1x128xi32, #tpu.memory_space<vmem>> -> memref<128xi32, #tpu.memory_space<vmem>>
    %dma_start3A_21 = arith.constant 0 : i32
    %dma_start3A_22 = arith.constant 0 : i32
    %dma_start3A_23 = tpu.memref_slice %arg2[%dma_start3A_21, %dma_start3A_22] : memref<300x64xf32, #tpu.memory_space<hbm>> -> memref<300x64xf32, #tpu.memory_space<hbm>>
    tpu.enqueue_indirect_dma source(%dma_start3A_23 : memref<300x64xf32, #tpu.memory_space<hbm>>) target(%dma_start3A_17 : memref<128x64xf32, #tpu.memory_space<vmem>>) offsets(%dma_start3A_20 : memref<128xi32, #tpu.memory_space<vmem>>) semaphore(%arg7 : memref<!tpu.dma_semaphore, #tpu.memory_space<semaphore_mem>>)
    %dma_start3A_24 = arith.constant 2 : i32
    %dma_start3A_25 = arith.constant 256 : i32
    %dma_start3A_26 = arith.constant 0 : i32
    %dma_start3A_27 = tpu.memref_slice %arg6[%dma_start3A_25, %dma_start3A_26] : memref<1536x64xf32, #tpu.memory_space<vmem>> -> memref<128x64xf32, #tpu.memory_space<vmem>>
    %dma_start3A_28 = arith.constant 0 : i32
    %dma_start3A_29 = tpu.memref_slice %arg5[%dma_start3A_24, %dma_start3A_28] : memref<12x128xi32, #tpu.memory_space<vmem>> -> memref<1x128xi32, #tpu.memory_space<vmem>>
    %dma_start3A_30 = tpu.memref_squeeze %dma_start3A_29 : memref<1x128xi32, #tpu.memory_space<vmem>> -> memref<128xi32, #tpu.memory_space<vmem>>
    %dma_start3A_31 = arith.constant 0 : i32
    %dma_start3A_32 = arith.constant 0 : i32
    %dma_start3A_33 = tpu.memref_slice %arg2[%dma_start3A_31, %dma_start3A_32] : memref<300x64xf32, #tpu.memory_space<hbm>> -> memref<300x64xf32, #tpu.memory_space<hbm>>
    tpu.enqueue_indirect_dma source(%dma_start3A_33 : memref<300x64xf32, #tpu.memory_space<hbm>>) target(%dma_start3A_27 : memref<128x64xf32, #tpu.memory_space<vmem>>) offsets(%dma_start3A_30 : memref<128xi32, #tpu.memory_space<vmem>>) semaphore(%arg7 : memref<!tpu.dma_semaphore, #tpu.memory_space<semaphore_mem>>)
    %dma_start3A_34 = arith.constant 3 : i32
    %dma_start3A_35 = arith.constant 384 : i32
    %dma_start3A_36 = arith.constant 0 : i32
    %dma_start3A_37 = tpu.memref_slice %arg6[%dma_start3A_35, %dma_start3A_36] : memref<1536x64xf32, #tpu.memory_space<vmem>> -> memref<128x64xf32, #tpu.memory_space<vmem>>
    %dma_start3A_38 = arith.constant 0 : i32
    %dma_start3A_39 = tpu.memref_slice %arg5[%dma_start3A_34, %dma_start3A_38] : memref<12x128xi32, #tpu.memory_space<vmem>> -> memref<1x128xi32, #tpu.memory_space<vmem>>
    %dma_start3A_40 = tpu.memref_squeeze %dma_start3A_39 : memref<1x128xi32, #tpu.memory_space<vmem>> -> memref<128xi32, #tpu.memory_space<vmem>>
    %dma_start3A_41 = arith.constant 0 : i32
    %dma_start3A_42 = arith.constant 0 : i32
    %dma_start3A_43 = tpu.memref_slice %arg2[%dma_start3A_41, %dma_start3A_42] : memref<300x64xf32, #tpu.memory_space<hbm>> -> memref<300x64xf32, #tpu.memory_space<hbm>>
    tpu.enqueue_indirect_dma source(%dma_start3A_43 : memref<300x64xf32, #tpu.memory_space<hbm>>) target(%dma_start3A_37 : memref<128x64xf32, #tpu.memory_space<vmem>>) offsets(%dma_start3A_40 : memref<128xi32, #tpu.memory_space<vmem>>) semaphore(%arg7 : memref<!tpu.dma_semaphore, #tpu.memory_space<semaphore_mem>>)
    %dma_start3A_44 = arith.constant 4 : i32
    %dma_start3A_45 = arith.constant 512 : i32
    %dma_start3A_46 = arith.constant 0 : i32
    %dma_start3A_47 = tpu.memref_slice %arg6[%dma_start3A_45, %dma_start3A_46] : memref<1536x64xf32, #tpu.memory_space<vmem>> -> memref<128x64xf32, #tpu.memory_space<vmem>>
    %dma_start3A_48 = arith.constant 0 : i32
    %dma_start3A_49 = tpu.memref_slice %arg5[%dma_start3A_44, %dma_start3A_48] : memref<12x128xi32, #tpu.memory_space<vmem>> -> memref<1x128xi32, #tpu.memory_space<vmem>>
    %dma_start3A_50 = tpu.memref_squeeze %dma_start3A_49 : memref<1x128xi32, #tpu.memory_space<vmem>> -> memref<128xi32, #tpu.memory_space<vmem>>
    %dma_start3A_51 = arith.constant 0 : i32
    %dma_start3A_52 = arith.constant 0 : i32
    %dma_start3A_53 = tpu.memref_slice %arg2[%dma_start3A_51, %dma_start3A_52] : memref<300x64xf32, #tpu.memory_space<hbm>> -> memref<300x64xf32, #tpu.memory_space<hbm>>
    tpu.enqueue_indirect_dma source(%dma_start3A_53 : memref<300x64xf32, #tpu.memory_space<hbm>>) target(%dma_start3A_47 : memref<128x64xf32, #tpu.memory_space<vmem>>) offsets(%dma_start3A_50 : memref<128xi32, #tpu.memory_space<vmem>>) semaphore(%arg7 : memref<!tpu.dma_semaphore, #tpu.memory_space<semaphore_mem>>)
    %dma_start3A_54 = arith.constant 5 : i32
    %dma_start3A_55 = arith.constant 640 : i32
    %dma_start3A_56 = arith.constant 0 : i32
    %dma_start3A_57 = tpu.memref_slice %arg6[%dma_start3A_55, %dma_start3A_56] : memref<1536x64xf32, #tpu.memory_space<vmem>> -> memref<128x64xf32, #tpu.memory_space<vmem>>
    %dma_start3A_58 = arith.constant 0 : i32
    %dma_start3A_59 = tpu.memref_slice %arg5[%dma_start3A_54, %dma_start3A_58] : memref<12x128xi32, #tpu.memory_space<vmem>> -> memref<1x128xi32, #tpu.memory_space<vmem>>
    %dma_start3A_60 = tpu.memref_squeeze %dma_start3A_59 : memref<1x128xi32, #tpu.memory_space<vmem>> -> memref<128xi32, #tpu.memory_space<vmem>>
    %dma_start3A_61 = arith.constant 0 : i32
    %dma_start3A_62 = arith.constant 0 : i32
    %dma_start3A_63 = tpu.memref_slice %arg2[%dma_start3A_61, %dma_start3A_62] : memref<300x64xf32, #tpu.memory_space<hbm>> -> memref<300x64xf32, #tpu.memory_space<hbm>>
    tpu.enqueue_indirect_dma source(%dma_start3A_63 : memref<300x64xf32, #tpu.memory_space<hbm>>) target(%dma_start3A_57 : memref<128x64xf32, #tpu.memory_space<vmem>>) offsets(%dma_start3A_60 : memref<128xi32, #tpu.memory_space<vmem>>) semaphore(%arg7 : memref<!tpu.dma_semaphore, #tpu.memory_space<semaphore_mem>>)
    %dma_start3A_64 = arith.constant 6 : i32
    %dma_start3A_65 = arith.constant 768 : i32
    %dma_start3A_66 = arith.constant 0 : i32
    %dma_start3A_67 = tpu.memref_slice %arg6[%dma_start3A_65, %dma_start3A_66] : memref<1536x64xf32, #tpu.memory_space<vmem>> -> memref<128x64xf32, #tpu.memory_space<vmem>>
    %dma_start3A_68 = arith.constant 0 : i32
    %dma_start3A_69 = tpu.memref_slice %arg5[%dma_start3A_64, %dma_start3A_68] : memref<12x128xi32, #tpu.memory_space<vmem>> -> memref<1x128xi32, #tpu.memory_space<vmem>>
    %dma_start3A_70 = tpu.memref_squeeze %dma_start3A_69 : memref<1x128xi32, #tpu.memory_space<vmem>> -> memref<128xi32, #tpu.memory_space<vmem>>
    %dma_start3A_71 = arith.constant 0 : i32
    %dma_start3A_72 = arith.constant 0 : i32
    %dma_start3A_73 = tpu.memref_slice %arg2[%dma_start3A_71, %dma_start3A_72] : memref<300x64xf32, #tpu.memory_space<hbm>> -> memref<300x64xf32, #tpu.memory_space<hbm>>
    tpu.enqueue_indirect_dma source(%dma_start3A_73 : memref<300x64xf32, #tpu.memory_space<hbm>>) target(%dma_start3A_67 : memref<128x64xf32, #tpu.memory_space<vmem>>) offsets(%dma_start3A_70 : memref<128xi32, #tpu.memory_space<vmem>>) semaphore(%arg7 : memref<!tpu.dma_semaphore, #tpu.memory_space<semaphore_mem>>)
    %dma_start3A_74 = arith.constant 7 : i32
    %dma_start3A_75 = arith.constant 896 : i32
    %dma_start3A_76 = arith.constant 0 : i32
    %dma_start3A_77 = tpu.memref_slice %arg6[%dma_start3A_75, %dma_start3A_76] : memref<1536x64xf32, #tpu.memory_space<vmem>> -> memref<128x64xf32, #tpu.memory_space<vmem>>
    %dma_start3A_78 = arith.constant 0 : i32
    %dma_start3A_79 = tpu.memref_slice %arg5[%dma_start3A_74, %dma_start3A_78] : memref<12x128xi32, #tpu.memory_space<vmem>> -> memref<1x128xi32, #tpu.memory_space<vmem>>
    %dma_start3A_80 = tpu.memref_squeeze %dma_start3A_79 : memref<1x128xi32, #tpu.memory_space<vmem>> -> memref<128xi32, #tpu.memory_space<vmem>>
    %dma_start3A_81 = arith.constant 0 : i32
    %dma_start3A_82 = arith.constant 0 : i32
    %dma_start3A_83 = tpu.memref_slice %arg2[%dma_start3A_81, %dma_start3A_82] : memref<300x64xf32, #tpu.memory_space<hbm>> -> memref<300x64xf32, #tpu.memory_space<hbm>>
    tpu.enqueue_indirect_dma source(%dma_start3A_83 : memref<300x64xf32, #tpu.memory_space<hbm>>) target(%dma_start3A_77 : memref<128x64xf32, #tpu.memory_space<vmem>>) offsets(%dma_start3A_80 : memref<128xi32, #tpu.memory_space<vmem>>) semaphore(%arg7 : memref<!tpu.dma_semaphore, #tpu.memory_space<semaphore_mem>>)
    %dma_start3A_84 = arith.constant 8 : i32
    %dma_start3A_85 = arith.constant 1024 : i32
    %dma_start3A_86 = arith.constant 0 : i32
    %dma_start3A_87 = tpu.memref_slice %arg6[%dma_start3A_85, %dma_start3A_86] : memref<1536x64xf32, #tpu.memory_space<vmem>> -> memref<128x64xf32, #tpu.memory_space<vmem>>
    %dma_start3A_88 = arith.constant 0 : i32
    %dma_start3A_89 = tpu.memref_slice %arg5[%dma_start3A_84, %dma_start3A_88] : memref<12x128xi32, #tpu.memory_space<vmem>> -> memref<1x128xi32, #tpu.memory_space<vmem>>
    %dma_start3A_90 = tpu.memref_squeeze %dma_start3A_89 : memref<1x128xi32, #tpu.memory_space<vmem>> -> memref<128xi32, #tpu.memory_space<vmem>>
    %dma_start3A_91 = arith.constant 0 : i32
    %dma_start3A_92 = arith.constant 0 : i32
    %dma_start3A_93 = tpu.memref_slice %arg2[%dma_start3A_91, %dma_start3A_92] : memref<300x64xf32, #tpu.memory_space<hbm>> -> memref<300x64xf32, #tpu.memory_space<hbm>>
    tpu.enqueue_indirect_dma source(%dma_start3A_93 : memref<300x64xf32, #tpu.memory_space<hbm>>) target(%dma_start3A_87 : memref<128x64xf32, #tpu.memory_space<vmem>>) offsets(%dma_start3A_90 : memref<128xi32, #tpu.memory_space<vmem>>) semaphore(%arg7 : memref<!tpu.dma_semaphore, #tpu.memory_space<semaphore_mem>>)
    %dma_start3A_94 = arith.constant 9 : i32
    %dma_start3A_95 = arith.constant 1152 : i32
    %dma_start3A_96 = arith.constant 0 : i32
    %dma_start3A_97 = tpu.memref_slice %arg6[%dma_start3A_95, %dma_start3A_96] : memref<1536x64xf32, #tpu.memory_space<vmem>> -> memref<128x64xf32, #tpu.memory_space<vmem>>
    %dma_start3A_98 = arith.constant 0 : i32
    %dma_start3A_99 = tpu.memref_slice %arg5[%dma_start3A_94, %dma_start3A_98] : memref<12x128xi32, #tpu.memory_space<vmem>> -> memref<1x128xi32, #tpu.memory_space<vmem>>
    %dma_start3A_100 = tpu.memref_squeeze %dma_start3A_99 : memref<1x128xi32, #tpu.memory_space<vmem>> -> memref<128xi32, #tpu.memory_space<vmem>>
    %dma_start3A_101 = arith.constant 0 : i32
    %dma_start3A_102 = arith.constant 0 : i32
    %dma_start3A_103 = tpu.memref_slice %arg2[%dma_start3A_101, %dma_start3A_102] : memref<300x64xf32, #tpu.memory_space<hbm>> -> memref<300x64xf32, #tpu.memory_space<hbm>>
    tpu.enqueue_indirect_dma source(%dma_start3A_103 : memref<300x64xf32, #tpu.memory_space<hbm>>) target(%dma_start3A_97 : memref<128x64xf32, #tpu.memory_space<vmem>>) offsets(%dma_start3A_100 : memref<128xi32, #tpu.memory_space<vmem>>) semaphore(%arg7 : memref<!tpu.dma_semaphore, #tpu.memory_space<semaphore_mem>>)
    %dma_start3A_104 = arith.constant 10 : i32
    %dma_start3A_105 = arith.constant 1280 : i32
    %dma_start3A_106 = arith.constant 0 : i32
    %dma_start3A_107 = tpu.memref_slice %arg6[%dma_start3A_105, %dma_start3A_106] : memref<1536x64xf32, #tpu.memory_space<vmem>> -> memref<128x64xf32, #tpu.memory_space<vmem>>
    %dma_start3A_108 = arith.constant 0 : i32
    %dma_start3A_109 = tpu.memref_slice %arg5[%dma_start3A_104, %dma_start3A_108] : memref<12x128xi32, #tpu.memory_space<vmem>> -> memref<1x128xi32, #tpu.memory_space<vmem>>
    %dma_start3A_110 = tpu.memref_squeeze %dma_start3A_109 : memref<1x128xi32, #tpu.memory_space<vmem>> -> memref<128xi32, #tpu.memory_space<vmem>>
    %dma_start3A_111 = arith.constant 0 : i32
    %dma_start3A_112 = arith.constant 0 : i32
    %dma_start3A_113 = tpu.memref_slice %arg2[%dma_start3A_111, %dma_start3A_112] : memref<300x64xf32, #tpu.memory_space<hbm>> -> memref<300x64xf32, #tpu.memory_space<hbm>>
    tpu.enqueue_indirect_dma source(%dma_start3A_113 : memref<300x64xf32, #tpu.memory_space<hbm>>) target(%dma_start3A_107 : memref<128x64xf32, #tpu.memory_space<vmem>>) offsets(%dma_start3A_110 : memref<128xi32, #tpu.memory_space<vmem>>) semaphore(%arg7 : memref<!tpu.dma_semaphore, #tpu.memory_space<semaphore_mem>>)
    %dma_start3A_114 = arith.constant 11 : i32
    %dma_start3A_115 = arith.constant 1408 : i32
    %dma_start3A_116 = arith.constant 0 : i32
    %dma_start3A_117 = tpu.memref_slice %arg6[%dma_start3A_115, %dma_start3A_116] : memref<1536x64xf32, #tpu.memory_space<vmem>> -> memref<128x64xf32, #tpu.memory_space<vmem>>
    %dma_start3A_118 = arith.constant 0 : i32
    %dma_start3A_119 = tpu.memref_slice %arg5[%dma_start3A_114, %dma_start3A_118] : memref<12x128xi32, #tpu.memory_space<vmem>> -> memref<1x128xi32, #tpu.memory_space<vmem>>
    %dma_start3A_120 = tpu.memref_squeeze %dma_start3A_119 : memref<1x128xi32, #tpu.memory_space<vmem>> -> memref<128xi32, #tpu.memory_space<vmem>>
    %dma_start3A_121 = arith.constant 0 : i32
    %dma_start3A_122 = arith.constant 0 : i32
    %dma_start3A_123 = tpu.memref_slice %arg2[%dma_start3A_121, %dma_start3A_122] : memref<300x64xf32, #tpu.memory_space<hbm>> -> memref<300x64xf32, #tpu.memory_space<hbm>>
    tpu.enqueue_indirect_dma source(%dma_start3A_123 : memref<300x64xf32, #tpu.memory_space<hbm>>) target(%dma_start3A_117 : memref<128x64xf32, #tpu.memory_space<vmem>>) offsets(%dma_start3A_120 : memref<128xi32, #tpu.memory_space<vmem>>) semaphore(%arg7 : memref<!tpu.dma_semaphore, #tpu.memory_space<semaphore_mem>>)
    %dma_wait3A = arith.constant 0 : i32
    %dma_wait3A_124 = arith.constant 0 : i32
    %dma_wait3A_125 = arith.constant 0 : i32
    %dma_wait3A_126 = tpu.memref_slice %arg6[%dma_wait3A_124, %dma_wait3A_125] : memref<1536x64xf32, #tpu.memory_space<vmem>> -> memref<128x64xf32, #tpu.memory_space<vmem>>
    %dma_wait3A_127 = arith.constant 0 : i32
    %dma_wait3A_128 = tpu.memref_slice %arg5[%dma_wait3A, %dma_wait3A_127] : memref<12x128xi32, #tpu.memory_space<vmem>> -> memref<1x128xi32, #tpu.memory_space<vmem>>
    %dma_wait3A_129 = tpu.memref_squeeze %dma_wait3A_128 : memref<1x128xi32, #tpu.memory_space<vmem>> -> memref<128xi32, #tpu.memory_space<vmem>>
    %dma_wait3A_130 = arith.constant 0 : i32
    %dma_wait3A_131 = arith.constant 0 : i32
    %dma_wait3A_132 = tpu.memref_slice %arg2[%dma_wait3A_130, %dma_wait3A_131] : memref<300x64xf32, #tpu.memory_space<hbm>> -> memref<300x64xf32, #tpu.memory_space<hbm>>
    tpu.wait_indirect_dma semaphore(%arg7 : memref<!tpu.dma_semaphore, #tpu.memory_space<semaphore_mem>>) src(%dma_wait3A_132 : memref<300x64xf32, #tpu.memory_space<hbm>>) dst(%dma_wait3A_126 : memref<128x64xf32, #tpu.memory_space<vmem>>)
    %dma_wait3A_133 = arith.constant 1 : i32
    %dma_wait3A_134 = arith.constant 128 : i32
    %dma_wait3A_135 = arith.constant 0 : i32
    %dma_wait3A_136 = tpu.memref_slice %arg6[%dma_wait3A_134, %dma_wait3A_135] : memref<1536x64xf32, #tpu.memory_space<vmem>> -> memref<128x64xf32, #tpu.memory_space<vmem>>
    %dma_wait3A_137 = arith.constant 0 : i32
    %dma_wait3A_138 = tpu.memref_slice %arg5[%dma_wait3A_133, %dma_wait3A_137] : memref<12x128xi32, #tpu.memory_space<vmem>> -> memref<1x128xi32, #tpu.memory_space<vmem>>
    %dma_wait3A_139 = tpu.memref_squeeze %dma_wait3A_138 : memref<1x128xi32, #tpu.memory_space<vmem>> -> memref<128xi32, #tpu.memory_space<vmem>>
    %dma_wait3A_140 = arith.constant 0 : i32
    %dma_wait3A_141 = arith.constant 0 : i32
    %dma_wait3A_142 = tpu.memref_slice %arg2[%dma_wait3A_140, %dma_wait3A_141] : memref<300x64xf32, #tpu.memory_space<hbm>> -> memref<300x64xf32, #tpu.memory_space<hbm>>
    tpu.wait_indirect_dma semaphore(%arg7 : memref<!tpu.dma_semaphore, #tpu.memory_space<semaphore_mem>>) src(%dma_wait3A_142 : memref<300x64xf32, #tpu.memory_space<hbm>>) dst(%dma_wait3A_136 : memref<128x64xf32, #tpu.memory_space<vmem>>)
    %dma_wait3A_143 = arith.constant 2 : i32
    %dma_wait3A_144 = arith.constant 256 : i32
    %dma_wait3A_145 = arith.constant 0 : i32
    %dma_wait3A_146 = tpu.memref_slice %arg6[%dma_wait3A_144, %dma_wait3A_145] : memref<1536x64xf32, #tpu.memory_space<vmem>> -> memref<128x64xf32, #tpu.memory_space<vmem>>
    %dma_wait3A_147 = arith.constant 0 : i32
    %dma_wait3A_148 = tpu.memref_slice %arg5[%dma_wait3A_143, %dma_wait3A_147] : memref<12x128xi32, #tpu.memory_space<vmem>> -> memref<1x128xi32, #tpu.memory_space<vmem>>
    %dma_wait3A_149 = tpu.memref_squeeze %dma_wait3A_148 : memref<1x128xi32, #tpu.memory_space<vmem>> -> memref<128xi32, #tpu.memory_space<vmem>>
    %dma_wait3A_150 = arith.constant 0 : i32
    %dma_wait3A_151 = arith.constant 0 : i32
    %dma_wait3A_152 = tpu.memref_slice %arg2[%dma_wait3A_150, %dma_wait3A_151] : memref<300x64xf32, #tpu.memory_space<hbm>> -> memref<300x64xf32, #tpu.memory_space<hbm>>
    tpu.wait_indirect_dma semaphore(%arg7 : memref<!tpu.dma_semaphore, #tpu.memory_space<semaphore_mem>>) src(%dma_wait3A_152 : memref<300x64xf32, #tpu.memory_space<hbm>>) dst(%dma_wait3A_146 : memref<128x64xf32, #tpu.memory_space<vmem>>)
    %dma_wait3A_153 = arith.constant 3 : i32
    %dma_wait3A_154 = arith.constant 384 : i32
    %dma_wait3A_155 = arith.constant 0 : i32
    %dma_wait3A_156 = tpu.memref_slice %arg6[%dma_wait3A_154, %dma_wait3A_155] : memref<1536x64xf32, #tpu.memory_space<vmem>> -> memref<128x64xf32, #tpu.memory_space<vmem>>
    %dma_wait3A_157 = arith.constant 0 : i32
    %dma_wait3A_158 = tpu.memref_slice %arg5[%dma_wait3A_153, %dma_wait3A_157] : memref<12x128xi32, #tpu.memory_space<vmem>> -> memref<1x128xi32, #tpu.memory_space<vmem>>
    %dma_wait3A_159 = tpu.memref_squeeze %dma_wait3A_158 : memref<1x128xi32, #tpu.memory_space<vmem>> -> memref<128xi32, #tpu.memory_space<vmem>>
    %dma_wait3A_160 = arith.constant 0 : i32
    %dma_wait3A_161 = arith.constant 0 : i32
    %dma_wait3A_162 = tpu.memref_slice %arg2[%dma_wait3A_160, %dma_wait3A_161] : memref<300x64xf32, #tpu.memory_space<hbm>> -> memref<300x64xf32, #tpu.memory_space<hbm>>
    tpu.wait_indirect_dma semaphore(%arg7 : memref<!tpu.dma_semaphore, #tpu.memory_space<semaphore_mem>>) src(%dma_wait3A_162 : memref<300x64xf32, #tpu.memory_space<hbm>>) dst(%dma_wait3A_156 : memref<128x64xf32, #tpu.memory_space<vmem>>)
    %dma_wait3A_163 = arith.constant 4 : i32
    %dma_wait3A_164 = arith.constant 512 : i32
    %dma_wait3A_165 = arith.constant 0 : i32
    %dma_wait3A_166 = tpu.memref_slice %arg6[%dma_wait3A_164, %dma_wait3A_165] : memref<1536x64xf32, #tpu.memory_space<vmem>> -> memref<128x64xf32, #tpu.memory_space<vmem>>
    %dma_wait3A_167 = arith.constant 0 : i32
    %dma_wait3A_168 = tpu.memref_slice %arg5[%dma_wait3A_163, %dma_wait3A_167] : memref<12x128xi32, #tpu.memory_space<vmem>> -> memref<1x128xi32, #tpu.memory_space<vmem>>
    %dma_wait3A_169 = tpu.memref_squeeze %dma_wait3A_168 : memref<1x128xi32, #tpu.memory_space<vmem>> -> memref<128xi32, #tpu.memory_space<vmem>>
    %dma_wait3A_170 = arith.constant 0 : i32
    %dma_wait3A_171 = arith.constant 0 : i32
    %dma_wait3A_172 = tpu.memref_slice %arg2[%dma_wait3A_170, %dma_wait3A_171] : memref<300x64xf32, #tpu.memory_space<hbm>> -> memref<300x64xf32, #tpu.memory_space<hbm>>
    tpu.wait_indirect_dma semaphore(%arg7 : memref<!tpu.dma_semaphore, #tpu.memory_space<semaphore_mem>>) src(%dma_wait3A_172 : memref<300x64xf32, #tpu.memory_space<hbm>>) dst(%dma_wait3A_166 : memref<128x64xf32, #tpu.memory_space<vmem>>)
    %dma_wait3A_173 = arith.constant 5 : i32
    %dma_wait3A_174 = arith.constant 640 : i32
    %dma_wait3A_175 = arith.constant 0 : i32
    %dma_wait3A_176 = tpu.memref_slice %arg6[%dma_wait3A_174, %dma_wait3A_175] : memref<1536x64xf32, #tpu.memory_space<vmem>> -> memref<128x64xf32, #tpu.memory_space<vmem>>
    %dma_wait3A_177 = arith.constant 0 : i32
    %dma_wait3A_178 = tpu.memref_slice %arg5[%dma_wait3A_173, %dma_wait3A_177] : memref<12x128xi32, #tpu.memory_space<vmem>> -> memref<1x128xi32, #tpu.memory_space<vmem>>
    %dma_wait3A_179 = tpu.memref_squeeze %dma_wait3A_178 : memref<1x128xi32, #tpu.memory_space<vmem>> -> memref<128xi32, #tpu.memory_space<vmem>>
    %dma_wait3A_180 = arith.constant 0 : i32
    %dma_wait3A_181 = arith.constant 0 : i32
    %dma_wait3A_182 = tpu.memref_slice %arg2[%dma_wait3A_180, %dma_wait3A_181] : memref<300x64xf32, #tpu.memory_space<hbm>> -> memref<300x64xf32, #tpu.memory_space<hbm>>
    tpu.wait_indirect_dma semaphore(%arg7 : memref<!tpu.dma_semaphore, #tpu.memory_space<semaphore_mem>>) src(%dma_wait3A_182 : memref<300x64xf32, #tpu.memory_space<hbm>>) dst(%dma_wait3A_176 : memref<128x64xf32, #tpu.memory_space<vmem>>)
    %dma_wait3A_183 = arith.constant 6 : i32
    %dma_wait3A_184 = arith.constant 768 : i32
    %dma_wait3A_185 = arith.constant 0 : i32
    %dma_wait3A_186 = tpu.memref_slice %arg6[%dma_wait3A_184, %dma_wait3A_185] : memref<1536x64xf32, #tpu.memory_space<vmem>> -> memref<128x64xf32, #tpu.memory_space<vmem>>
    %dma_wait3A_187 = arith.constant 0 : i32
    %dma_wait3A_188 = tpu.memref_slice %arg5[%dma_wait3A_183, %dma_wait3A_187] : memref<12x128xi32, #tpu.memory_space<vmem>> -> memref<1x128xi32, #tpu.memory_space<vmem>>
    %dma_wait3A_189 = tpu.memref_squeeze %dma_wait3A_188 : memref<1x128xi32, #tpu.memory_space<vmem>> -> memref<128xi32, #tpu.memory_space<vmem>>
    %dma_wait3A_190 = arith.constant 0 : i32
    %dma_wait3A_191 = arith.constant 0 : i32
    %dma_wait3A_192 = tpu.memref_slice %arg2[%dma_wait3A_190, %dma_wait3A_191] : memref<300x64xf32, #tpu.memory_space<hbm>> -> memref<300x64xf32, #tpu.memory_space<hbm>>
    tpu.wait_indirect_dma semaphore(%arg7 : memref<!tpu.dma_semaphore, #tpu.memory_space<semaphore_mem>>) src(%dma_wait3A_192 : memref<300x64xf32, #tpu.memory_space<hbm>>) dst(%dma_wait3A_186 : memref<128x64xf32, #tpu.memory_space<vmem>>)
    %dma_wait3A_193 = arith.constant 7 : i32
    %dma_wait3A_194 = arith.constant 896 : i32
    %dma_wait3A_195 = arith.constant 0 : i32
    %dma_wait3A_196 = tpu.memref_slice %arg6[%dma_wait3A_194, %dma_wait3A_195] : memref<1536x64xf32, #tpu.memory_space<vmem>> -> memref<128x64xf32, #tpu.memory_space<vmem>>
    %dma_wait3A_197 = arith.constant 0 : i32
    %dma_wait3A_198 = tpu.memref_slice %arg5[%dma_wait3A_193, %dma_wait3A_197] : memref<12x128xi32, #tpu.memory_space<vmem>> -> memref<1x128xi32, #tpu.memory_space<vmem>>
    %dma_wait3A_199 = tpu.memref_squeeze %dma_wait3A_198 : memref<1x128xi32, #tpu.memory_space<vmem>> -> memref<128xi32, #tpu.memory_space<vmem>>
    %dma_wait3A_200 = arith.constant 0 : i32
    %dma_wait3A_201 = arith.constant 0 : i32
    %dma_wait3A_202 = tpu.memref_slice %arg2[%dma_wait3A_200, %dma_wait3A_201] : memref<300x64xf32, #tpu.memory_space<hbm>> -> memref<300x64xf32, #tpu.memory_space<hbm>>
    tpu.wait_indirect_dma semaphore(%arg7 : memref<!tpu.dma_semaphore, #tpu.memory_space<semaphore_mem>>) src(%dma_wait3A_202 : memref<300x64xf32, #tpu.memory_space<hbm>>) dst(%dma_wait3A_196 : memref<128x64xf32, #tpu.memory_space<vmem>>)
    %dma_wait3A_203 = arith.constant 8 : i32
    %dma_wait3A_204 = arith.constant 1024 : i32
    %dma_wait3A_205 = arith.constant 0 : i32
    %dma_wait3A_206 = tpu.memref_slice %arg6[%dma_wait3A_204, %dma_wait3A_205] : memref<1536x64xf32, #tpu.memory_space<vmem>> -> memref<128x64xf32, #tpu.memory_space<vmem>>
    %dma_wait3A_207 = arith.constant 0 : i32
    %dma_wait3A_208 = tpu.memref_slice %arg5[%dma_wait3A_203, %dma_wait3A_207] : memref<12x128xi32, #tpu.memory_space<vmem>> -> memref<1x128xi32, #tpu.memory_space<vmem>>
    %dma_wait3A_209 = tpu.memref_squeeze %dma_wait3A_208 : memref<1x128xi32, #tpu.memory_space<vmem>> -> memref<128xi32, #tpu.memory_space<vmem>>
    %dma_wait3A_210 = arith.constant 0 : i32
    %dma_wait3A_211 = arith.constant 0 : i32
    %dma_wait3A_212 = tpu.memref_slice %arg2[%dma_wait3A_210, %dma_wait3A_211] : memref<300x64xf32, #tpu.memory_space<hbm>> -> memref<300x64xf32, #tpu.memory_space<hbm>>
    tpu.wait_indirect_dma semaphore(%arg7 : memref<!tpu.dma_semaphore, #tpu.memory_space<semaphore_mem>>) src(%dma_wait3A_212 : memref<300x64xf32, #tpu.memory_space<hbm>>) dst(%dma_wait3A_206 : memref<128x64xf32, #tpu.memory_space<vmem>>)
    %dma_wait3A_213 = arith.constant 9 : i32
    %dma_wait3A_214 = arith.constant 1152 : i32
    %dma_wait3A_215 = arith.constant 0 : i32
    %dma_wait3A_216 = tpu.memref_slice %arg6[%dma_wait3A_214, %dma_wait3A_215] : memref<1536x64xf32, #tpu.memory_space<vmem>> -> memref<128x64xf32, #tpu.memory_space<vmem>>
    %dma_wait3A_217 = arith.constant 0 : i32
    %dma_wait3A_218 = tpu.memref_slice %arg5[%dma_wait3A_213, %dma_wait3A_217] : memref<12x128xi32, #tpu.memory_space<vmem>> -> memref<1x128xi32, #tpu.memory_space<vmem>>
    %dma_wait3A_219 = tpu.memref_squeeze %dma_wait3A_218 : memref<1x128xi32, #tpu.memory_space<vmem>> -> memref<128xi32, #tpu.memory_space<vmem>>
    %dma_wait3A_220 = arith.constant 0 : i32
    %dma_wait3A_221 = arith.constant 0 : i32
    %dma_wait3A_222 = tpu.memref_slice %arg2[%dma_wait3A_220, %dma_wait3A_221] : memref<300x64xf32, #tpu.memory_space<hbm>> -> memref<300x64xf32, #tpu.memory_space<hbm>>
    tpu.wait_indirect_dma semaphore(%arg7 : memref<!tpu.dma_semaphore, #tpu.memory_space<semaphore_mem>>) src(%dma_wait3A_222 : memref<300x64xf32, #tpu.memory_space<hbm>>) dst(%dma_wait3A_216 : memref<128x64xf32, #tpu.memory_space<vmem>>)
    %dma_wait3A_223 = arith.constant 10 : i32
    %dma_wait3A_224 = arith.constant 1280 : i32
    %dma_wait3A_225 = arith.constant 0 : i32
    %dma_wait3A_226 = tpu.memref_slice %arg6[%dma_wait3A_224, %dma_wait3A_225] : memref<1536x64xf32, #tpu.memory_space<vmem>> -> memref<128x64xf32, #tpu.memory_space<vmem>>
    %dma_wait3A_227 = arith.constant 0 : i32
    %dma_wait3A_228 = tpu.memref_slice %arg5[%dma_wait3A_223, %dma_wait3A_227] : memref<12x128xi32, #tpu.memory_space<vmem>> -> memref<1x128xi32, #tpu.memory_space<vmem>>
    %dma_wait3A_229 = tpu.memref_squeeze %dma_wait3A_228 : memref<1x128xi32, #tpu.memory_space<vmem>> -> memref<128xi32, #tpu.memory_space<vmem>>
    %dma_wait3A_230 = arith.constant 0 : i32
    %dma_wait3A_231 = arith.constant 0 : i32
    %dma_wait3A_232 = tpu.memref_slice %arg2[%dma_wait3A_230, %dma_wait3A_231] : memref<300x64xf32, #tpu.memory_space<hbm>> -> memref<300x64xf32, #tpu.memory_space<hbm>>
    tpu.wait_indirect_dma semaphore(%arg7 : memref<!tpu.dma_semaphore, #tpu.memory_space<semaphore_mem>>) src(%dma_wait3A_232 : memref<300x64xf32, #tpu.memory_space<hbm>>) dst(%dma_wait3A_226 : memref<128x64xf32, #tpu.memory_space<vmem>>)
    %dma_wait3A_233 = arith.constant 11 : i32
    %dma_wait3A_234 = arith.constant 1408 : i32
    %dma_wait3A_235 = arith.constant 0 : i32
    %dma_wait3A_236 = tpu.memref_slice %arg6[%dma_wait3A_234, %dma_wait3A_235] : memref<1536x64xf32, #tpu.memory_space<vmem>> -> memref<128x64xf32, #tpu.memory_space<vmem>>
    %dma_wait3A_237 = arith.constant 0 : i32
    %dma_wait3A_238 = tpu.memref_slice %arg5[%dma_wait3A_233, %dma_wait3A_237] : memref<12x128xi32, #tpu.memory_space<vmem>> -> memref<1x128xi32, #tpu.memory_space<vmem>>
    %dma_wait3A_239 = tpu.memref_squeeze %dma_wait3A_238 : memref<1x128xi32, #tpu.memory_space<vmem>> -> memref<128xi32, #tpu.memory_space<vmem>>
    %dma_wait3A_240 = arith.constant 0 : i32
    %dma_wait3A_241 = arith.constant 0 : i32
    %dma_wait3A_242 = tpu.memref_slice %arg2[%dma_wait3A_240, %dma_wait3A_241] : memref<300x64xf32, #tpu.memory_space<hbm>> -> memref<300x64xf32, #tpu.memory_space<hbm>>
    tpu.wait_indirect_dma semaphore(%arg7 : memref<!tpu.dma_semaphore, #tpu.memory_space<semaphore_mem>>) src(%dma_wait3A_242 : memref<300x64xf32, #tpu.memory_space<hbm>>) dst(%dma_wait3A_236 : memref<128x64xf32, #tpu.memory_space<vmem>>)
    "tpu.region"() ({
      %run_scoped3A = tpu.sem_alloc : memref<!tpu.dma_semaphore, #tpu.memory_space<semaphore_mem>>
      %dma_start3A_243 = arith.constant 0 : i32
      %dma_start3A_244 = tpu.memref_slice %arg4[%mul3A_2, %dma_start3A_243] : memref<49152x64xf32, #tpu.memory_space<hbm>> -> memref<1536x64xf32, #tpu.memory_space<hbm>>
      %dma_start3A_245 = arith.constant 0 : i32
      %dma_start3A_246 = tpu.memref_slice %arg4[%mul3A_2, %dma_start3A_245] : memref<49152x64xf32, #tpu.memory_space<hbm>> -> memref<1536x64xf32, #tpu.memory_space<hbm>>
      tpu.enqueue_dma source(%arg6 : memref<1536x64xf32, #tpu.memory_space<vmem>>) target(%dma_start3A_246 : memref<1536x64xf32, #tpu.memory_space<hbm>>) target_semaphore(%run_scoped3A : memref<!tpu.dma_semaphore, #tpu.memory_space<semaphore_mem>>)
      %dma_wait3A_247 = arith.constant 0 : i32
      %dma_wait3A_248 = tpu.memref_slice %arg4[%mul3A_2, %dma_wait3A_247] : memref<49152x64xf32, #tpu.memory_space<hbm>> -> memref<1536x64xf32, #tpu.memory_space<hbm>>
      %dma_wait3A_249 = arith.constant 0 : i32
      %dma_wait3A_250 = tpu.memref_slice %arg4[%mul3A_2, %dma_wait3A_249] : memref<49152x64xf32, #tpu.memory_space<hbm>> -> memref<1536x64xf32, #tpu.memory_space<hbm>>
      tpu.wait_dma2 semaphore(%run_scoped3A : memref<!tpu.dma_semaphore, #tpu.memory_space<semaphore_mem>>) src(%arg6 : memref<1536x64xf32, #tpu.memory_space<vmem>>) dst(%dma_wait3A_250 : memref<1536x64xf32, #tpu.memory_space<hbm>>)
      tpu.yield
    }) : () -> ()
    return
  }
}

module attributes {stable_mosaic.version = 14 : i64} {
  func.func @_user_body(%arg0: i32, %arg1: memref<4x512x128xf32, #tpu.memory_space<vmem>>, %arg2: memref<512x8xf32, #tpu.memory_space<vmem>>, %arg3: memref<4x8x128xf32, #tpu.memory_space<vmem>>, %arg4: memref<4x128xf32, #tpu.memory_space<vmem>>, %arg5: memref<4x128xf32, #tpu.memory_space<vmem>>, %arg6: memref<1x128xf32, #tpu.memory_space<vmem>>, %arg7: memref<1x128xf32, #tpu.memory_space<vmem>>, %arg8: memref<1x128xf32, #tpu.memory_space<vmem>>, %arg9: memref<128x128xbf16, #tpu.memory_space<vmem>>, %arg10: memref<128x128xbf16, #tpu.memory_space<vmem>>, %arg11: memref<128x128xbf16, #tpu.memory_space<vmem>>, %arg12: memref<128x128xbf16, #tpu.memory_space<vmem>>, %arg13: memref<1x128xf32, #tpu.memory_space<vmem>>, %arg14: memref<1x128xf32, #tpu.memory_space<vmem>>, %arg15: memref<128x512xbf16, #tpu.memory_space<vmem>>, %arg16: memref<1x512xf32, #tpu.memory_space<vmem>>, %arg17: memref<512x128xbf16, #tpu.memory_space<vmem>>, %arg18: memref<1x128xf32, #tpu.memory_space<vmem>>, %arg19: memref<128x128xbf16, #tpu.memory_space<vmem>>, %arg20: memref<1x128xf32, #tpu.memory_space<vmem>>, %arg21: memref<128x128xbf16, #tpu.memory_space<vmem>>, %arg22: memref<128x128xf32, #tpu.memory_space<vmem>>, %arg23: memref<512x128xf32, #tpu.memory_space<vmem>>) attributes {dimension_semantics = [#tpu.dimension_semantics<arbitrary>], iteration_bounds = array<i64: 8>, scalar_prefetch = 0 : i64, scratch_operands = 0 : i64, tpu.core_type = #tpu.core_type<tc>, window_params = [{transform_indices = @transform_0, window_bounds = array<i64: 4, 512, 128>}, {transform_indices = @transform_1, window_bounds = array<i64: 512, 8>}, {pipeline_mode = #tpu.pipeline_mode<synchronous>, transform_indices = @transform_2, window_bounds = array<i64: 4, 8, 128>}, {pipeline_mode = #tpu.pipeline_mode<synchronous>, transform_indices = @transform_3, window_bounds = array<i64: 4, 128>}, {pipeline_mode = #tpu.pipeline_mode<synchronous>, transform_indices = @transform_4, window_bounds = array<i64: 4, 128>}, {pipeline_mode = #tpu.pipeline_mode<synchronous>, transform_indices = @transform_5, window_bounds = array<i64: 1, 128>}, {pipeline_mode = #tpu.pipeline_mode<synchronous>, transform_indices = @transform_6, window_bounds = array<i64: 1, 128>}, {pipeline_mode = #tpu.pipeline_mode<synchronous>, transform_indices = @transform_7, window_bounds = array<i64: 1, 128>}, {pipeline_mode = #tpu.pipeline_mode<synchronous>, transform_indices = @transform_8, window_bounds = array<i64: 128, 128>}, {pipeline_mode = #tpu.pipeline_mode<synchronous>, transform_indices = @transform_9, window_bounds = array<i64: 128, 128>}, {pipeline_mode = #tpu.pipeline_mode<synchronous>, transform_indices = @transform_10, window_bounds = array<i64: 128, 128>}, {pipeline_mode = #tpu.pipeline_mode<synchronous>, transform_indices = @transform_11, window_bounds = array<i64: 128, 128>}, {pipeline_mode = #tpu.pipeline_mode<synchronous>, transform_indices = @transform_12, window_bounds = array<i64: 1, 128>}, {pipeline_mode = #tpu.pipeline_mode<synchronous>, transform_indices = @transform_13, window_bounds = array<i64: 1, 128>}, {pipeline_mode = #tpu.pipeline_mode<synchronous>, transform_indices = @transform_14, window_bounds = array<i64: 128, 512>}, {pipeline_mode = #tpu.pipeline_mode<synchronous>, transform_indices = @transform_15, window_bounds = array<i64: 1, 512>}, {pipeline_mode = #tpu.pipeline_mode<synchronous>, transform_indices = @transform_16, window_bounds = array<i64: 512, 128>}, {pipeline_mode = #tpu.pipeline_mode<synchronous>, transform_indices = @transform_17, window_bounds = array<i64: 1, 128>}, {pipeline_mode = #tpu.pipeline_mode<synchronous>, transform_indices = @transform_18, window_bounds = array<i64: 128, 128>}, {pipeline_mode = #tpu.pipeline_mode<synchronous>, transform_indices = @transform_19, window_bounds = array<i64: 1, 128>}, {pipeline_mode = #tpu.pipeline_mode<synchronous>, transform_indices = @transform_20, window_bounds = array<i64: 128, 128>}, {pipeline_mode = #tpu.pipeline_mode<synchronous>, transform_indices = @transform_21, window_bounds = array<i64: 128, 128>}, {transform_indices = @transform_22, window_bounds = array<i64: 512, 128>}]} {
    %get3A = arith.constant 0 : index
    %get3A_0 = arith.constant 0 : index
    %get3A_1 = vector.load %arg6[%get3A, %get3A_0] : memref<1x128xf32, #tpu.memory_space<vmem>>, vector<1x128xf32>
    %broadcast_in_dim3A = vector.shape_cast %get3A_1 : vector<1x128xf32> to vector<1x128xf32>
    %broadcast_in_dim3A_2 = vector.broadcast %broadcast_in_dim3A : vector<1x128xf32> to vector<512x128xf32>
    %get3A_3 = arith.constant 0 : index
    %get3A_4 = arith.constant 0 : index
    %get3A_5 = arith.constant 0 : index
    %get3A_6 = vector.load %arg1[%get3A_3, %get3A_4, %get3A_5] : memref<4x512x128xf32, #tpu.memory_space<vmem>>, vector<1x512x128xf32>
    %get3A_7 = vector.shape_cast %get3A_6 : vector<1x512x128xf32> to vector<512x128xf32>
    %get3A_8 = arith.constant 1 : index
    %get3A_9 = arith.constant 0 : index
    %get3A_10 = arith.constant 0 : index
    %get3A_11 = vector.load %arg1[%get3A_8, %get3A_9, %get3A_10] : memref<4x512x128xf32, #tpu.memory_space<vmem>>, vector<1x512x128xf32>
    %get3A_12 = vector.shape_cast %get3A_11 : vector<1x512x128xf32> to vector<512x128xf32>
    %get3A_13 = arith.constant 2 : index
    %get3A_14 = arith.constant 0 : index
    %get3A_15 = arith.constant 0 : index
    %get3A_16 = vector.load %arg1[%get3A_13, %get3A_14, %get3A_15] : memref<4x512x128xf32, #tpu.memory_space<vmem>>, vector<1x512x128xf32>
    %get3A_17 = vector.shape_cast %get3A_16 : vector<1x512x128xf32> to vector<512x128xf32>
    %get3A_18 = arith.constant 3 : index
    %get3A_19 = arith.constant 0 : index
    %get3A_20 = arith.constant 0 : index
    %get3A_21 = vector.load %arg1[%get3A_18, %get3A_19, %get3A_20] : memref<4x512x128xf32, #tpu.memory_space<vmem>>, vector<1x512x128xf32>
    %get3A_22 = vector.shape_cast %get3A_21 : vector<1x512x128xf32> to vector<512x128xf32>
    %get3A_23 = arith.constant 0 : index
    %get3A_24 = arith.constant 0 : index
    %get3A_25 = vector.load %arg2[%get3A_23, %get3A_24] : memref<512x8xf32, #tpu.memory_space<vmem>>, vector<512x8xf32>
    %get3A_26 = arith.constant 0 : index
    %get3A_27 = arith.constant 0 : index
    %get3A_28 = arith.constant 0 : index
    %get3A_29 = vector.load %arg3[%get3A_26, %get3A_27, %get3A_28] : memref<4x8x128xf32, #tpu.memory_space<vmem>>, vector<1x8x128xf32>
    %get3A_30 = vector.shape_cast %get3A_29 : vector<1x8x128xf32> to vector<8x128xf32>
    %dot_general3A = arith.constant dense<0.000000e+00> : vector<512x128xf32>
    %dot_general3A_31 = tpu.matmul %get3A_25, %get3A_30, %dot_general3A {dimension_numbers = #tpu.dot_dimension_numbers<[1], [0], [0], [1], [0, 0, 1, 1], [], []>, transpose_lhs_hint = false} : vector<512x8xf32>, vector<8x128xf32>, vector<512x128xf32> -> vector<512x128xf32>
    %get3A_32 = arith.constant 0 : index
    %get3A_33 = arith.constant 0 : index
    %get3A_34 = vector.load %arg4[%get3A_32, %get3A_33] : memref<4x128xf32, #tpu.memory_space<vmem>>, vector<1x128xf32>
    %mul3A = vector.broadcast %get3A_34 : vector<1x128xf32> to vector<512x128xf32>
    %mul3A_35 = arith.mulf %dot_general3A_31, %mul3A : vector<512x128xf32>
    %get3A_36 = arith.constant 0 : index
    %get3A_37 = arith.constant 0 : index
    %get3A_38 = vector.load %arg5[%get3A_36, %get3A_37] : memref<4x128xf32, #tpu.memory_space<vmem>>, vector<1x128xf32>
    %add3A = vector.broadcast %get3A_38 : vector<1x128xf32> to vector<512x128xf32>
    %add3A_39 = arith.addf %mul3A_35, %add3A : vector<512x128xf32>
    %get3A_40 = arith.constant 0 : index
    %get3A_41 = arith.constant 0 : index
    %get3A_42 = vector.load %arg2[%get3A_40, %get3A_41] : memref<512x8xf32, #tpu.memory_space<vmem>>, vector<512x8xf32>
    %get3A_43 = arith.constant 1 : index
    %get3A_44 = arith.constant 0 : index
    %get3A_45 = arith.constant 0 : index
    %get3A_46 = vector.load %arg3[%get3A_43, %get3A_44, %get3A_45] : memref<4x8x128xf32, #tpu.memory_space<vmem>>, vector<1x8x128xf32>
    %get3A_47 = vector.shape_cast %get3A_46 : vector<1x8x128xf32> to vector<8x128xf32>
    %dot_general3A_48 = arith.constant dense<0.000000e+00> : vector<512x128xf32>
    %dot_general3A_49 = tpu.matmul %get3A_42, %get3A_47, %dot_general3A_48 {dimension_numbers = #tpu.dot_dimension_numbers<[1], [0], [0], [1], [0, 0, 1, 1], [], []>, transpose_lhs_hint = false} : vector<512x8xf32>, vector<8x128xf32>, vector<512x128xf32> -> vector<512x128xf32>
    %get3A_50 = arith.constant 1 : index
    %get3A_51 = arith.constant 0 : index
    %get3A_52 = vector.load %arg4[%get3A_50, %get3A_51] : memref<4x128xf32, #tpu.memory_space<vmem>>, vector<1x128xf32>
    %mul3A_53 = vector.broadcast %get3A_52 : vector<1x128xf32> to vector<512x128xf32>
    %mul3A_54 = arith.mulf %dot_general3A_49, %mul3A_53 : vector<512x128xf32>
    %get3A_55 = arith.constant 1 : index
    %get3A_56 = arith.constant 0 : index
    %get3A_57 = vector.load %arg5[%get3A_55, %get3A_56] : memref<4x128xf32, #tpu.memory_space<vmem>>, vector<1x128xf32>
    %add3A_58 = vector.broadcast %get3A_57 : vector<1x128xf32> to vector<512x128xf32>
    %add3A_59 = arith.addf %mul3A_54, %add3A_58 : vector<512x128xf32>
    %get3A_60 = arith.constant 0 : index
    %get3A_61 = arith.constant 0 : index
    %get3A_62 = vector.load %arg2[%get3A_60, %get3A_61] : memref<512x8xf32, #tpu.memory_space<vmem>>, vector<512x8xf32>
    %get3A_63 = arith.constant 2 : index
    %get3A_64 = arith.constant 0 : index
    %get3A_65 = arith.constant 0 : index
    %get3A_66 = vector.load %arg3[%get3A_63, %get3A_64, %get3A_65] : memref<4x8x128xf32, #tpu.memory_space<vmem>>, vector<1x8x128xf32>
    %get3A_67 = vector.shape_cast %get3A_66 : vector<1x8x128xf32> to vector<8x128xf32>
    %dot_general3A_68 = arith.constant dense<0.000000e+00> : vector<512x128xf32>
    %dot_general3A_69 = tpu.matmul %get3A_62, %get3A_67, %dot_general3A_68 {dimension_numbers = #tpu.dot_dimension_numbers<[1], [0], [0], [1], [0, 0, 1, 1], [], []>, transpose_lhs_hint = false} : vector<512x8xf32>, vector<8x128xf32>, vector<512x128xf32> -> vector<512x128xf32>
    %get3A_70 = arith.constant 2 : index
    %get3A_71 = arith.constant 0 : index
    %get3A_72 = vector.load %arg4[%get3A_70, %get3A_71] : memref<4x128xf32, #tpu.memory_space<vmem>>, vector<1x128xf32>
    %mul3A_73 = vector.broadcast %get3A_72 : vector<1x128xf32> to vector<512x128xf32>
    %mul3A_74 = arith.mulf %dot_general3A_69, %mul3A_73 : vector<512x128xf32>
    %get3A_75 = arith.constant 2 : index
    %get3A_76 = arith.constant 0 : index
    %get3A_77 = vector.load %arg5[%get3A_75, %get3A_76] : memref<4x128xf32, #tpu.memory_space<vmem>>, vector<1x128xf32>
    %add3A_78 = vector.broadcast %get3A_77 : vector<1x128xf32> to vector<512x128xf32>
    %add3A_79 = arith.addf %mul3A_74, %add3A_78 : vector<512x128xf32>
    %get3A_80 = arith.constant 0 : index
    %get3A_81 = arith.constant 0 : index
    %get3A_82 = vector.load %arg2[%get3A_80, %get3A_81] : memref<512x8xf32, #tpu.memory_space<vmem>>, vector<512x8xf32>
    %get3A_83 = arith.constant 3 : index
    %get3A_84 = arith.constant 0 : index
    %get3A_85 = arith.constant 0 : index
    %get3A_86 = vector.load %arg3[%get3A_83, %get3A_84, %get3A_85] : memref<4x8x128xf32, #tpu.memory_space<vmem>>, vector<1x8x128xf32>
    %get3A_87 = vector.shape_cast %get3A_86 : vector<1x8x128xf32> to vector<8x128xf32>
    %dot_general3A_88 = arith.constant dense<0.000000e+00> : vector<512x128xf32>
    %dot_general3A_89 = tpu.matmul %get3A_82, %get3A_87, %dot_general3A_88 {dimension_numbers = #tpu.dot_dimension_numbers<[1], [0], [0], [1], [0, 0, 1, 1], [], []>, transpose_lhs_hint = false} : vector<512x8xf32>, vector<8x128xf32>, vector<512x128xf32> -> vector<512x128xf32>
    %get3A_90 = arith.constant 3 : index
    %get3A_91 = arith.constant 0 : index
    %get3A_92 = vector.load %arg4[%get3A_90, %get3A_91] : memref<4x128xf32, #tpu.memory_space<vmem>>, vector<1x128xf32>
    %mul3A_93 = vector.broadcast %get3A_92 : vector<1x128xf32> to vector<512x128xf32>
    %mul3A_94 = arith.mulf %dot_general3A_89, %mul3A_93 : vector<512x128xf32>
    %get3A_95 = arith.constant 3 : index
    %get3A_96 = arith.constant 0 : index
    %get3A_97 = vector.load %arg5[%get3A_95, %get3A_96] : memref<4x128xf32, #tpu.memory_space<vmem>>, vector<1x128xf32>
    %add3A_98 = vector.broadcast %get3A_97 : vector<1x128xf32> to vector<512x128xf32>
    %add3A_99 = arith.addf %mul3A_94, %add3A_98 : vector<512x128xf32>
    %get3A_100 = arith.constant 0 : index
    %get3A_101 = arith.constant 0 : index
    %get3A_102 = vector.load %arg21[%get3A_100, %get3A_101] : memref<128x128xbf16, #tpu.memory_space<vmem>>, vector<128x128xbf16>
    %get3A_103 = arith.constant 0 : index
    %get3A_104 = arith.constant 0 : index
    %get3A_105 = vector.load %arg22[%get3A_103, %get3A_104] : memref<128x128xf32, #tpu.memory_space<vmem>>, vector<128x128xf32>
    %get3A_106 = arith.constant 0 : index
    %get3A_107 = arith.constant 0 : index
    %get3A_108 = vector.load %arg7[%get3A_106, %get3A_107] : memref<1x128xf32, #tpu.memory_space<vmem>>, vector<1x128xf32>
    %get3A_109 = arith.constant 0 : index
    %get3A_110 = arith.constant 0 : index
    %get3A_111 = vector.load %arg8[%get3A_109, %get3A_110] : memref<1x128xf32, #tpu.memory_space<vmem>>, vector<1x128xf32>
    %get3A_112 = arith.constant 0 : index
    %get3A_113 = arith.constant 0 : index
    %get3A_114 = vector.load %arg9[%get3A_112, %get3A_113] : memref<128x128xbf16, #tpu.memory_space<vmem>>, vector<128x128xbf16>
    %get3A_115 = arith.constant 0 : index
    %get3A_116 = arith.constant 0 : index
    %get3A_117 = vector.load %arg10[%get3A_115, %get3A_116] : memref<128x128xbf16, #tpu.memory_space<vmem>>, vector<128x128xbf16>
    %get3A_118 = arith.constant 0 : index
    %get3A_119 = arith.constant 0 : index
    %get3A_120 = vector.load %arg11[%get3A_118, %get3A_119] : memref<128x128xbf16, #tpu.memory_space<vmem>>, vector<128x128xbf16>
    %get3A_121 = arith.constant 0 : index
    %get3A_122 = arith.constant 0 : index
    %get3A_123 = vector.load %arg12[%get3A_121, %get3A_122] : memref<128x128xbf16, #tpu.memory_space<vmem>>, vector<128x128xbf16>
    %get3A_124 = arith.constant 0 : index
    %get3A_125 = arith.constant 0 : index
    %get3A_126 = vector.load %arg13[%get3A_124, %get3A_125] : memref<1x128xf32, #tpu.memory_space<vmem>>, vector<1x128xf32>
    %get3A_127 = arith.constant 0 : index
    %get3A_128 = arith.constant 0 : index
    %get3A_129 = vector.load %arg14[%get3A_127, %get3A_128] : memref<1x128xf32, #tpu.memory_space<vmem>>, vector<1x128xf32>
    %get3A_130 = arith.constant 0 : index
    %get3A_131 = arith.constant 0 : index
    %get3A_132 = vector.load %arg15[%get3A_130, %get3A_131] : memref<128x512xbf16, #tpu.memory_space<vmem>>, vector<128x512xbf16>
    %get3A_133 = arith.constant 0 : index
    %get3A_134 = arith.constant 0 : index
    %get3A_135 = vector.load %arg16[%get3A_133, %get3A_134] : memref<1x512xf32, #tpu.memory_space<vmem>>, vector<1x512xf32>
    %get3A_136 = arith.constant 0 : index
    %get3A_137 = arith.constant 0 : index
    %get3A_138 = vector.load %arg17[%get3A_136, %get3A_137] : memref<512x128xbf16, #tpu.memory_space<vmem>>, vector<512x128xbf16>
    %get3A_139 = arith.constant 0 : index
    %get3A_140 = arith.constant 0 : index
    %get3A_141 = vector.load %arg18[%get3A_139, %get3A_140] : memref<1x128xf32, #tpu.memory_space<vmem>>, vector<1x128xf32>
    %broadcast_in_dim3A_142 = vector.shape_cast %broadcast_in_dim3A_2 : vector<512x128xf32> to vector<1x512x128xf32>
    %broadcast_in_dim3A_143 = vector.shape_cast %get3A_7 : vector<512x128xf32> to vector<1x512x128xf32>
    %broadcast_in_dim3A_144 = vector.shape_cast %get3A_12 : vector<512x128xf32> to vector<1x512x128xf32>
    %broadcast_in_dim3A_145 = vector.shape_cast %get3A_17 : vector<512x128xf32> to vector<1x512x128xf32>
    %broadcast_in_dim3A_146 = vector.shape_cast %get3A_22 : vector<512x128xf32> to vector<1x512x128xf32>
    %broadcast_in_dim3A_147 = vector.shape_cast %add3A_39 : vector<512x128xf32> to vector<1x512x128xf32>
    %broadcast_in_dim3A_148 = vector.shape_cast %add3A_59 : vector<512x128xf32> to vector<1x512x128xf32>
    %broadcast_in_dim3A_149 = vector.shape_cast %add3A_79 : vector<512x128xf32> to vector<1x512x128xf32>
    %broadcast_in_dim3A_150 = vector.shape_cast %add3A_99 : vector<512x128xf32> to vector<1x512x128xf32>
    %concatenate3A = tpu.concatenate %broadcast_in_dim3A_142, %broadcast_in_dim3A_143, %broadcast_in_dim3A_144, %broadcast_in_dim3A_145, %broadcast_in_dim3A_146, %broadcast_in_dim3A_147, %broadcast_in_dim3A_148, %broadcast_in_dim3A_149, %broadcast_in_dim3A_150 in 0 : vector<1x512x128xf32>, vector<1x512x128xf32>, vector<1x512x128xf32>, vector<1x512x128xf32>, vector<1x512x128xf32>, vector<1x512x128xf32>, vector<1x512x128xf32>, vector<1x512x128xf32>, vector<1x512x128xf32> -> vector<9x512x128xf32>
    %reshape3A = vector.shape_cast %concatenate3A : vector<9x512x128xf32> to vector<4608x128xf32>
    %dot_general3A_151 = arith.constant dense<0.000000e+00> : vector<4608x128xf32>
    %dot_general3A_152 = tpu.matmul %reshape3A, %get3A_105, %dot_general3A_151 {dimension_numbers = #tpu.dot_dimension_numbers<[1], [0], [0], [1], [0, 0, 1, 1], [], []>, transpose_lhs_hint = false} : vector<4608x128xf32>, vector<128x128xf32>, vector<4608x128xf32> -> vector<4608x128xf32>
    %mul3A_153 = arith.mulf %reshape3A, %reshape3A : vector<4608x128xf32>
    %dot_general3A_154 = arith.constant dense<0.000000e+00> : vector<4608x128xf32>
    %dot_general3A_155 = tpu.matmul %mul3A_153, %get3A_105, %dot_general3A_154 {dimension_numbers = #tpu.dot_dimension_numbers<[1], [0], [0], [1], [0, 0, 1, 1], [], []>, transpose_lhs_hint = false} : vector<4608x128xf32>, vector<128x128xf32>, vector<4608x128xf32> -> vector<4608x128xf32>
    %mul3A_156 = arith.mulf %dot_general3A_152, %dot_general3A_152 : vector<4608x128xf32>
    %sub3A = arith.subf %dot_general3A_155, %mul3A_156 : vector<4608x128xf32>
    %add3A_157 = arith.constant 9.99999974E-6 : f32
    %add3A_158 = vector.broadcast %add3A_157 : f32 to vector<4608x128xf32>
    %add3A_159 = arith.addf %sub3A, %add3A_158 : vector<4608x128xf32>
    %rsqrt3A = math.rsqrt %add3A_159 : vector<4608x128xf32>
    %convert_element_type3A = arith.truncf %rsqrt3A : vector<4608x128xf32> to vector<4608x128xbf16>
    %convert_element_type3A_160 = arith.truncf %get3A_108 : vector<1x128xf32> to vector<1x128xbf16>
    %mul3A_161 = vector.broadcast %convert_element_type3A_160 : vector<1x128xbf16> to vector<4608x128xbf16>
    %mul3A_162 = arith.mulf %convert_element_type3A, %mul3A_161 : vector<4608x128xbf16>
    %sub3A_163 = arith.subf %reshape3A, %dot_general3A_152 : vector<4608x128xf32>
    %convert_element_type3A_164 = arith.truncf %sub3A_163 : vector<4608x128xf32> to vector<4608x128xbf16>
    %mul3A_165 = arith.mulf %convert_element_type3A_164, %mul3A_162 : vector<4608x128xbf16>
    %convert_element_type3A_166 = arith.truncf %get3A_111 : vector<1x128xf32> to vector<1x128xbf16>
    %add3A_167 = vector.broadcast %convert_element_type3A_166 : vector<1x128xbf16> to vector<4608x128xbf16>
    %add3A_168 = arith.addf %mul3A_165, %add3A_167 : vector<4608x128xbf16>
    %slice3A = vector.extract_strided_slice %add3A_168 {offsets = [0, 0], sizes = [512, 128], strides = [1, 1]} : vector<4608x128xbf16> to vector<512x128xbf16>
    %dot_general3A_169 = arith.constant dense<0.000000e+00> : vector<512x128xf32>
    %dot_general3A_170 = tpu.matmul %slice3A, %get3A_114, %dot_general3A_169 {dimension_numbers = #tpu.dot_dimension_numbers<[1], [0], [0], [1], [0, 0, 1, 1], [], []>, transpose_lhs_hint = false} : vector<512x128xbf16>, vector<128x128xbf16>, vector<512x128xf32> -> vector<512x128xf32>
    %convert_element_type3A_171 = arith.truncf %dot_general3A_170 : vector<512x128xf32> to vector<512x128xbf16>
    %dot_general3A_172 = arith.constant dense<0.000000e+00> : vector<4608x128xf32>
    %dot_general3A_173 = tpu.matmul %add3A_168, %get3A_117, %dot_general3A_172 {dimension_numbers = #tpu.dot_dimension_numbers<[1], [0], [0], [1], [0, 0, 1, 1], [], []>, transpose_lhs_hint = false} : vector<4608x128xbf16>, vector<128x128xbf16>, vector<4608x128xf32> -> vector<4608x128xf32>
    %convert_element_type3A_174 = arith.truncf %dot_general3A_173 : vector<4608x128xf32> to vector<4608x128xbf16>
    %reshape3A_175 = vector.shape_cast %convert_element_type3A_174 : vector<4608x128xbf16> to vector<9x512x128xbf16>
    %dot_general3A_176 = arith.constant dense<0.000000e+00> : vector<4608x128xf32>
    %dot_general3A_177 = tpu.matmul %add3A_168, %get3A_120, %dot_general3A_176 {dimension_numbers = #tpu.dot_dimension_numbers<[1], [0], [0], [1], [0, 0, 1, 1], [], []>, transpose_lhs_hint = false} : vector<4608x128xbf16>, vector<128x128xbf16>, vector<4608x128xf32> -> vector<4608x128xf32>
    %convert_element_type3A_178 = arith.truncf %dot_general3A_177 : vector<4608x128xf32> to vector<4608x128xbf16>
    %reshape3A_179 = vector.shape_cast %convert_element_type3A_178 : vector<4608x128xbf16> to vector<9x512x128xbf16>
    %broadcast_in_dim3A_180 = vector.shape_cast %convert_element_type3A_171 : vector<512x128xbf16> to vector<1x512x128xbf16>
    %mul3A_181 = vector.broadcast %broadcast_in_dim3A_180 : vector<1x512x128xbf16> to vector<9x512x128xbf16>
    %mul3A_182 = arith.mulf %mul3A_181, %reshape3A_175 : vector<9x512x128xbf16>
    %reshape3A_183 = vector.shape_cast %mul3A_182 : vector<9x512x128xbf16> to vector<4608x128xbf16>
    %dot_general3A_184 = arith.constant dense<0.000000e+00> : vector<4608x128xf32>
    %dot_general3A_185 = tpu.matmul %reshape3A_183, %get3A_102, %dot_general3A_184 {dimension_numbers = #tpu.dot_dimension_numbers<[1], [0], [0], [1], [0, 0, 1, 1], [], []>, transpose_lhs_hint = false} : vector<4608x128xbf16>, vector<128x128xbf16>, vector<4608x128xf32> -> vector<4608x128xf32>
    %convert_element_type3A_186 = arith.truncf %dot_general3A_185 : vector<4608x128xf32> to vector<4608x128xbf16>
    %reshape3A_187 = vector.shape_cast %convert_element_type3A_186 : vector<4608x128xbf16> to vector<9x512x128xbf16>
    %exp3A = math.exp %reshape3A_187 : vector<9x512x128xbf16>
    %convert_element_type3A_188 = arith.extf %exp3A : vector<9x512x128xbf16> to vector<9x512x128xf32>
    %reduce_sum3A = arith.constant dense<0.000000e+00> : vector<512x128xf32>
    %reduce_sum3A_189 = vector.multi_reduction <add>, %convert_element_type3A_188, %reduce_sum3A [0] : vector<9x512x128xf32> to vector<512x128xf32>
    %convert_element_type3A_190 = arith.truncf %reduce_sum3A_189 : vector<512x128xf32> to vector<512x128xbf16>
    %convert_element_type3A_191 = arith.extf %convert_element_type3A_190 : vector<512x128xbf16> to vector<512x128xf32>
    %mul3A_192 = arith.mulf %exp3A, %reshape3A_179 : vector<9x512x128xbf16>
    %convert_element_type3A_193 = arith.extf %mul3A_192 : vector<9x512x128xbf16> to vector<9x512x128xf32>
    %reduce_sum3A_194 = arith.constant dense<0.000000e+00> : vector<512x128xf32>
    %reduce_sum3A_195 = vector.multi_reduction <add>, %convert_element_type3A_193, %reduce_sum3A_194 [0] : vector<9x512x128xf32> to vector<512x128xf32>
    %convert_element_type3A_196 = arith.truncf %reduce_sum3A_195 : vector<512x128xf32> to vector<512x128xbf16>
    %convert_element_type3A_197 = arith.extf %convert_element_type3A_196 : vector<512x128xbf16> to vector<512x128xf32>
    %div3A = arith.divf %convert_element_type3A_197, %convert_element_type3A_191 : vector<512x128xf32>
    %convert_element_type3A_198 = arith.truncf %div3A : vector<512x128xf32> to vector<512x128xbf16>
    %dot_general3A_199 = arith.constant dense<0.000000e+00> : vector<512x128xf32>
    %dot_general3A_200 = tpu.matmul %convert_element_type3A_198, %get3A_123, %dot_general3A_199 {dimension_numbers = #tpu.dot_dimension_numbers<[1], [0], [0], [1], [0, 0, 1, 1], [], []>, transpose_lhs_hint = false} : vector<512x128xbf16>, vector<128x128xbf16>, vector<512x128xf32> -> vector<512x128xf32>
    %add3A_201 = arith.addf %broadcast_in_dim3A_2, %dot_general3A_200 : vector<512x128xf32>
    %dot_general3A_202 = arith.constant dense<0.000000e+00> : vector<512x128xf32>
    %dot_general3A_203 = tpu.matmul %add3A_201, %get3A_105, %dot_general3A_202 {dimension_numbers = #tpu.dot_dimension_numbers<[1], [0], [0], [1], [0, 0, 1, 1], [], []>, transpose_lhs_hint = false} : vector<512x128xf32>, vector<128x128xf32>, vector<512x128xf32> -> vector<512x128xf32>
    %mul3A_204 = arith.mulf %add3A_201, %add3A_201 : vector<512x128xf32>
    %dot_general3A_205 = arith.constant dense<0.000000e+00> : vector<512x128xf32>
    %dot_general3A_206 = tpu.matmul %mul3A_204, %get3A_105, %dot_general3A_205 {dimension_numbers = #tpu.dot_dimension_numbers<[1], [0], [0], [1], [0, 0, 1, 1], [], []>, transpose_lhs_hint = false} : vector<512x128xf32>, vector<128x128xf32>, vector<512x128xf32> -> vector<512x128xf32>
    %mul3A_207 = arith.mulf %dot_general3A_203, %dot_general3A_203 : vector<512x128xf32>
    %sub3A_208 = arith.subf %dot_general3A_206, %mul3A_207 : vector<512x128xf32>
    %add3A_209 = arith.constant 9.99999974E-6 : f32
    %add3A_210 = vector.broadcast %add3A_209 : f32 to vector<512x128xf32>
    %add3A_211 = arith.addf %sub3A_208, %add3A_210 : vector<512x128xf32>
    %rsqrt3A_212 = math.rsqrt %add3A_211 : vector<512x128xf32>
    %convert_element_type3A_213 = arith.truncf %rsqrt3A_212 : vector<512x128xf32> to vector<512x128xbf16>
    %convert_element_type3A_214 = arith.truncf %get3A_126 : vector<1x128xf32> to vector<1x128xbf16>
    %mul3A_215 = vector.broadcast %convert_element_type3A_214 : vector<1x128xbf16> to vector<512x128xbf16>
    %mul3A_216 = arith.mulf %convert_element_type3A_213, %mul3A_215 : vector<512x128xbf16>
    %sub3A_217 = arith.subf %add3A_201, %dot_general3A_203 : vector<512x128xf32>
    %convert_element_type3A_218 = arith.truncf %sub3A_217 : vector<512x128xf32> to vector<512x128xbf16>
    %mul3A_219 = arith.mulf %convert_element_type3A_218, %mul3A_216 : vector<512x128xbf16>
    %convert_element_type3A_220 = arith.truncf %get3A_129 : vector<1x128xf32> to vector<1x128xbf16>
    %add3A_221 = vector.broadcast %convert_element_type3A_220 : vector<1x128xbf16> to vector<512x128xbf16>
    %add3A_222 = arith.addf %mul3A_219, %add3A_221 : vector<512x128xbf16>
    %dot_general3A_223 = arith.constant dense<0.000000e+00> : vector<512x512xf32>
    %dot_general3A_224 = tpu.matmul %add3A_222, %get3A_132, %dot_general3A_223 {dimension_numbers = #tpu.dot_dimension_numbers<[1], [0], [0], [1], [0, 0, 1, 1], [], []>, transpose_lhs_hint = false} : vector<512x128xbf16>, vector<128x512xbf16>, vector<512x512xf32> -> vector<512x512xf32>
    %add3A_225 = vector.broadcast %get3A_135 : vector<1x512xf32> to vector<512x512xf32>
    %add3A_226 = arith.addf %dot_general3A_224, %add3A_225 : vector<512x512xf32>
    %convert_element_type3A_227 = arith.truncf %add3A_226 : vector<512x512xf32> to vector<512x512xbf16>
    %integer_pow3A = arith.mulf %convert_element_type3A_227, %convert_element_type3A_227 : vector<512x512xbf16>
    %integer_pow3A_228 = arith.mulf %convert_element_type3A_227, %integer_pow3A : vector<512x512xbf16>
    %mul3A_229 = arith.constant 4.467770e-02 : bf16
    %mul3A_230 = vector.broadcast %mul3A_229 : bf16 to vector<512x512xbf16>
    %mul3A_231 = arith.mulf %mul3A_230, %integer_pow3A_228 : vector<512x512xbf16>
    %add3A_232 = arith.addf %convert_element_type3A_227, %mul3A_231 : vector<512x512xbf16>
    %mul3A_233 = arith.constant 7.968750e-01 : bf16
    %mul3A_234 = vector.broadcast %mul3A_233 : bf16 to vector<512x512xbf16>
    %mul3A_235 = arith.mulf %mul3A_234, %add3A_232 : vector<512x512xbf16>
    %tanh3A = math.tanh %mul3A_235 : vector<512x512xbf16>
    %add3A_236 = arith.constant 1.000000e+00 : bf16
    %add3A_237 = vector.broadcast %add3A_236 : bf16 to vector<512x512xbf16>
    %add3A_238 = arith.addf %add3A_237, %tanh3A : vector<512x512xbf16>
    %mul3A_239 = arith.constant 5.000000e-01 : bf16
    %mul3A_240 = vector.broadcast %mul3A_239 : bf16 to vector<512x512xbf16>
    %mul3A_241 = arith.mulf %mul3A_240, %add3A_238 : vector<512x512xbf16>
    %mul3A_242 = arith.mulf %convert_element_type3A_227, %mul3A_241 : vector<512x512xbf16>
    %dot_general3A_243 = arith.constant dense<0.000000e+00> : vector<512x128xf32>
    %dot_general3A_244 = tpu.matmul %mul3A_242, %get3A_138, %dot_general3A_243 {dimension_numbers = #tpu.dot_dimension_numbers<[1], [0], [0], [1], [0, 0, 1, 1], [], []>, transpose_lhs_hint = false} : vector<512x512xbf16>, vector<512x128xbf16>, vector<512x128xf32> -> vector<512x128xf32>
    %add3A_245 = arith.addf %add3A_201, %dot_general3A_244 : vector<512x128xf32>
    %add3A_246 = vector.broadcast %get3A_141 : vector<1x128xf32> to vector<512x128xf32>
    %add3A_247 = arith.addf %add3A_245, %add3A_246 : vector<512x128xf32>
    %max3A = arith.constant 0.000000e+00 : f32
    %max3A_248 = vector.broadcast %max3A : f32 to vector<512x128xf32>
    %max3A_249 = arith.maximumf %add3A_247, %max3A_248 : vector<512x128xf32>
    %convert_element_type3A_250 = arith.truncf %max3A_249 : vector<512x128xf32> to vector<512x128xbf16>
    %get3A_251 = arith.constant 0 : index
    %get3A_252 = arith.constant 0 : index
    %get3A_253 = vector.load %arg19[%get3A_251, %get3A_252] : memref<128x128xbf16, #tpu.memory_space<vmem>>, vector<128x128xbf16>
    %dot_general3A_254 = arith.constant dense<0.000000e+00> : vector<512x128xf32>
    %dot_general3A_255 = tpu.matmul %convert_element_type3A_250, %get3A_253, %dot_general3A_254 {dimension_numbers = #tpu.dot_dimension_numbers<[1], [0], [0], [1], [0, 0, 1, 1], [], []>, transpose_lhs_hint = false} : vector<512x128xbf16>, vector<128x128xbf16>, vector<512x128xf32> -> vector<512x128xf32>
    %get3A_256 = arith.constant 0 : index
    %get3A_257 = arith.constant 0 : index
    %get3A_258 = vector.load %arg20[%get3A_256, %get3A_257] : memref<1x128xf32, #tpu.memory_space<vmem>>, vector<1x128xf32>
    %add3A_259 = vector.broadcast %get3A_258 : vector<1x128xf32> to vector<512x128xf32>
    %add3A_260 = arith.addf %dot_general3A_255, %add3A_259 : vector<512x128xf32>
    %swap3A = arith.constant 0 : index
    %swap3A_261 = arith.constant 0 : index
    %swap3A_262 = vector.load %arg23[%swap3A, %swap3A_261] : memref<512x128xf32, #tpu.memory_space<vmem>>, vector<512x128xf32>
    tpu.vector_store %arg23[%swap3A, %swap3A_261], %add3A_260 {strides = array<i32>} : memref<512x128xf32, #tpu.memory_space<vmem>>, vector<512x128xf32>,
    return
  }
  func.func @transform_0(%arg0: i32) -> (i32, i32, i32) {
    %c0_i32 = arith.constant 0 : i32
    %c0_i32_0 = arith.constant 0 : i32
    %c0_i32_1 = arith.constant 0 : i32
    return %c0_i32, %arg0, %c0_i32_0 : i32, i32, i32
  }
  func.func @transform_1(%arg0: i32) -> (i32, i32) {
    %c0_i32 = arith.constant 0 : i32
    %c0_i32_0 = arith.constant 0 : i32
    return %arg0, %c0_i32 : i32, i32
  }
  func.func @transform_2(%arg0: i32) -> (i32, i32, i32) {
    %c0_i32 = arith.constant 0 : i32
    %c0_i32_0 = arith.constant 0 : i32
    %c0_i32_1 = arith.constant 0 : i32
    %c0_i32_2 = arith.constant 0 : i32
    return %c0_i32, %c0_i32_0, %c0_i32_1 : i32, i32, i32
  }
  func.func @transform_3(%arg0: i32) -> (i32, i32) {
    %c0_i32 = arith.constant 0 : i32
    %c0_i32_0 = arith.constant 0 : i32
    %c0_i32_1 = arith.constant 0 : i32
    return %c0_i32, %c0_i32_0 : i32, i32
  }
  func.func @transform_4(%arg0: i32) -> (i32, i32) {
    %c0_i32 = arith.constant 0 : i32
    %c0_i32_0 = arith.constant 0 : i32
    %c0_i32_1 = arith.constant 0 : i32
    return %c0_i32, %c0_i32_0 : i32, i32
  }
  func.func @transform_5(%arg0: i32) -> (i32, i32) {
    %c0_i32 = arith.constant 0 : i32
    %c0_i32_0 = arith.constant 0 : i32
    %c0_i32_1 = arith.constant 0 : i32
    return %c0_i32, %c0_i32_0 : i32, i32
  }
  func.func @transform_6(%arg0: i32) -> (i32, i32) {
    %c0_i32 = arith.constant 0 : i32
    %c0_i32_0 = arith.constant 0 : i32
    %c0_i32_1 = arith.constant 0 : i32
    return %c0_i32, %c0_i32_0 : i32, i32
  }
  func.func @transform_7(%arg0: i32) -> (i32, i32) {
    %c0_i32 = arith.constant 0 : i32
    %c0_i32_0 = arith.constant 0 : i32
    %c0_i32_1 = arith.constant 0 : i32
    return %c0_i32, %c0_i32_0 : i32, i32
  }
  func.func @transform_8(%arg0: i32) -> (i32, i32) {
    %c0_i32 = arith.constant 0 : i32
    %c0_i32_0 = arith.constant 0 : i32
    %c0_i32_1 = arith.constant 0 : i32
    return %c0_i32, %c0_i32_0 : i32, i32
  }
  func.func @transform_9(%arg0: i32) -> (i32, i32) {
    %c0_i32 = arith.constant 0 : i32
    %c0_i32_0 = arith.constant 0 : i32
    %c0_i32_1 = arith.constant 0 : i32
    return %c0_i32, %c0_i32_0 : i32, i32
  }
  func.func @transform_10(%arg0: i32) -> (i32, i32) {
    %c0_i32 = arith.constant 0 : i32
    %c0_i32_0 = arith.constant 0 : i32
    %c0_i32_1 = arith.constant 0 : i32
    return %c0_i32, %c0_i32_0 : i32, i32
  }
  func.func @transform_11(%arg0: i32) -> (i32, i32) {
    %c0_i32 = arith.constant 0 : i32
    %c0_i32_0 = arith.constant 0 : i32
    %c0_i32_1 = arith.constant 0 : i32
    return %c0_i32, %c0_i32_0 : i32, i32
  }
  func.func @transform_12(%arg0: i32) -> (i32, i32) {
    %c0_i32 = arith.constant 0 : i32
    %c0_i32_0 = arith.constant 0 : i32
    %c0_i32_1 = arith.constant 0 : i32
    return %c0_i32, %c0_i32_0 : i32, i32
  }
  func.func @transform_13(%arg0: i32) -> (i32, i32) {
    %c0_i32 = arith.constant 0 : i32
    %c0_i32_0 = arith.constant 0 : i32
    %c0_i32_1 = arith.constant 0 : i32
    return %c0_i32, %c0_i32_0 : i32, i32
  }
  func.func @transform_14(%arg0: i32) -> (i32, i32) {
    %c0_i32 = arith.constant 0 : i32
    %c0_i32_0 = arith.constant 0 : i32
    %c0_i32_1 = arith.constant 0 : i32
    return %c0_i32, %c0_i32_0 : i32, i32
  }
  func.func @transform_15(%arg0: i32) -> (i32, i32) {
    %c0_i32 = arith.constant 0 : i32
    %c0_i32_0 = arith.constant 0 : i32
    %c0_i32_1 = arith.constant 0 : i32
    return %c0_i32, %c0_i32_0 : i32, i32
  }
  func.func @transform_16(%arg0: i32) -> (i32, i32) {
    %c0_i32 = arith.constant 0 : i32
    %c0_i32_0 = arith.constant 0 : i32
    %c0_i32_1 = arith.constant 0 : i32
    return %c0_i32, %c0_i32_0 : i32, i32
  }
  func.func @transform_17(%arg0: i32) -> (i32, i32) {
    %c0_i32 = arith.constant 0 : i32
    %c0_i32_0 = arith.constant 0 : i32
    %c0_i32_1 = arith.constant 0 : i32
    return %c0_i32, %c0_i32_0 : i32, i32
  }
  func.func @transform_18(%arg0: i32) -> (i32, i32) {
    %c0_i32 = arith.constant 0 : i32
    %c0_i32_0 = arith.constant 0 : i32
    %c0_i32_1 = arith.constant 0 : i32
    return %c0_i32, %c0_i32_0 : i32, i32
  }
  func.func @transform_19(%arg0: i32) -> (i32, i32) {
    %c0_i32 = arith.constant 0 : i32
    %c0_i32_0 = arith.constant 0 : i32
    %c0_i32_1 = arith.constant 0 : i32
    return %c0_i32, %c0_i32_0 : i32, i32
  }
  func.func @transform_20(%arg0: i32) -> (i32, i32) {
    %c0_i32 = arith.constant 0 : i32
    %c0_i32_0 = arith.constant 0 : i32
    %c0_i32_1 = arith.constant 0 : i32
    return %c0_i32, %c0_i32_0 : i32, i32
  }
  func.func @transform_21(%arg0: i32) -> (i32, i32) {
    %c0_i32 = arith.constant 0 : i32
    %c0_i32_0 = arith.constant 0 : i32
    %c0_i32_1 = arith.constant 0 : i32
    return %c0_i32, %c0_i32_0 : i32, i32
  }
  func.func @transform_22(%arg0: i32) -> (i32, i32) {
    %c0_i32 = arith.constant 0 : i32
    %c0_i32_0 = arith.constant 0 : i32
    return %arg0, %c0_i32 : i32, i32
  }
}

module attributes {stable_mosaic.version = 14 : i64} {
  func.func @_order0_body(%arg0: i32, %arg1: memref<3x512x128xf32, #tpu.memory_space<vmem>>, %arg2: memref<512x12xf32, #tpu.memory_space<vmem>>, %arg3: memref<6x12x128xf32, #tpu.memory_space<vmem>>, %arg4: memref<6x128xf32, #tpu.memory_space<vmem>>, %arg5: memref<6x128xf32, #tpu.memory_space<vmem>>, %arg6: memref<1x128xf32, #tpu.memory_space<vmem>>, %arg7: memref<1x128xf32, #tpu.memory_space<vmem>>, %arg8: memref<1x128xf32, #tpu.memory_space<vmem>>, %arg9: memref<128x128xbf16, #tpu.memory_space<vmem>>, %arg10: memref<128x128xbf16, #tpu.memory_space<vmem>>, %arg11: memref<128x128xbf16, #tpu.memory_space<vmem>>, %arg12: memref<128x128xbf16, #tpu.memory_space<vmem>>, %arg13: memref<1x128xf32, #tpu.memory_space<vmem>>, %arg14: memref<1x128xf32, #tpu.memory_space<vmem>>, %arg15: memref<128x512xbf16, #tpu.memory_space<vmem>>, %arg16: memref<1x512xf32, #tpu.memory_space<vmem>>, %arg17: memref<512x128xbf16, #tpu.memory_space<vmem>>, %arg18: memref<1x128xf32, #tpu.memory_space<vmem>>, %arg19: memref<1x128xf32, #tpu.memory_space<vmem>>, %arg20: memref<1x128xf32, #tpu.memory_space<vmem>>, %arg21: memref<128x128xbf16, #tpu.memory_space<vmem>>, %arg22: memref<1x128xf32, #tpu.memory_space<vmem>>, %arg23: memref<128x128xbf16, #tpu.memory_space<vmem>>, %arg24: memref<128x128xf32, #tpu.memory_space<vmem>>, %arg25: memref<10x512x128xbf16, #tpu.memory_space<vmem>>) attributes {dimension_semantics = [#tpu.dimension_semantics<arbitrary>], iteration_bounds = array<i64: 16>, scalar_prefetch = 0 : i64, scratch_operands = 0 : i64, tpu.core_type = #tpu.core_type<tc>, window_params = [{transform_indices = @transform_0, window_bounds = array<i64: 3, 512, 128>}, {transform_indices = @transform_1, window_bounds = array<i64: 512, 12>}, {pipeline_mode = #tpu.pipeline_mode<synchronous>, transform_indices = @transform_2, window_bounds = array<i64: 6, 12, 128>}, {pipeline_mode = #tpu.pipeline_mode<synchronous>, transform_indices = @transform_3, window_bounds = array<i64: 6, 128>}, {pipeline_mode = #tpu.pipeline_mode<synchronous>, transform_indices = @transform_4, window_bounds = array<i64: 6, 128>}, {pipeline_mode = #tpu.pipeline_mode<synchronous>, transform_indices = @transform_5, window_bounds = array<i64: 1, 128>}, {pipeline_mode = #tpu.pipeline_mode<synchronous>, transform_indices = @transform_6, window_bounds = array<i64: 1, 128>}, {pipeline_mode = #tpu.pipeline_mode<synchronous>, transform_indices = @transform_7, window_bounds = array<i64: 1, 128>}, {pipeline_mode = #tpu.pipeline_mode<synchronous>, transform_indices = @transform_8, window_bounds = array<i64: 128, 128>}, {pipeline_mode = #tpu.pipeline_mode<synchronous>, transform_indices = @transform_9, window_bounds = array<i64: 128, 128>}, {pipeline_mode = #tpu.pipeline_mode<synchronous>, transform_indices = @transform_10, window_bounds = array<i64: 128, 128>}, {pipeline_mode = #tpu.pipeline_mode<synchronous>, transform_indices = @transform_11, window_bounds = array<i64: 128, 128>}, {pipeline_mode = #tpu.pipeline_mode<synchronous>, transform_indices = @transform_12, window_bounds = array<i64: 1, 128>}, {pipeline_mode = #tpu.pipeline_mode<synchronous>, transform_indices = @transform_13, window_bounds = array<i64: 1, 128>}, {pipeline_mode = #tpu.pipeline_mode<synchronous>, transform_indices = @transform_14, window_bounds = array<i64: 128, 512>}, {pipeline_mode = #tpu.pipeline_mode<synchronous>, transform_indices = @transform_15, window_bounds = array<i64: 1, 512>}, {pipeline_mode = #tpu.pipeline_mode<synchronous>, transform_indices = @transform_16, window_bounds = array<i64: 512, 128>}, {pipeline_mode = #tpu.pipeline_mode<synchronous>, transform_indices = @transform_17, window_bounds = array<i64: 1, 128>}, {pipeline_mode = #tpu.pipeline_mode<synchronous>, transform_indices = @transform_18, window_bounds = array<i64: 1, 128>}, {pipeline_mode = #tpu.pipeline_mode<synchronous>, transform_indices = @transform_19, window_bounds = array<i64: 1, 128>}, {pipeline_mode = #tpu.pipeline_mode<synchronous>, transform_indices = @transform_20, window_bounds = array<i64: 128, 128>}, {pipeline_mode = #tpu.pipeline_mode<synchronous>, transform_indices = @transform_21, window_bounds = array<i64: 1, 128>}, {pipeline_mode = #tpu.pipeline_mode<synchronous>, transform_indices = @transform_22, window_bounds = array<i64: 128, 128>}, {pipeline_mode = #tpu.pipeline_mode<synchronous>, transform_indices = @transform_23, window_bounds = array<i64: 128, 128>}, {transform_indices = @transform_24, window_bounds = array<i64: 10, 512, 128>}]} {
    %get3A = arith.constant 0 : index
    %get3A_0 = arith.constant 0 : index
    %get3A_1 = vector.load %arg6[%get3A, %get3A_0] : memref<1x128xf32, #tpu.memory_space<vmem>>, vector<1x128xf32>
    %broadcast_in_dim3A = vector.shape_cast %get3A_1 : vector<1x128xf32> to vector<1x128xf32>
    %broadcast_in_dim3A_2 = vector.broadcast %broadcast_in_dim3A : vector<1x128xf32> to vector<512x128xf32>
    %get3A_3 = arith.constant 0 : index
    %get3A_4 = arith.constant 0 : index
    %get3A_5 = arith.constant 0 : index
    %get3A_6 = vector.load %arg1[%get3A_3, %get3A_4, %get3A_5] : memref<3x512x128xf32, #tpu.memory_space<vmem>>, vector<1x512x128xf32>
    %get3A_7 = vector.shape_cast %get3A_6 : vector<1x512x128xf32> to vector<512x128xf32>
    %get3A_8 = arith.constant 1 : index
    %get3A_9 = arith.constant 0 : index
    %get3A_10 = arith.constant 0 : index
    %get3A_11 = vector.load %arg1[%get3A_8, %get3A_9, %get3A_10] : memref<3x512x128xf32, #tpu.memory_space<vmem>>, vector<1x512x128xf32>
    %get3A_12 = vector.shape_cast %get3A_11 : vector<1x512x128xf32> to vector<512x128xf32>
    %get3A_13 = arith.constant 2 : index
    %get3A_14 = arith.constant 0 : index
    %get3A_15 = arith.constant 0 : index
    %get3A_16 = vector.load %arg1[%get3A_13, %get3A_14, %get3A_15] : memref<3x512x128xf32, #tpu.memory_space<vmem>>, vector<1x512x128xf32>
    %get3A_17 = vector.shape_cast %get3A_16 : vector<1x512x128xf32> to vector<512x128xf32>
    %get3A_18 = arith.constant 0 : index
    %get3A_19 = arith.constant 0 : index
    %get3A_20 = vector.load %arg2[%get3A_18, %get3A_19] : memref<512x12xf32, #tpu.memory_space<vmem>>, vector<512x12xf32>
    %get3A_21 = arith.constant 0 : index
    %get3A_22 = arith.constant 0 : index
    %get3A_23 = arith.constant 0 : index
    %get3A_24 = vector.load %arg3[%get3A_21, %get3A_22, %get3A_23] : memref<6x12x128xf32, #tpu.memory_space<vmem>>, vector<1x12x128xf32>
    %get3A_25 = vector.shape_cast %get3A_24 : vector<1x12x128xf32> to vector<12x128xf32>
    %dot_general3A = arith.constant dense<0.000000e+00> : vector<512x128xf32>
    %dot_general3A_26 = tpu.matmul %get3A_20, %get3A_25, %dot_general3A {dimension_numbers = #tpu.dot_dimension_numbers<[1], [0], [0], [1], [0, 0, 1, 1], [], []>, transpose_lhs_hint = false} : vector<512x12xf32>, vector<12x128xf32>, vector<512x128xf32> -> vector<512x128xf32>
    %get3A_27 = arith.constant 0 : index
    %get3A_28 = arith.constant 0 : index
    %get3A_29 = vector.load %arg4[%get3A_27, %get3A_28] : memref<6x128xf32, #tpu.memory_space<vmem>>, vector<1x128xf32>
    %mul3A = vector.broadcast %get3A_29 : vector<1x128xf32> to vector<512x128xf32>
    %mul3A_30 = arith.mulf %dot_general3A_26, %mul3A : vector<512x128xf32>
    %get3A_31 = arith.constant 0 : index
    %get3A_32 = arith.constant 0 : index
    %get3A_33 = vector.load %arg5[%get3A_31, %get3A_32] : memref<6x128xf32, #tpu.memory_space<vmem>>, vector<1x128xf32>
    %add3A = vector.broadcast %get3A_33 : vector<1x128xf32> to vector<512x128xf32>
    %add3A_34 = arith.addf %mul3A_30, %add3A : vector<512x128xf32>
    %get3A_35 = arith.constant 0 : index
    %get3A_36 = arith.constant 0 : index
    %get3A_37 = vector.load %arg2[%get3A_35, %get3A_36] : memref<512x12xf32, #tpu.memory_space<vmem>>, vector<512x12xf32>
    %get3A_38 = arith.constant 1 : index
    %get3A_39 = arith.constant 0 : index
    %get3A_40 = arith.constant 0 : index
    %get3A_41 = vector.load %arg3[%get3A_38, %get3A_39, %get3A_40] : memref<6x12x128xf32, #tpu.memory_space<vmem>>, vector<1x12x128xf32>
    %get3A_42 = vector.shape_cast %get3A_41 : vector<1x12x128xf32> to vector<12x128xf32>
    %dot_general3A_43 = arith.constant dense<0.000000e+00> : vector<512x128xf32>
    %dot_general3A_44 = tpu.matmul %get3A_37, %get3A_42, %dot_general3A_43 {dimension_numbers = #tpu.dot_dimension_numbers<[1], [0], [0], [1], [0, 0, 1, 1], [], []>, transpose_lhs_hint = false} : vector<512x12xf32>, vector<12x128xf32>, vector<512x128xf32> -> vector<512x128xf32>
    %get3A_45 = arith.constant 1 : index
    %get3A_46 = arith.constant 0 : index
    %get3A_47 = vector.load %arg4[%get3A_45, %get3A_46] : memref<6x128xf32, #tpu.memory_space<vmem>>, vector<1x128xf32>
    %mul3A_48 = vector.broadcast %get3A_47 : vector<1x128xf32> to vector<512x128xf32>
    %mul3A_49 = arith.mulf %dot_general3A_44, %mul3A_48 : vector<512x128xf32>
    %get3A_50 = arith.constant 1 : index
    %get3A_51 = arith.constant 0 : index
    %get3A_52 = vector.load %arg5[%get3A_50, %get3A_51] : memref<6x128xf32, #tpu.memory_space<vmem>>, vector<1x128xf32>
    %add3A_53 = vector.broadcast %get3A_52 : vector<1x128xf32> to vector<512x128xf32>
    %add3A_54 = arith.addf %mul3A_49, %add3A_53 : vector<512x128xf32>
    %get3A_55 = arith.constant 0 : index
    %get3A_56 = arith.constant 0 : index
    %get3A_57 = vector.load %arg2[%get3A_55, %get3A_56] : memref<512x12xf32, #tpu.memory_space<vmem>>, vector<512x12xf32>
    %get3A_58 = arith.constant 2 : index
    %get3A_59 = arith.constant 0 : index
    %get3A_60 = arith.constant 0 : index
    %get3A_61 = vector.load %arg3[%get3A_58, %get3A_59, %get3A_60] : memref<6x12x128xf32, #tpu.memory_space<vmem>>, vector<1x12x128xf32>
    %get3A_62 = vector.shape_cast %get3A_61 : vector<1x12x128xf32> to vector<12x128xf32>
    %dot_general3A_63 = arith.constant dense<0.000000e+00> : vector<512x128xf32>
    %dot_general3A_64 = tpu.matmul %get3A_57, %get3A_62, %dot_general3A_63 {dimension_numbers = #tpu.dot_dimension_numbers<[1], [0], [0], [1], [0, 0, 1, 1], [], []>, transpose_lhs_hint = false} : vector<512x12xf32>, vector<12x128xf32>, vector<512x128xf32> -> vector<512x128xf32>
    %get3A_65 = arith.constant 2 : index
    %get3A_66 = arith.constant 0 : index
    %get3A_67 = vector.load %arg4[%get3A_65, %get3A_66] : memref<6x128xf32, #tpu.memory_space<vmem>>, vector<1x128xf32>
    %mul3A_68 = vector.broadcast %get3A_67 : vector<1x128xf32> to vector<512x128xf32>
    %mul3A_69 = arith.mulf %dot_general3A_64, %mul3A_68 : vector<512x128xf32>
    %get3A_70 = arith.constant 2 : index
    %get3A_71 = arith.constant 0 : index
    %get3A_72 = vector.load %arg5[%get3A_70, %get3A_71] : memref<6x128xf32, #tpu.memory_space<vmem>>, vector<1x128xf32>
    %add3A_73 = vector.broadcast %get3A_72 : vector<1x128xf32> to vector<512x128xf32>
    %add3A_74 = arith.addf %mul3A_69, %add3A_73 : vector<512x128xf32>
    %get3A_75 = arith.constant 0 : index
    %get3A_76 = arith.constant 0 : index
    %get3A_77 = vector.load %arg2[%get3A_75, %get3A_76] : memref<512x12xf32, #tpu.memory_space<vmem>>, vector<512x12xf32>
    %get3A_78 = arith.constant 3 : index
    %get3A_79 = arith.constant 0 : index
    %get3A_80 = arith.constant 0 : index
    %get3A_81 = vector.load %arg3[%get3A_78, %get3A_79, %get3A_80] : memref<6x12x128xf32, #tpu.memory_space<vmem>>, vector<1x12x128xf32>
    %get3A_82 = vector.shape_cast %get3A_81 : vector<1x12x128xf32> to vector<12x128xf32>
    %dot_general3A_83 = arith.constant dense<0.000000e+00> : vector<512x128xf32>
    %dot_general3A_84 = tpu.matmul %get3A_77, %get3A_82, %dot_general3A_83 {dimension_numbers = #tpu.dot_dimension_numbers<[1], [0], [0], [1], [0, 0, 1, 1], [], []>, transpose_lhs_hint = false} : vector<512x12xf32>, vector<12x128xf32>, vector<512x128xf32> -> vector<512x128xf32>
    %get3A_85 = arith.constant 3 : index
    %get3A_86 = arith.constant 0 : index
    %get3A_87 = vector.load %arg4[%get3A_85, %get3A_86] : memref<6x128xf32, #tpu.memory_space<vmem>>, vector<1x128xf32>
    %mul3A_88 = vector.broadcast %get3A_87 : vector<1x128xf32> to vector<512x128xf32>
    %mul3A_89 = arith.mulf %dot_general3A_84, %mul3A_88 : vector<512x128xf32>
    %get3A_90 = arith.constant 3 : index
    %get3A_91 = arith.constant 0 : index
    %get3A_92 = vector.load %arg5[%get3A_90, %get3A_91] : memref<6x128xf32, #tpu.memory_space<vmem>>, vector<1x128xf32>
    %add3A_93 = vector.broadcast %get3A_92 : vector<1x128xf32> to vector<512x128xf32>
    %add3A_94 = arith.addf %mul3A_89, %add3A_93 : vector<512x128xf32>
    %get3A_95 = arith.constant 0 : index
    %get3A_96 = arith.constant 0 : index
    %get3A_97 = vector.load %arg2[%get3A_95, %get3A_96] : memref<512x12xf32, #tpu.memory_space<vmem>>, vector<512x12xf32>
    %get3A_98 = arith.constant 4 : index
    %get3A_99 = arith.constant 0 : index
    %get3A_100 = arith.constant 0 : index
    %get3A_101 = vector.load %arg3[%get3A_98, %get3A_99, %get3A_100] : memref<6x12x128xf32, #tpu.memory_space<vmem>>, vector<1x12x128xf32>
    %get3A_102 = vector.shape_cast %get3A_101 : vector<1x12x128xf32> to vector<12x128xf32>
    %dot_general3A_103 = arith.constant dense<0.000000e+00> : vector<512x128xf32>
    %dot_general3A_104 = tpu.matmul %get3A_97, %get3A_102, %dot_general3A_103 {dimension_numbers = #tpu.dot_dimension_numbers<[1], [0], [0], [1], [0, 0, 1, 1], [], []>, transpose_lhs_hint = false} : vector<512x12xf32>, vector<12x128xf32>, vector<512x128xf32> -> vector<512x128xf32>
    %get3A_105 = arith.constant 4 : index
    %get3A_106 = arith.constant 0 : index
    %get3A_107 = vector.load %arg4[%get3A_105, %get3A_106] : memref<6x128xf32, #tpu.memory_space<vmem>>, vector<1x128xf32>
    %mul3A_108 = vector.broadcast %get3A_107 : vector<1x128xf32> to vector<512x128xf32>
    %mul3A_109 = arith.mulf %dot_general3A_104, %mul3A_108 : vector<512x128xf32>
    %get3A_110 = arith.constant 4 : index
    %get3A_111 = arith.constant 0 : index
    %get3A_112 = vector.load %arg5[%get3A_110, %get3A_111] : memref<6x128xf32, #tpu.memory_space<vmem>>, vector<1x128xf32>
    %add3A_113 = vector.broadcast %get3A_112 : vector<1x128xf32> to vector<512x128xf32>
    %add3A_114 = arith.addf %mul3A_109, %add3A_113 : vector<512x128xf32>
    %get3A_115 = arith.constant 0 : index
    %get3A_116 = arith.constant 0 : index
    %get3A_117 = vector.load %arg2[%get3A_115, %get3A_116] : memref<512x12xf32, #tpu.memory_space<vmem>>, vector<512x12xf32>
    %get3A_118 = arith.constant 5 : index
    %get3A_119 = arith.constant 0 : index
    %get3A_120 = arith.constant 0 : index
    %get3A_121 = vector.load %arg3[%get3A_118, %get3A_119, %get3A_120] : memref<6x12x128xf32, #tpu.memory_space<vmem>>, vector<1x12x128xf32>
    %get3A_122 = vector.shape_cast %get3A_121 : vector<1x12x128xf32> to vector<12x128xf32>
    %dot_general3A_123 = arith.constant dense<0.000000e+00> : vector<512x128xf32>
    %dot_general3A_124 = tpu.matmul %get3A_117, %get3A_122, %dot_general3A_123 {dimension_numbers = #tpu.dot_dimension_numbers<[1], [0], [0], [1], [0, 0, 1, 1], [], []>, transpose_lhs_hint = false} : vector<512x12xf32>, vector<12x128xf32>, vector<512x128xf32> -> vector<512x128xf32>
    %get3A_125 = arith.constant 5 : index
    %get3A_126 = arith.constant 0 : index
    %get3A_127 = vector.load %arg4[%get3A_125, %get3A_126] : memref<6x128xf32, #tpu.memory_space<vmem>>, vector<1x128xf32>
    %mul3A_128 = vector.broadcast %get3A_127 : vector<1x128xf32> to vector<512x128xf32>
    %mul3A_129 = arith.mulf %dot_general3A_124, %mul3A_128 : vector<512x128xf32>
    %get3A_130 = arith.constant 5 : index
    %get3A_131 = arith.constant 0 : index
    %get3A_132 = vector.load %arg5[%get3A_130, %get3A_131] : memref<6x128xf32, #tpu.memory_space<vmem>>, vector<1x128xf32>
    %add3A_133 = vector.broadcast %get3A_132 : vector<1x128xf32> to vector<512x128xf32>
    %add3A_134 = arith.addf %mul3A_129, %add3A_133 : vector<512x128xf32>
    %get3A_135 = arith.constant 0 : index
    %get3A_136 = arith.constant 0 : index
    %get3A_137 = vector.load %arg23[%get3A_135, %get3A_136] : memref<128x128xbf16, #tpu.memory_space<vmem>>, vector<128x128xbf16>
    %get3A_138 = arith.constant 0 : index
    %get3A_139 = arith.constant 0 : index
    %get3A_140 = vector.load %arg24[%get3A_138, %get3A_139] : memref<128x128xf32, #tpu.memory_space<vmem>>, vector<128x128xf32>
    %get3A_141 = arith.constant 0 : index
    %get3A_142 = arith.constant 0 : index
    %get3A_143 = vector.load %arg7[%get3A_141, %get3A_142] : memref<1x128xf32, #tpu.memory_space<vmem>>, vector<1x128xf32>
    %get3A_144 = arith.constant 0 : index
    %get3A_145 = arith.constant 0 : index
    %get3A_146 = vector.load %arg8[%get3A_144, %get3A_145] : memref<1x128xf32, #tpu.memory_space<vmem>>, vector<1x128xf32>
    %get3A_147 = arith.constant 0 : index
    %get3A_148 = arith.constant 0 : index
    %get3A_149 = vector.load %arg9[%get3A_147, %get3A_148] : memref<128x128xbf16, #tpu.memory_space<vmem>>, vector<128x128xbf16>
    %get3A_150 = arith.constant 0 : index
    %get3A_151 = arith.constant 0 : index
    %get3A_152 = vector.load %arg10[%get3A_150, %get3A_151] : memref<128x128xbf16, #tpu.memory_space<vmem>>, vector<128x128xbf16>
    %get3A_153 = arith.constant 0 : index
    %get3A_154 = arith.constant 0 : index
    %get3A_155 = vector.load %arg11[%get3A_153, %get3A_154] : memref<128x128xbf16, #tpu.memory_space<vmem>>, vector<128x128xbf16>
    %get3A_156 = arith.constant 0 : index
    %get3A_157 = arith.constant 0 : index
    %get3A_158 = vector.load %arg12[%get3A_156, %get3A_157] : memref<128x128xbf16, #tpu.memory_space<vmem>>, vector<128x128xbf16>
    %get3A_159 = arith.constant 0 : index
    %get3A_160 = arith.constant 0 : index
    %get3A_161 = vector.load %arg13[%get3A_159, %get3A_160] : memref<1x128xf32, #tpu.memory_space<vmem>>, vector<1x128xf32>
    %get3A_162 = arith.constant 0 : index
    %get3A_163 = arith.constant 0 : index
    %get3A_164 = vector.load %arg14[%get3A_162, %get3A_163] : memref<1x128xf32, #tpu.memory_space<vmem>>, vector<1x128xf32>
    %get3A_165 = arith.constant 0 : index
    %get3A_166 = arith.constant 0 : index
    %get3A_167 = vector.load %arg15[%get3A_165, %get3A_166] : memref<128x512xbf16, #tpu.memory_space<vmem>>, vector<128x512xbf16>
    %get3A_168 = arith.constant 0 : index
    %get3A_169 = arith.constant 0 : index
    %get3A_170 = vector.load %arg16[%get3A_168, %get3A_169] : memref<1x512xf32, #tpu.memory_space<vmem>>, vector<1x512xf32>
    %get3A_171 = arith.constant 0 : index
    %get3A_172 = arith.constant 0 : index
    %get3A_173 = vector.load %arg17[%get3A_171, %get3A_172] : memref<512x128xbf16, #tpu.memory_space<vmem>>, vector<512x128xbf16>
    %get3A_174 = arith.constant 0 : index
    %get3A_175 = arith.constant 0 : index
    %get3A_176 = vector.load %arg18[%get3A_174, %get3A_175] : memref<1x128xf32, #tpu.memory_space<vmem>>, vector<1x128xf32>
    %broadcast_in_dim3A_177 = vector.shape_cast %broadcast_in_dim3A_2 : vector<512x128xf32> to vector<1x512x128xf32>
    %broadcast_in_dim3A_178 = vector.shape_cast %get3A_7 : vector<512x128xf32> to vector<1x512x128xf32>
    %broadcast_in_dim3A_179 = vector.shape_cast %get3A_12 : vector<512x128xf32> to vector<1x512x128xf32>
    %broadcast_in_dim3A_180 = vector.shape_cast %get3A_17 : vector<512x128xf32> to vector<1x512x128xf32>
    %broadcast_in_dim3A_181 = vector.shape_cast %add3A_34 : vector<512x128xf32> to vector<1x512x128xf32>
    %broadcast_in_dim3A_182 = vector.shape_cast %add3A_54 : vector<512x128xf32> to vector<1x512x128xf32>
    %broadcast_in_dim3A_183 = vector.shape_cast %add3A_74 : vector<512x128xf32> to vector<1x512x128xf32>
    %broadcast_in_dim3A_184 = vector.shape_cast %add3A_94 : vector<512x128xf32> to vector<1x512x128xf32>
    %broadcast_in_dim3A_185 = vector.shape_cast %add3A_114 : vector<512x128xf32> to vector<1x512x128xf32>
    %broadcast_in_dim3A_186 = vector.shape_cast %add3A_134 : vector<512x128xf32> to vector<1x512x128xf32>
    %concatenate3A = tpu.concatenate %broadcast_in_dim3A_177, %broadcast_in_dim3A_178, %broadcast_in_dim3A_179, %broadcast_in_dim3A_180, %broadcast_in_dim3A_181, %broadcast_in_dim3A_182, %broadcast_in_dim3A_183, %broadcast_in_dim3A_184, %broadcast_in_dim3A_185, %broadcast_in_dim3A_186 in 0 : vector<1x512x128xf32>, vector<1x512x128xf32>, vector<1x512x128xf32>, vector<1x512x128xf32>, vector<1x512x128xf32>, vector<1x512x128xf32>, vector<1x512x128xf32>, vector<1x512x128xf32>, vector<1x512x128xf32>, vector<1x512x128xf32> -> vector<10x512x128xf32>
    %reshape3A = vector.shape_cast %concatenate3A : vector<10x512x128xf32> to vector<5120x128xf32>
    %dot_general3A_187 = arith.constant dense<0.000000e+00> : vector<5120x128xf32>
    %dot_general3A_188 = tpu.matmul %reshape3A, %get3A_140, %dot_general3A_187 {dimension_numbers = #tpu.dot_dimension_numbers<[1], [0], [0], [1], [0, 0, 1, 1], [], []>, transpose_lhs_hint = false} : vector<5120x128xf32>, vector<128x128xf32>, vector<5120x128xf32> -> vector<5120x128xf32>
    %mul3A_189 = arith.mulf %reshape3A, %reshape3A : vector<5120x128xf32>
    %dot_general3A_190 = arith.constant dense<0.000000e+00> : vector<5120x128xf32>
    %dot_general3A_191 = tpu.matmul %mul3A_189, %get3A_140, %dot_general3A_190 {dimension_numbers = #tpu.dot_dimension_numbers<[1], [0], [0], [1], [0, 0, 1, 1], [], []>, transpose_lhs_hint = false} : vector<5120x128xf32>, vector<128x128xf32>, vector<5120x128xf32> -> vector<5120x128xf32>
    %mul3A_192 = arith.mulf %dot_general3A_188, %dot_general3A_188 : vector<5120x128xf32>
    %sub3A = arith.subf %dot_general3A_191, %mul3A_192 : vector<5120x128xf32>
    %add3A_193 = arith.constant 9.99999974E-6 : f32
    %add3A_194 = vector.broadcast %add3A_193 : f32 to vector<5120x128xf32>
    %add3A_195 = arith.addf %sub3A, %add3A_194 : vector<5120x128xf32>
    %rsqrt3A = math.rsqrt %add3A_195 : vector<5120x128xf32>
    %convert_element_type3A = arith.truncf %rsqrt3A : vector<5120x128xf32> to vector<5120x128xbf16>
    %convert_element_type3A_196 = arith.truncf %get3A_143 : vector<1x128xf32> to vector<1x128xbf16>
    %mul3A_197 = vector.broadcast %convert_element_type3A_196 : vector<1x128xbf16> to vector<5120x128xbf16>
    %mul3A_198 = arith.mulf %convert_element_type3A, %mul3A_197 : vector<5120x128xbf16>
    %sub3A_199 = arith.subf %reshape3A, %dot_general3A_188 : vector<5120x128xf32>
    %convert_element_type3A_200 = arith.truncf %sub3A_199 : vector<5120x128xf32> to vector<5120x128xbf16>
    %mul3A_201 = arith.mulf %convert_element_type3A_200, %mul3A_198 : vector<5120x128xbf16>
    %convert_element_type3A_202 = arith.truncf %get3A_146 : vector<1x128xf32> to vector<1x128xbf16>
    %add3A_203 = vector.broadcast %convert_element_type3A_202 : vector<1x128xbf16> to vector<5120x128xbf16>
    %add3A_204 = arith.addf %mul3A_201, %add3A_203 : vector<5120x128xbf16>
    %dot_general3A_205 = arith.constant dense<0.000000e+00> : vector<5120x128xf32>
    %dot_general3A_206 = tpu.matmul %add3A_204, %get3A_149, %dot_general3A_205 {dimension_numbers = #tpu.dot_dimension_numbers<[1], [0], [0], [1], [0, 0, 1, 1], [], []>, transpose_lhs_hint = false} : vector<5120x128xbf16>, vector<128x128xbf16>, vector<5120x128xf32> -> vector<5120x128xf32>
    %convert_element_type3A_207 = arith.truncf %dot_general3A_206 : vector<5120x128xf32> to vector<5120x128xbf16>
    %reshape3A_208 = vector.shape_cast %convert_element_type3A_207 : vector<5120x128xbf16> to vector<10x512x128xbf16>
    %dot_general3A_209 = arith.constant dense<0.000000e+00> : vector<5120x128xf32>
    %dot_general3A_210 = tpu.matmul %add3A_204, %get3A_152, %dot_general3A_209 {dimension_numbers = #tpu.dot_dimension_numbers<[1], [0], [0], [1], [0, 0, 1, 1], [], []>, transpose_lhs_hint = false} : vector<5120x128xbf16>, vector<128x128xbf16>, vector<5120x128xf32> -> vector<5120x128xf32>
    %convert_element_type3A_211 = arith.truncf %dot_general3A_210 : vector<5120x128xf32> to vector<5120x128xbf16>
    %reshape3A_212 = vector.shape_cast %convert_element_type3A_211 : vector<5120x128xbf16> to vector<10x512x128xbf16>
    %dot_general3A_213 = arith.constant dense<0.000000e+00> : vector<5120x128xf32>
    %dot_general3A_214 = tpu.matmul %add3A_204, %get3A_155, %dot_general3A_213 {dimension_numbers = #tpu.dot_dimension_numbers<[1], [0], [0], [1], [0, 0, 1, 1], [], []>, transpose_lhs_hint = false} : vector<5120x128xbf16>, vector<128x128xbf16>, vector<5120x128xf32> -> vector<5120x128xf32>
    %convert_element_type3A_215 = arith.truncf %dot_general3A_214 : vector<5120x128xf32> to vector<5120x128xbf16>
    %reshape3A_216 = vector.shape_cast %convert_element_type3A_215 : vector<5120x128xbf16> to vector<10x512x128xbf16>
    %slice3A = vector.extract_strided_slice %reshape3A_208 {offsets = [0, 0, 0], sizes = [1, 512, 128], strides = [1, 1, 1]} : vector<10x512x128xbf16> to vector<1x512x128xbf16>
    %squeeze3A = vector.shape_cast %slice3A : vector<1x512x128xbf16> to vector<512x128xbf16>
    %broadcast_in_dim3A_217 = vector.shape_cast %squeeze3A : vector<512x128xbf16> to vector<1x512x128xbf16>
    %mul3A_218 = vector.broadcast %broadcast_in_dim3A_217 : vector<1x512x128xbf16> to vector<10x512x128xbf16>
    %mul3A_219 = arith.mulf %mul3A_218, %reshape3A_212 : vector<10x512x128xbf16>
    %reshape3A_220 = vector.shape_cast %mul3A_219 : vector<10x512x128xbf16> to vector<5120x128xbf16>
    %dot_general3A_221 = arith.constant dense<0.000000e+00> : vector<5120x128xf32>
    %dot_general3A_222 = tpu.matmul %reshape3A_220, %get3A_137, %dot_general3A_221 {dimension_numbers = #tpu.dot_dimension_numbers<[1], [0], [0], [1], [0, 0, 1, 1], [], []>, transpose_lhs_hint = false} : vector<5120x128xbf16>, vector<128x128xbf16>, vector<5120x128xf32> -> vector<5120x128xf32>
    %convert_element_type3A_223 = arith.truncf %dot_general3A_222 : vector<5120x128xf32> to vector<5120x128xbf16>
    %reshape3A_224 = vector.shape_cast %convert_element_type3A_223 : vector<5120x128xbf16> to vector<10x512x128xbf16>
    %exp3A = math.exp %reshape3A_224 : vector<10x512x128xbf16>
    %convert_element_type3A_225 = arith.extf %exp3A : vector<10x512x128xbf16> to vector<10x512x128xf32>
    %reduce_sum3A = arith.constant dense<0.000000e+00> : vector<512x128xf32>
    %reduce_sum3A_226 = vector.multi_reduction <add>, %convert_element_type3A_225, %reduce_sum3A [0] : vector<10x512x128xf32> to vector<512x128xf32>
    %convert_element_type3A_227 = arith.truncf %reduce_sum3A_226 : vector<512x128xf32> to vector<512x128xbf16>
    %convert_element_type3A_228 = arith.extf %convert_element_type3A_227 : vector<512x128xbf16> to vector<512x128xf32>
    %mul3A_229 = arith.mulf %exp3A, %reshape3A_216 : vector<10x512x128xbf16>
    %convert_element_type3A_230 = arith.extf %mul3A_229 : vector<10x512x128xbf16> to vector<10x512x128xf32>
    %reduce_sum3A_231 = arith.constant dense<0.000000e+00> : vector<512x128xf32>
    %reduce_sum3A_232 = vector.multi_reduction <add>, %convert_element_type3A_230, %reduce_sum3A_231 [0] : vector<10x512x128xf32> to vector<512x128xf32>
    %convert_element_type3A_233 = arith.truncf %reduce_sum3A_232 : vector<512x128xf32> to vector<512x128xbf16>
    %convert_element_type3A_234 = arith.extf %convert_element_type3A_233 : vector<512x128xbf16> to vector<512x128xf32>
    %div3A = arith.divf %convert_element_type3A_234, %convert_element_type3A_228 : vector<512x128xf32>
    %convert_element_type3A_235 = arith.truncf %div3A : vector<512x128xf32> to vector<512x128xbf16>
    %slice3A_236 = vector.extract_strided_slice %reshape3A_208 {offsets = [1, 0, 0], sizes = [1, 512, 128], strides = [1, 1, 1]} : vector<10x512x128xbf16> to vector<1x512x128xbf16>
    %squeeze3A_237 = vector.shape_cast %slice3A_236 : vector<1x512x128xbf16> to vector<512x128xbf16>
    %broadcast_in_dim3A_238 = vector.shape_cast %squeeze3A_237 : vector<512x128xbf16> to vector<1x512x128xbf16>
    %mul3A_239 = vector.broadcast %broadcast_in_dim3A_238 : vector<1x512x128xbf16> to vector<10x512x128xbf16>
    %mul3A_240 = arith.mulf %mul3A_239, %reshape3A_212 : vector<10x512x128xbf16>
    %reshape3A_241 = vector.shape_cast %mul3A_240 : vector<10x512x128xbf16> to vector<5120x128xbf16>
    %dot_general3A_242 = arith.constant dense<0.000000e+00> : vector<5120x128xf32>
    %dot_general3A_243 = tpu.matmul %reshape3A_241, %get3A_137, %dot_general3A_242 {dimension_numbers = #tpu.dot_dimension_numbers<[1], [0], [0], [1], [0, 0, 1, 1], [], []>, transpose_lhs_hint = false} : vector<5120x128xbf16>, vector<128x128xbf16>, vector<5120x128xf32> -> vector<5120x128xf32>
    %convert_element_type3A_244 = arith.truncf %dot_general3A_243 : vector<5120x128xf32> to vector<5120x128xbf16>
    %reshape3A_245 = vector.shape_cast %convert_element_type3A_244 : vector<5120x128xbf16> to vector<10x512x128xbf16>
    %exp3A_246 = math.exp %reshape3A_245 : vector<10x512x128xbf16>
    %convert_element_type3A_247 = arith.extf %exp3A_246 : vector<10x512x128xbf16> to vector<10x512x128xf32>
    %reduce_sum3A_248 = arith.constant dense<0.000000e+00> : vector<512x128xf32>
    %reduce_sum3A_249 = vector.multi_reduction <add>, %convert_element_type3A_247, %reduce_sum3A_248 [0] : vector<10x512x128xf32> to vector<512x128xf32>
    %convert_element_type3A_250 = arith.truncf %reduce_sum3A_249 : vector<512x128xf32> to vector<512x128xbf16>
    %convert_element_type3A_251 = arith.extf %convert_element_type3A_250 : vector<512x128xbf16> to vector<512x128xf32>
    %mul3A_252 = arith.mulf %exp3A_246, %reshape3A_216 : vector<10x512x128xbf16>
    %convert_element_type3A_253 = arith.extf %mul3A_252 : vector<10x512x128xbf16> to vector<10x512x128xf32>
    %reduce_sum3A_254 = arith.constant dense<0.000000e+00> : vector<512x128xf32>
    %reduce_sum3A_255 = vector.multi_reduction <add>, %convert_element_type3A_253, %reduce_sum3A_254 [0] : vector<10x512x128xf32> to vector<512x128xf32>
    %convert_element_type3A_256 = arith.truncf %reduce_sum3A_255 : vector<512x128xf32> to vector<512x128xbf16>
    %convert_element_type3A_257 = arith.extf %convert_element_type3A_256 : vector<512x128xbf16> to vector<512x128xf32>
    %div3A_258 = arith.divf %convert_element_type3A_257, %convert_element_type3A_251 : vector<512x128xf32>
    %convert_element_type3A_259 = arith.truncf %div3A_258 : vector<512x128xf32> to vector<512x128xbf16>
    %slice3A_260 = vector.extract_strided_slice %reshape3A_208 {offsets = [2, 0, 0], sizes = [1, 512, 128], strides = [1, 1, 1]} : vector<10x512x128xbf16> to vector<1x512x128xbf16>
    %squeeze3A_261 = vector.shape_cast %slice3A_260 : vector<1x512x128xbf16> to vector<512x128xbf16>
    %broadcast_in_dim3A_262 = vector.shape_cast %squeeze3A_261 : vector<512x128xbf16> to vector<1x512x128xbf16>
    %mul3A_263 = vector.broadcast %broadcast_in_dim3A_262 : vector<1x512x128xbf16> to vector<10x512x128xbf16>
    %mul3A_264 = arith.mulf %mul3A_263, %reshape3A_212 : vector<10x512x128xbf16>
    %reshape3A_265 = vector.shape_cast %mul3A_264 : vector<10x512x128xbf16> to vector<5120x128xbf16>
    %dot_general3A_266 = arith.constant dense<0.000000e+00> : vector<5120x128xf32>
    %dot_general3A_267 = tpu.matmul %reshape3A_265, %get3A_137, %dot_general3A_266 {dimension_numbers = #tpu.dot_dimension_numbers<[1], [0], [0], [1], [0, 0, 1, 1], [], []>, transpose_lhs_hint = false} : vector<5120x128xbf16>, vector<128x128xbf16>, vector<5120x128xf32> -> vector<5120x128xf32>
    %convert_element_type3A_268 = arith.truncf %dot_general3A_267 : vector<5120x128xf32> to vector<5120x128xbf16>
    %reshape3A_269 = vector.shape_cast %convert_element_type3A_268 : vector<5120x128xbf16> to vector<10x512x128xbf16>
    %exp3A_270 = math.exp %reshape3A_269 : vector<10x512x128xbf16>
    %convert_element_type3A_271 = arith.extf %exp3A_270 : vector<10x512x128xbf16> to vector<10x512x128xf32>
    %reduce_sum3A_272 = arith.constant dense<0.000000e+00> : vector<512x128xf32>
    %reduce_sum3A_273 = vector.multi_reduction <add>, %convert_element_type3A_271, %reduce_sum3A_272 [0] : vector<10x512x128xf32> to vector<512x128xf32>
    %convert_element_type3A_274 = arith.truncf %reduce_sum3A_273 : vector<512x128xf32> to vector<512x128xbf16>
    %convert_element_type3A_275 = arith.extf %convert_element_type3A_274 : vector<512x128xbf16> to vector<512x128xf32>
    %mul3A_276 = arith.mulf %exp3A_270, %reshape3A_216 : vector<10x512x128xbf16>
    %convert_element_type3A_277 = arith.extf %mul3A_276 : vector<10x512x128xbf16> to vector<10x512x128xf32>
    %reduce_sum3A_278 = arith.constant dense<0.000000e+00> : vector<512x128xf32>
    %reduce_sum3A_279 = vector.multi_reduction <add>, %convert_element_type3A_277, %reduce_sum3A_278 [0] : vector<10x512x128xf32> to vector<512x128xf32>
    %convert_element_type3A_280 = arith.truncf %reduce_sum3A_279 : vector<512x128xf32> to vector<512x128xbf16>
    %convert_element_type3A_281 = arith.extf %convert_element_type3A_280 : vector<512x128xbf16> to vector<512x128xf32>
    %div3A_282 = arith.divf %convert_element_type3A_281, %convert_element_type3A_275 : vector<512x128xf32>
    %convert_element_type3A_283 = arith.truncf %div3A_282 : vector<512x128xf32> to vector<512x128xbf16>
    %slice3A_284 = vector.extract_strided_slice %reshape3A_208 {offsets = [3, 0, 0], sizes = [1, 512, 128], strides = [1, 1, 1]} : vector<10x512x128xbf16> to vector<1x512x128xbf16>
    %squeeze3A_285 = vector.shape_cast %slice3A_284 : vector<1x512x128xbf16> to vector<512x128xbf16>
    %broadcast_in_dim3A_286 = vector.shape_cast %squeeze3A_285 : vector<512x128xbf16> to vector<1x512x128xbf16>
    %mul3A_287 = vector.broadcast %broadcast_in_dim3A_286 : vector<1x512x128xbf16> to vector<10x512x128xbf16>
    %mul3A_288 = arith.mulf %mul3A_287, %reshape3A_212 : vector<10x512x128xbf16>
    %reshape3A_289 = vector.shape_cast %mul3A_288 : vector<10x512x128xbf16> to vector<5120x128xbf16>
    %dot_general3A_290 = arith.constant dense<0.000000e+00> : vector<5120x128xf32>
    %dot_general3A_291 = tpu.matmul %reshape3A_289, %get3A_137, %dot_general3A_290 {dimension_numbers = #tpu.dot_dimension_numbers<[1], [0], [0], [1], [0, 0, 1, 1], [], []>, transpose_lhs_hint = false} : vector<5120x128xbf16>, vector<128x128xbf16>, vector<5120x128xf32> -> vector<5120x128xf32>
    %convert_element_type3A_292 = arith.truncf %dot_general3A_291 : vector<5120x128xf32> to vector<5120x128xbf16>
    %reshape3A_293 = vector.shape_cast %convert_element_type3A_292 : vector<5120x128xbf16> to vector<10x512x128xbf16>
    %exp3A_294 = math.exp %reshape3A_293 : vector<10x512x128xbf16>
    %convert_element_type3A_295 = arith.extf %exp3A_294 : vector<10x512x128xbf16> to vector<10x512x128xf32>
    %reduce_sum3A_296 = arith.constant dense<0.000000e+00> : vector<512x128xf32>
    %reduce_sum3A_297 = vector.multi_reduction <add>, %convert_element_type3A_295, %reduce_sum3A_296 [0] : vector<10x512x128xf32> to vector<512x128xf32>
    %convert_element_type3A_298 = arith.truncf %reduce_sum3A_297 : vector<512x128xf32> to vector<512x128xbf16>
    %convert_element_type3A_299 = arith.extf %convert_element_type3A_298 : vector<512x128xbf16> to vector<512x128xf32>
    %mul3A_300 = arith.mulf %exp3A_294, %reshape3A_216 : vector<10x512x128xbf16>
    %convert_element_type3A_301 = arith.extf %mul3A_300 : vector<10x512x128xbf16> to vector<10x512x128xf32>
    %reduce_sum3A_302 = arith.constant dense<0.000000e+00> : vector<512x128xf32>
    %reduce_sum3A_303 = vector.multi_reduction <add>, %convert_element_type3A_301, %reduce_sum3A_302 [0] : vector<10x512x128xf32> to vector<512x128xf32>
    %convert_element_type3A_304 = arith.truncf %reduce_sum3A_303 : vector<512x128xf32> to vector<512x128xbf16>
    %convert_element_type3A_305 = arith.extf %convert_element_type3A_304 : vector<512x128xbf16> to vector<512x128xf32>
    %div3A_306 = arith.divf %convert_element_type3A_305, %convert_element_type3A_299 : vector<512x128xf32>
    %convert_element_type3A_307 = arith.truncf %div3A_306 : vector<512x128xf32> to vector<512x128xbf16>
    %slice3A_308 = vector.extract_strided_slice %reshape3A_208 {offsets = [4, 0, 0], sizes = [1, 512, 128], strides = [1, 1, 1]} : vector<10x512x128xbf16> to vector<1x512x128xbf16>
    %squeeze3A_309 = vector.shape_cast %slice3A_308 : vector<1x512x128xbf16> to vector<512x128xbf16>
    %broadcast_in_dim3A_310 = vector.shape_cast %squeeze3A_309 : vector<512x128xbf16> to vector<1x512x128xbf16>
    %mul3A_311 = vector.broadcast %broadcast_in_dim3A_310 : vector<1x512x128xbf16> to vector<10x512x128xbf16>
    %mul3A_312 = arith.mulf %mul3A_311, %reshape3A_212 : vector<10x512x128xbf16>
    %reshape3A_313 = vector.shape_cast %mul3A_312 : vector<10x512x128xbf16> to vector<5120x128xbf16>
    %dot_general3A_314 = arith.constant dense<0.000000e+00> : vector<5120x128xf32>
    %dot_general3A_315 = tpu.matmul %reshape3A_313, %get3A_137, %dot_general3A_314 {dimension_numbers = #tpu.dot_dimension_numbers<[1], [0], [0], [1], [0, 0, 1, 1], [], []>, transpose_lhs_hint = false} : vector<5120x128xbf16>, vector<128x128xbf16>, vector<5120x128xf32> -> vector<5120x128xf32>
    %convert_element_type3A_316 = arith.truncf %dot_general3A_315 : vector<5120x128xf32> to vector<5120x128xbf16>
    %reshape3A_317 = vector.shape_cast %convert_element_type3A_316 : vector<5120x128xbf16> to vector<10x512x128xbf16>
    %exp3A_318 = math.exp %reshape3A_317 : vector<10x512x128xbf16>
    %convert_element_type3A_319 = arith.extf %exp3A_318 : vector<10x512x128xbf16> to vector<10x512x128xf32>
    %reduce_sum3A_320 = arith.constant dense<0.000000e+00> : vector<512x128xf32>
    %reduce_sum3A_321 = vector.multi_reduction <add>, %convert_element_type3A_319, %reduce_sum3A_320 [0] : vector<10x512x128xf32> to vector<512x128xf32>
    %convert_element_type3A_322 = arith.truncf %reduce_sum3A_321 : vector<512x128xf32> to vector<512x128xbf16>
    %convert_element_type3A_323 = arith.extf %convert_element_type3A_322 : vector<512x128xbf16> to vector<512x128xf32>
    %mul3A_324 = arith.mulf %exp3A_318, %reshape3A_216 : vector<10x512x128xbf16>
    %convert_element_type3A_325 = arith.extf %mul3A_324 : vector<10x512x128xbf16> to vector<10x512x128xf32>
    %reduce_sum3A_326 = arith.constant dense<0.000000e+00> : vector<512x128xf32>
    %reduce_sum3A_327 = vector.multi_reduction <add>, %convert_element_type3A_325, %reduce_sum3A_326 [0] : vector<10x512x128xf32> to vector<512x128xf32>
    %convert_element_type3A_328 = arith.truncf %reduce_sum3A_327 : vector<512x128xf32> to vector<512x128xbf16>
    %convert_element_type3A_329 = arith.extf %convert_element_type3A_328 : vector<512x128xbf16> to vector<512x128xf32>
    %div3A_330 = arith.divf %convert_element_type3A_329, %convert_element_type3A_323 : vector<512x128xf32>
    %convert_element_type3A_331 = arith.truncf %div3A_330 : vector<512x128xf32> to vector<512x128xbf16>
    %slice3A_332 = vector.extract_strided_slice %reshape3A_208 {offsets = [5, 0, 0], sizes = [1, 512, 128], strides = [1, 1, 1]} : vector<10x512x128xbf16> to vector<1x512x128xbf16>
    %squeeze3A_333 = vector.shape_cast %slice3A_332 : vector<1x512x128xbf16> to vector<512x128xbf16>
    %broadcast_in_dim3A_334 = vector.shape_cast %squeeze3A_333 : vector<512x128xbf16> to vector<1x512x128xbf16>
    %mul3A_335 = vector.broadcast %broadcast_in_dim3A_334 : vector<1x512x128xbf16> to vector<10x512x128xbf16>
    %mul3A_336 = arith.mulf %mul3A_335, %reshape3A_212 : vector<10x512x128xbf16>
    %reshape3A_337 = vector.shape_cast %mul3A_336 : vector<10x512x128xbf16> to vector<5120x128xbf16>
    %dot_general3A_338 = arith.constant dense<0.000000e+00> : vector<5120x128xf32>
    %dot_general3A_339 = tpu.matmul %reshape3A_337, %get3A_137, %dot_general3A_338 {dimension_numbers = #tpu.dot_dimension_numbers<[1], [0], [0], [1], [0, 0, 1, 1], [], []>, transpose_lhs_hint = false} : vector<5120x128xbf16>, vector<128x128xbf16>, vector<5120x128xf32> -> vector<5120x128xf32>
    %convert_element_type3A_340 = arith.truncf %dot_general3A_339 : vector<5120x128xf32> to vector<5120x128xbf16>
    %reshape3A_341 = vector.shape_cast %convert_element_type3A_340 : vector<5120x128xbf16> to vector<10x512x128xbf16>
    %exp3A_342 = math.exp %reshape3A_341 : vector<10x512x128xbf16>
    %convert_element_type3A_343 = arith.extf %exp3A_342 : vector<10x512x128xbf16> to vector<10x512x128xf32>
    %reduce_sum3A_344 = arith.constant dense<0.000000e+00> : vector<512x128xf32>
    %reduce_sum3A_345 = vector.multi_reduction <add>, %convert_element_type3A_343, %reduce_sum3A_344 [0] : vector<10x512x128xf32> to vector<512x128xf32>
    %convert_element_type3A_346 = arith.truncf %reduce_sum3A_345 : vector<512x128xf32> to vector<512x128xbf16>
    %convert_element_type3A_347 = arith.extf %convert_element_type3A_346 : vector<512x128xbf16> to vector<512x128xf32>
    %mul3A_348 = arith.mulf %exp3A_342, %reshape3A_216 : vector<10x512x128xbf16>
    %convert_element_type3A_349 = arith.extf %mul3A_348 : vector<10x512x128xbf16> to vector<10x512x128xf32>
    %reduce_sum3A_350 = arith.constant dense<0.000000e+00> : vector<512x128xf32>
    %reduce_sum3A_351 = vector.multi_reduction <add>, %convert_element_type3A_349, %reduce_sum3A_350 [0] : vector<10x512x128xf32> to vector<512x128xf32>
    %convert_element_type3A_352 = arith.truncf %reduce_sum3A_351 : vector<512x128xf32> to vector<512x128xbf16>
    %convert_element_type3A_353 = arith.extf %convert_element_type3A_352 : vector<512x128xbf16> to vector<512x128xf32>
    %div3A_354 = arith.divf %convert_element_type3A_353, %convert_element_type3A_347 : vector<512x128xf32>
    %convert_element_type3A_355 = arith.truncf %div3A_354 : vector<512x128xf32> to vector<512x128xbf16>
    %slice3A_356 = vector.extract_strided_slice %reshape3A_208 {offsets = [6, 0, 0], sizes = [1, 512, 128], strides = [1, 1, 1]} : vector<10x512x128xbf16> to vector<1x512x128xbf16>
    %squeeze3A_357 = vector.shape_cast %slice3A_356 : vector<1x512x128xbf16> to vector<512x128xbf16>
    %broadcast_in_dim3A_358 = vector.shape_cast %squeeze3A_357 : vector<512x128xbf16> to vector<1x512x128xbf16>
    %mul3A_359 = vector.broadcast %broadcast_in_dim3A_358 : vector<1x512x128xbf16> to vector<10x512x128xbf16>
    %mul3A_360 = arith.mulf %mul3A_359, %reshape3A_212 : vector<10x512x128xbf16>
    %reshape3A_361 = vector.shape_cast %mul3A_360 : vector<10x512x128xbf16> to vector<5120x128xbf16>
    %dot_general3A_362 = arith.constant dense<0.000000e+00> : vector<5120x128xf32>
    %dot_general3A_363 = tpu.matmul %reshape3A_361, %get3A_137, %dot_general3A_362 {dimension_numbers = #tpu.dot_dimension_numbers<[1], [0], [0], [1], [0, 0, 1, 1], [], []>, transpose_lhs_hint = false} : vector<5120x128xbf16>, vector<128x128xbf16>, vector<5120x128xf32> -> vector<5120x128xf32>
    %convert_element_type3A_364 = arith.truncf %dot_general3A_363 : vector<5120x128xf32> to vector<5120x128xbf16>
    %reshape3A_365 = vector.shape_cast %convert_element_type3A_364 : vector<5120x128xbf16> to vector<10x512x128xbf16>
    %exp3A_366 = math.exp %reshape3A_365 : vector<10x512x128xbf16>
    %convert_element_type3A_367 = arith.extf %exp3A_366 : vector<10x512x128xbf16> to vector<10x512x128xf32>
    %reduce_sum3A_368 = arith.constant dense<0.000000e+00> : vector<512x128xf32>
    %reduce_sum3A_369 = vector.multi_reduction <add>, %convert_element_type3A_367, %reduce_sum3A_368 [0] : vector<10x512x128xf32> to vector<512x128xf32>
    %convert_element_type3A_370 = arith.truncf %reduce_sum3A_369 : vector<512x128xf32> to vector<512x128xbf16>
    %convert_element_type3A_371 = arith.extf %convert_element_type3A_370 : vector<512x128xbf16> to vector<512x128xf32>
    %mul3A_372 = arith.mulf %exp3A_366, %reshape3A_216 : vector<10x512x128xbf16>
    %convert_element_type3A_373 = arith.extf %mul3A_372 : vector<10x512x128xbf16> to vector<10x512x128xf32>
    %reduce_sum3A_374 = arith.constant dense<0.000000e+00> : vector<512x128xf32>
    %reduce_sum3A_375 = vector.multi_reduction <add>, %convert_element_type3A_373, %reduce_sum3A_374 [0] : vector<10x512x128xf32> to vector<512x128xf32>
    %convert_element_type3A_376 = arith.truncf %reduce_sum3A_375 : vector<512x128xf32> to vector<512x128xbf16>
    %convert_element_type3A_377 = arith.extf %convert_element_type3A_376 : vector<512x128xbf16> to vector<512x128xf32>
    %div3A_378 = arith.divf %convert_element_type3A_377, %convert_element_type3A_371 : vector<512x128xf32>
    %convert_element_type3A_379 = arith.truncf %div3A_378 : vector<512x128xf32> to vector<512x128xbf16>
    %slice3A_380 = vector.extract_strided_slice %reshape3A_208 {offsets = [7, 0, 0], sizes = [1, 512, 128], strides = [1, 1, 1]} : vector<10x512x128xbf16> to vector<1x512x128xbf16>
    %squeeze3A_381 = vector.shape_cast %slice3A_380 : vector<1x512x128xbf16> to vector<512x128xbf16>
    %broadcast_in_dim3A_382 = vector.shape_cast %squeeze3A_381 : vector<512x128xbf16> to vector<1x512x128xbf16>
    %mul3A_383 = vector.broadcast %broadcast_in_dim3A_382 : vector<1x512x128xbf16> to vector<10x512x128xbf16>
    %mul3A_384 = arith.mulf %mul3A_383, %reshape3A_212 : vector<10x512x128xbf16>
    %reshape3A_385 = vector.shape_cast %mul3A_384 : vector<10x512x128xbf16> to vector<5120x128xbf16>
    %dot_general3A_386 = arith.constant dense<0.000000e+00> : vector<5120x128xf32>
    %dot_general3A_387 = tpu.matmul %reshape3A_385, %get3A_137, %dot_general3A_386 {dimension_numbers = #tpu.dot_dimension_numbers<[1], [0], [0], [1], [0, 0, 1, 1], [], []>, transpose_lhs_hint = false} : vector<5120x128xbf16>, vector<128x128xbf16>, vector<5120x128xf32> -> vector<5120x128xf32>
    %convert_element_type3A_388 = arith.truncf %dot_general3A_387 : vector<5120x128xf32> to vector<5120x128xbf16>
    %reshape3A_389 = vector.shape_cast %convert_element_type3A_388 : vector<5120x128xbf16> to vector<10x512x128xbf16>
    %exp3A_390 = math.exp %reshape3A_389 : vector<10x512x128xbf16>
    %convert_element_type3A_391 = arith.extf %exp3A_390 : vector<10x512x128xbf16> to vector<10x512x128xf32>
    %reduce_sum3A_392 = arith.constant dense<0.000000e+00> : vector<512x128xf32>
    %reduce_sum3A_393 = vector.multi_reduction <add>, %convert_element_type3A_391, %reduce_sum3A_392 [0] : vector<10x512x128xf32> to vector<512x128xf32>
    %convert_element_type3A_394 = arith.truncf %reduce_sum3A_393 : vector<512x128xf32> to vector<512x128xbf16>
    %convert_element_type3A_395 = arith.extf %convert_element_type3A_394 : vector<512x128xbf16> to vector<512x128xf32>
    %mul3A_396 = arith.mulf %exp3A_390, %reshape3A_216 : vector<10x512x128xbf16>
    %convert_element_type3A_397 = arith.extf %mul3A_396 : vector<10x512x128xbf16> to vector<10x512x128xf32>
    %reduce_sum3A_398 = arith.constant dense<0.000000e+00> : vector<512x128xf32>
    %reduce_sum3A_399 = vector.multi_reduction <add>, %convert_element_type3A_397, %reduce_sum3A_398 [0] : vector<10x512x128xf32> to vector<512x128xf32>
    %convert_element_type3A_400 = arith.truncf %reduce_sum3A_399 : vector<512x128xf32> to vector<512x128xbf16>
    %convert_element_type3A_401 = arith.extf %convert_element_type3A_400 : vector<512x128xbf16> to vector<512x128xf32>
    %div3A_402 = arith.divf %convert_element_type3A_401, %convert_element_type3A_395 : vector<512x128xf32>
    %convert_element_type3A_403 = arith.truncf %div3A_402 : vector<512x128xf32> to vector<512x128xbf16>
    %slice3A_404 = vector.extract_strided_slice %reshape3A_208 {offsets = [8, 0, 0], sizes = [1, 512, 128], strides = [1, 1, 1]} : vector<10x512x128xbf16> to vector<1x512x128xbf16>
    %squeeze3A_405 = vector.shape_cast %slice3A_404 : vector<1x512x128xbf16> to vector<512x128xbf16>
    %broadcast_in_dim3A_406 = vector.shape_cast %squeeze3A_405 : vector<512x128xbf16> to vector<1x512x128xbf16>
    %mul3A_407 = vector.broadcast %broadcast_in_dim3A_406 : vector<1x512x128xbf16> to vector<10x512x128xbf16>
    %mul3A_408 = arith.mulf %mul3A_407, %reshape3A_212 : vector<10x512x128xbf16>
    %reshape3A_409 = vector.shape_cast %mul3A_408 : vector<10x512x128xbf16> to vector<5120x128xbf16>
    %dot_general3A_410 = arith.constant dense<0.000000e+00> : vector<5120x128xf32>
    %dot_general3A_411 = tpu.matmul %reshape3A_409, %get3A_137, %dot_general3A_410 {dimension_numbers = #tpu.dot_dimension_numbers<[1], [0], [0], [1], [0, 0, 1, 1], [], []>, transpose_lhs_hint = false} : vector<5120x128xbf16>, vector<128x128xbf16>, vector<5120x128xf32> -> vector<5120x128xf32>
    %convert_element_type3A_412 = arith.truncf %dot_general3A_411 : vector<5120x128xf32> to vector<5120x128xbf16>
    %reshape3A_413 = vector.shape_cast %convert_element_type3A_412 : vector<5120x128xbf16> to vector<10x512x128xbf16>
    %exp3A_414 = math.exp %reshape3A_413 : vector<10x512x128xbf16>
    %convert_element_type3A_415 = arith.extf %exp3A_414 : vector<10x512x128xbf16> to vector<10x512x128xf32>
    %reduce_sum3A_416 = arith.constant dense<0.000000e+00> : vector<512x128xf32>
    %reduce_sum3A_417 = vector.multi_reduction <add>, %convert_element_type3A_415, %reduce_sum3A_416 [0] : vector<10x512x128xf32> to vector<512x128xf32>
    %convert_element_type3A_418 = arith.truncf %reduce_sum3A_417 : vector<512x128xf32> to vector<512x128xbf16>
    %convert_element_type3A_419 = arith.extf %convert_element_type3A_418 : vector<512x128xbf16> to vector<512x128xf32>
    %mul3A_420 = arith.mulf %exp3A_414, %reshape3A_216 : vector<10x512x128xbf16>
    %convert_element_type3A_421 = arith.extf %mul3A_420 : vector<10x512x128xbf16> to vector<10x512x128xf32>
    %reduce_sum3A_422 = arith.constant dense<0.000000e+00> : vector<512x128xf32>
    %reduce_sum3A_423 = vector.multi_reduction <add>, %convert_element_type3A_421, %reduce_sum3A_422 [0] : vector<10x512x128xf32> to vector<512x128xf32>
    %convert_element_type3A_424 = arith.truncf %reduce_sum3A_423 : vector<512x128xf32> to vector<512x128xbf16>
    %convert_element_type3A_425 = arith.extf %convert_element_type3A_424 : vector<512x128xbf16> to vector<512x128xf32>
    %div3A_426 = arith.divf %convert_element_type3A_425, %convert_element_type3A_419 : vector<512x128xf32>
    %convert_element_type3A_427 = arith.truncf %div3A_426 : vector<512x128xf32> to vector<512x128xbf16>
    %slice3A_428 = vector.extract_strided_slice %reshape3A_208 {offsets = [9, 0, 0], sizes = [1, 512, 128], strides = [1, 1, 1]} : vector<10x512x128xbf16> to vector<1x512x128xbf16>
    %squeeze3A_429 = vector.shape_cast %slice3A_428 : vector<1x512x128xbf16> to vector<512x128xbf16>
    %broadcast_in_dim3A_430 = vector.shape_cast %squeeze3A_429 : vector<512x128xbf16> to vector<1x512x128xbf16>
    %mul3A_431 = vector.broadcast %broadcast_in_dim3A_430 : vector<1x512x128xbf16> to vector<10x512x128xbf16>
    %mul3A_432 = arith.mulf %mul3A_431, %reshape3A_212 : vector<10x512x128xbf16>
    %reshape3A_433 = vector.shape_cast %mul3A_432 : vector<10x512x128xbf16> to vector<5120x128xbf16>
    %dot_general3A_434 = arith.constant dense<0.000000e+00> : vector<5120x128xf32>
    %dot_general3A_435 = tpu.matmul %reshape3A_433, %get3A_137, %dot_general3A_434 {dimension_numbers = #tpu.dot_dimension_numbers<[1], [0], [0], [1], [0, 0, 1, 1], [], []>, transpose_lhs_hint = false} : vector<5120x128xbf16>, vector<128x128xbf16>, vector<5120x128xf32> -> vector<5120x128xf32>
    %convert_element_type3A_436 = arith.truncf %dot_general3A_435 : vector<5120x128xf32> to vector<5120x128xbf16>
    %reshape3A_437 = vector.shape_cast %convert_element_type3A_436 : vector<5120x128xbf16> to vector<10x512x128xbf16>
    %exp3A_438 = math.exp %reshape3A_437 : vector<10x512x128xbf16>
    %convert_element_type3A_439 = arith.extf %exp3A_438 : vector<10x512x128xbf16> to vector<10x512x128xf32>
    %reduce_sum3A_440 = arith.constant dense<0.000000e+00> : vector<512x128xf32>
    %reduce_sum3A_441 = vector.multi_reduction <add>, %convert_element_type3A_439, %reduce_sum3A_440 [0] : vector<10x512x128xf32> to vector<512x128xf32>
    %convert_element_type3A_442 = arith.truncf %reduce_sum3A_441 : vector<512x128xf32> to vector<512x128xbf16>
    %convert_element_type3A_443 = arith.extf %convert_element_type3A_442 : vector<512x128xbf16> to vector<512x128xf32>
    %mul3A_444 = arith.mulf %exp3A_438, %reshape3A_216 : vector<10x512x128xbf16>
    %convert_element_type3A_445 = arith.extf %mul3A_444 : vector<10x512x128xbf16> to vector<10x512x128xf32>
    %reduce_sum3A_446 = arith.constant dense<0.000000e+00> : vector<512x128xf32>
    %reduce_sum3A_447 = vector.multi_reduction <add>, %convert_element_type3A_445, %reduce_sum3A_446 [0] : vector<10x512x128xf32> to vector<512x128xf32>
    %convert_element_type3A_448 = arith.truncf %reduce_sum3A_447 : vector<512x128xf32> to vector<512x128xbf16>
    %convert_element_type3A_449 = arith.extf %convert_element_type3A_448 : vector<512x128xbf16> to vector<512x128xf32>
    %div3A_450 = arith.divf %convert_element_type3A_449, %convert_element_type3A_443 : vector<512x128xf32>
    %convert_element_type3A_451 = arith.truncf %div3A_450 : vector<512x128xf32> to vector<512x128xbf16>
    %broadcast_in_dim3A_452 = vector.shape_cast %convert_element_type3A_235 : vector<512x128xbf16> to vector<1x512x128xbf16>
    %broadcast_in_dim3A_453 = vector.shape_cast %convert_element_type3A_259 : vector<512x128xbf16> to vector<1x512x128xbf16>
    %broadcast_in_dim3A_454 = vector.shape_cast %convert_element_type3A_283 : vector<512x128xbf16> to vector<1x512x128xbf16>
    %broadcast_in_dim3A_455 = vector.shape_cast %convert_element_type3A_307 : vector<512x128xbf16> to vector<1x512x128xbf16>
    %broadcast_in_dim3A_456 = vector.shape_cast %convert_element_type3A_331 : vector<512x128xbf16> to vector<1x512x128xbf16>
    %broadcast_in_dim3A_457 = vector.shape_cast %convert_element_type3A_355 : vector<512x128xbf16> to vector<1x512x128xbf16>
    %broadcast_in_dim3A_458 = vector.shape_cast %convert_element_type3A_379 : vector<512x128xbf16> to vector<1x512x128xbf16>
    %broadcast_in_dim3A_459 = vector.shape_cast %convert_element_type3A_403 : vector<512x128xbf16> to vector<1x512x128xbf16>
    %broadcast_in_dim3A_460 = vector.shape_cast %convert_element_type3A_427 : vector<512x128xbf16> to vector<1x512x128xbf16>
    %broadcast_in_dim3A_461 = vector.shape_cast %convert_element_type3A_451 : vector<512x128xbf16> to vector<1x512x128xbf16>
    %concatenate3A_462 = tpu.concatenate %broadcast_in_dim3A_452, %broadcast_in_dim3A_453, %broadcast_in_dim3A_454, %broadcast_in_dim3A_455, %broadcast_in_dim3A_456, %broadcast_in_dim3A_457, %broadcast_in_dim3A_458, %broadcast_in_dim3A_459, %broadcast_in_dim3A_460, %broadcast_in_dim3A_461 in 0 : vector<1x512x128xbf16>, vector<1x512x128xbf16>, vector<1x512x128xbf16>, vector<1x512x128xbf16>, vector<1x512x128xbf16>, vector<1x512x128xbf16>, vector<1x512x128xbf16>, vector<1x512x128xbf16>, vector<1x512x128xbf16>, vector<1x512x128xbf16> -> vector<10x512x128xbf16>
    %reshape3A_463 = vector.shape_cast %concatenate3A_462 : vector<10x512x128xbf16> to vector<5120x128xbf16>
    %dot_general3A_464 = arith.constant dense<0.000000e+00> : vector<5120x128xf32>
    %dot_general3A_465 = tpu.matmul %reshape3A_463, %get3A_158, %dot_general3A_464 {dimension_numbers = #tpu.dot_dimension_numbers<[1], [0], [0], [1], [0, 0, 1, 1], [], []>, transpose_lhs_hint = false} : vector<5120x128xbf16>, vector<128x128xbf16>, vector<5120x128xf32> -> vector<5120x128xf32>
    %add3A_466 = arith.addf %reshape3A, %dot_general3A_465 : vector<5120x128xf32>
    %dot_general3A_467 = arith.constant dense<0.000000e+00> : vector<5120x128xf32>
    %dot_general3A_468 = tpu.matmul %add3A_466, %get3A_140, %dot_general3A_467 {dimension_numbers = #tpu.dot_dimension_numbers<[1], [0], [0], [1], [0, 0, 1, 1], [], []>, transpose_lhs_hint = false} : vector<5120x128xf32>, vector<128x128xf32>, vector<5120x128xf32> -> vector<5120x128xf32>
    %mul3A_469 = arith.mulf %add3A_466, %add3A_466 : vector<5120x128xf32>
    %dot_general3A_470 = arith.constant dense<0.000000e+00> : vector<5120x128xf32>
    %dot_general3A_471 = tpu.matmul %mul3A_469, %get3A_140, %dot_general3A_470 {dimension_numbers = #tpu.dot_dimension_numbers<[1], [0], [0], [1], [0, 0, 1, 1], [], []>, transpose_lhs_hint = false} : vector<5120x128xf32>, vector<128x128xf32>, vector<5120x128xf32> -> vector<5120x128xf32>
    %mul3A_472 = arith.mulf %dot_general3A_468, %dot_general3A_468 : vector<5120x128xf32>
    %sub3A_473 = arith.subf %dot_general3A_471, %mul3A_472 : vector<5120x128xf32>
    %add3A_474 = arith.constant 9.99999974E-6 : f32
    %add3A_475 = vector.broadcast %add3A_474 : f32 to vector<5120x128xf32>
    %add3A_476 = arith.addf %sub3A_473, %add3A_475 : vector<5120x128xf32>
    %rsqrt3A_477 = math.rsqrt %add3A_476 : vector<5120x128xf32>
    %convert_element_type3A_478 = arith.truncf %rsqrt3A_477 : vector<5120x128xf32> to vector<5120x128xbf16>
    %convert_element_type3A_479 = arith.truncf %get3A_161 : vector<1x128xf32> to vector<1x128xbf16>
    %mul3A_480 = vector.broadcast %convert_element_type3A_479 : vector<1x128xbf16> to vector<5120x128xbf16>
    %mul3A_481 = arith.mulf %convert_element_type3A_478, %mul3A_480 : vector<5120x128xbf16>
    %sub3A_482 = arith.subf %add3A_466, %dot_general3A_468 : vector<5120x128xf32>
    %convert_element_type3A_483 = arith.truncf %sub3A_482 : vector<5120x128xf32> to vector<5120x128xbf16>
    %mul3A_484 = arith.mulf %convert_element_type3A_483, %mul3A_481 : vector<5120x128xbf16>
    %convert_element_type3A_485 = arith.truncf %get3A_164 : vector<1x128xf32> to vector<1x128xbf16>
    %add3A_486 = vector.broadcast %convert_element_type3A_485 : vector<1x128xbf16> to vector<5120x128xbf16>
    %add3A_487 = arith.addf %mul3A_484, %add3A_486 : vector<5120x128xbf16>
    %dot_general3A_488 = arith.constant dense<0.000000e+00> : vector<5120x512xf32>
    %dot_general3A_489 = tpu.matmul %add3A_487, %get3A_167, %dot_general3A_488 {dimension_numbers = #tpu.dot_dimension_numbers<[1], [0], [0], [1], [0, 0, 1, 1], [], []>, transpose_lhs_hint = false} : vector<5120x128xbf16>, vector<128x512xbf16>, vector<5120x512xf32> -> vector<5120x512xf32>
    %add3A_490 = vector.broadcast %get3A_170 : vector<1x512xf32> to vector<5120x512xf32>
    %add3A_491 = arith.addf %dot_general3A_489, %add3A_490 : vector<5120x512xf32>
    %convert_element_type3A_492 = arith.truncf %add3A_491 : vector<5120x512xf32> to vector<5120x512xbf16>
    %integer_pow3A = arith.mulf %convert_element_type3A_492, %convert_element_type3A_492 : vector<5120x512xbf16>
    %integer_pow3A_493 = arith.mulf %convert_element_type3A_492, %integer_pow3A : vector<5120x512xbf16>
    %mul3A_494 = arith.constant 4.467770e-02 : bf16
    %mul3A_495 = vector.broadcast %mul3A_494 : bf16 to vector<5120x512xbf16>
    %mul3A_496 = arith.mulf %mul3A_495, %integer_pow3A_493 : vector<5120x512xbf16>
    %add3A_497 = arith.addf %convert_element_type3A_492, %mul3A_496 : vector<5120x512xbf16>
    %mul3A_498 = arith.constant 7.968750e-01 : bf16
    %mul3A_499 = vector.broadcast %mul3A_498 : bf16 to vector<5120x512xbf16>
    %mul3A_500 = arith.mulf %mul3A_499, %add3A_497 : vector<5120x512xbf16>
    %tanh3A = math.tanh %mul3A_500 : vector<5120x512xbf16>
    %add3A_501 = arith.constant 1.000000e+00 : bf16
    %add3A_502 = vector.broadcast %add3A_501 : bf16 to vector<5120x512xbf16>
    %add3A_503 = arith.addf %add3A_502, %tanh3A : vector<5120x512xbf16>
    %mul3A_504 = arith.constant 5.000000e-01 : bf16
    %mul3A_505 = vector.broadcast %mul3A_504 : bf16 to vector<5120x512xbf16>
    %mul3A_506 = arith.mulf %mul3A_505, %add3A_503 : vector<5120x512xbf16>
    %mul3A_507 = arith.mulf %convert_element_type3A_492, %mul3A_506 : vector<5120x512xbf16>
    %dot_general3A_508 = arith.constant dense<0.000000e+00> : vector<5120x128xf32>
    %dot_general3A_509 = tpu.matmul %mul3A_507, %get3A_173, %dot_general3A_508 {dimension_numbers = #tpu.dot_dimension_numbers<[1], [0], [0], [1], [0, 0, 1, 1], [], []>, transpose_lhs_hint = false} : vector<5120x512xbf16>, vector<512x128xbf16>, vector<5120x128xf32> -> vector<5120x128xf32>
    %add3A_510 = arith.addf %add3A_466, %dot_general3A_509 : vector<5120x128xf32>
    %add3A_511 = vector.broadcast %get3A_176 : vector<1x128xf32> to vector<5120x128xf32>
    %add3A_512 = arith.addf %add3A_510, %add3A_511 : vector<5120x128xf32>
    %get3A_513 = arith.constant 0 : index
    %get3A_514 = arith.constant 0 : index
    %get3A_515 = vector.load %arg19[%get3A_513, %get3A_514] : memref<1x128xf32, #tpu.memory_space<vmem>>, vector<1x128xf32>
    %get3A_516 = arith.constant 0 : index
    %get3A_517 = arith.constant 0 : index
    %get3A_518 = vector.load %arg20[%get3A_516, %get3A_517] : memref<1x128xf32, #tpu.memory_space<vmem>>, vector<1x128xf32>
    %get3A_519 = arith.constant 0 : index
    %get3A_520 = arith.constant 0 : index
    %get3A_521 = vector.load %arg24[%get3A_519, %get3A_520] : memref<128x128xf32, #tpu.memory_space<vmem>>, vector<128x128xf32>
    %dot_general3A_522 = arith.constant dense<0.000000e+00> : vector<5120x128xf32>
    %dot_general3A_523 = tpu.matmul %add3A_512, %get3A_521, %dot_general3A_522 {dimension_numbers = #tpu.dot_dimension_numbers<[1], [0], [0], [1], [0, 0, 1, 1], [], []>, transpose_lhs_hint = false} : vector<5120x128xf32>, vector<128x128xf32>, vector<5120x128xf32> -> vector<5120x128xf32>
    %mul3A_524 = arith.mulf %add3A_512, %add3A_512 : vector<5120x128xf32>
    %dot_general3A_525 = arith.constant dense<0.000000e+00> : vector<5120x128xf32>
    %dot_general3A_526 = tpu.matmul %mul3A_524, %get3A_521, %dot_general3A_525 {dimension_numbers = #tpu.dot_dimension_numbers<[1], [0], [0], [1], [0, 0, 1, 1], [], []>, transpose_lhs_hint = false} : vector<5120x128xf32>, vector<128x128xf32>, vector<5120x128xf32> -> vector<5120x128xf32>
    %mul3A_527 = arith.mulf %dot_general3A_523, %dot_general3A_523 : vector<5120x128xf32>
    %sub3A_528 = arith.subf %dot_general3A_526, %mul3A_527 : vector<5120x128xf32>
    %add3A_529 = arith.constant 9.99999974E-6 : f32
    %add3A_530 = vector.broadcast %add3A_529 : f32 to vector<5120x128xf32>
    %add3A_531 = arith.addf %sub3A_528, %add3A_530 : vector<5120x128xf32>
    %rsqrt3A_532 = math.rsqrt %add3A_531 : vector<5120x128xf32>
    %convert_element_type3A_533 = arith.truncf %rsqrt3A_532 : vector<5120x128xf32> to vector<5120x128xbf16>
    %convert_element_type3A_534 = arith.truncf %get3A_515 : vector<1x128xf32> to vector<1x128xbf16>
    %mul3A_535 = vector.broadcast %convert_element_type3A_534 : vector<1x128xbf16> to vector<5120x128xbf16>
    %mul3A_536 = arith.mulf %convert_element_type3A_533, %mul3A_535 : vector<5120x128xbf16>
    %sub3A_537 = arith.subf %add3A_512, %dot_general3A_523 : vector<5120x128xf32>
    %convert_element_type3A_538 = arith.truncf %sub3A_537 : vector<5120x128xf32> to vector<5120x128xbf16>
    %mul3A_539 = arith.mulf %convert_element_type3A_538, %mul3A_536 : vector<5120x128xbf16>
    %convert_element_type3A_540 = arith.truncf %get3A_518 : vector<1x128xf32> to vector<1x128xbf16>
    %add3A_541 = vector.broadcast %convert_element_type3A_540 : vector<1x128xbf16> to vector<5120x128xbf16>
    %add3A_542 = arith.addf %mul3A_539, %add3A_541 : vector<5120x128xbf16>
    %max3A = arith.constant 0.000000e+00 : bf16
    %max3A_543 = vector.broadcast %max3A : bf16 to vector<5120x128xbf16>
    %max3A_544 = arith.maximumf %add3A_542, %max3A_543 : vector<5120x128xbf16>
    %get3A_545 = arith.constant 0 : index
    %get3A_546 = arith.constant 0 : index
    %get3A_547 = vector.load %arg21[%get3A_545, %get3A_546] : memref<128x128xbf16, #tpu.memory_space<vmem>>, vector<128x128xbf16>
    %dot_general3A_548 = arith.constant dense<0.000000e+00> : vector<5120x128xf32>
    %dot_general3A_549 = tpu.matmul %max3A_544, %get3A_547, %dot_general3A_548 {dimension_numbers = #tpu.dot_dimension_numbers<[1], [0], [0], [1], [0, 0, 1, 1], [], []>, transpose_lhs_hint = false} : vector<5120x128xbf16>, vector<128x128xbf16>, vector<5120x128xf32> -> vector<5120x128xf32>
    %get3A_550 = arith.constant 0 : index
    %get3A_551 = arith.constant 0 : index
    %get3A_552 = vector.load %arg22[%get3A_550, %get3A_551] : memref<1x128xf32, #tpu.memory_space<vmem>>, vector<1x128xf32>
    %add3A_553 = vector.broadcast %get3A_552 : vector<1x128xf32> to vector<5120x128xf32>
    %add3A_554 = arith.addf %dot_general3A_549, %add3A_553 : vector<5120x128xf32>
    %reshape3A_555 = vector.shape_cast %add3A_554 : vector<5120x128xf32> to vector<10x512x128xf32>
    %convert_element_type3A_556 = arith.truncf %reshape3A_555 : vector<10x512x128xf32> to vector<10x512x128xbf16>
    %swap3A = arith.constant 0 : index
    %swap3A_557 = arith.constant 0 : index
    %swap3A_558 = arith.constant 0 : index
    %swap3A_559 = vector.load %arg25[%swap3A, %swap3A_557, %swap3A_558] : memref<10x512x128xbf16, #tpu.memory_space<vmem>>, vector<10x512x128xbf16>
    tpu.vector_store %arg25[%swap3A, %swap3A_557, %swap3A_558], %convert_element_type3A_556 {strides = array<i32>} : memref<10x512x128xbf16, #tpu.memory_space<vmem>>, vector<10x512x128xbf16>,
    return
  }
  func.func @transform_0(%arg0: i32) -> (i32, i32, i32) {
    %c0_i32 = arith.constant 0 : i32
    %c0_i32_0 = arith.constant 0 : i32
    %c0_i32_1 = arith.constant 0 : i32
    return %c0_i32, %arg0, %c0_i32_0 : i32, i32, i32
  }
  func.func @transform_1(%arg0: i32) -> (i32, i32) {
    %c0_i32 = arith.constant 0 : i32
    %c0_i32_0 = arith.constant 0 : i32
    return %arg0, %c0_i32 : i32, i32
  }
  func.func @transform_2(%arg0: i32) -> (i32, i32, i32) {
    %c0_i32 = arith.constant 0 : i32
    %c0_i32_0 = arith.constant 0 : i32
    %c0_i32_1 = arith.constant 0 : i32
    %c0_i32_2 = arith.constant 0 : i32
    return %c0_i32, %c0_i32_0, %c0_i32_1 : i32, i32, i32
  }
  func.func @transform_3(%arg0: i32) -> (i32, i32) {
    %c0_i32 = arith.constant 0 : i32
    %c0_i32_0 = arith.constant 0 : i32
    %c0_i32_1 = arith.constant 0 : i32
    return %c0_i32, %c0_i32_0 : i32, i32
  }
  func.func @transform_4(%arg0: i32) -> (i32, i32) {
    %c0_i32 = arith.constant 0 : i32
    %c0_i32_0 = arith.constant 0 : i32
    %c0_i32_1 = arith.constant 0 : i32
    return %c0_i32, %c0_i32_0 : i32, i32
  }
  func.func @transform_5(%arg0: i32) -> (i32, i32) {
    %c0_i32 = arith.constant 0 : i32
    %c0_i32_0 = arith.constant 0 : i32
    %c0_i32_1 = arith.constant 0 : i32
    return %c0_i32, %c0_i32_0 : i32, i32
  }
  func.func @transform_6(%arg0: i32) -> (i32, i32) {
    %c0_i32 = arith.constant 0 : i32
    %c0_i32_0 = arith.constant 0 : i32
    %c0_i32_1 = arith.constant 0 : i32
    return %c0_i32, %c0_i32_0 : i32, i32
  }
  func.func @transform_7(%arg0: i32) -> (i32, i32) {
    %c0_i32 = arith.constant 0 : i32
    %c0_i32_0 = arith.constant 0 : i32
    %c0_i32_1 = arith.constant 0 : i32
    return %c0_i32, %c0_i32_0 : i32, i32
  }
  func.func @transform_8(%arg0: i32) -> (i32, i32) {
    %c0_i32 = arith.constant 0 : i32
    %c0_i32_0 = arith.constant 0 : i32
    %c0_i32_1 = arith.constant 0 : i32
    return %c0_i32, %c0_i32_0 : i32, i32
  }
  func.func @transform_9(%arg0: i32) -> (i32, i32) {
    %c0_i32 = arith.constant 0 : i32
    %c0_i32_0 = arith.constant 0 : i32
    %c0_i32_1 = arith.constant 0 : i32
    return %c0_i32, %c0_i32_0 : i32, i32
  }
  func.func @transform_10(%arg0: i32) -> (i32, i32) {
    %c0_i32 = arith.constant 0 : i32
    %c0_i32_0 = arith.constant 0 : i32
    %c0_i32_1 = arith.constant 0 : i32
    return %c0_i32, %c0_i32_0 : i32, i32
  }
  func.func @transform_11(%arg0: i32) -> (i32, i32) {
    %c0_i32 = arith.constant 0 : i32
    %c0_i32_0 = arith.constant 0 : i32
    %c0_i32_1 = arith.constant 0 : i32
    return %c0_i32, %c0_i32_0 : i32, i32
  }
  func.func @transform_12(%arg0: i32) -> (i32, i32) {
    %c0_i32 = arith.constant 0 : i32
    %c0_i32_0 = arith.constant 0 : i32
    %c0_i32_1 = arith.constant 0 : i32
    return %c0_i32, %c0_i32_0 : i32, i32
  }
  func.func @transform_13(%arg0: i32) -> (i32, i32) {
    %c0_i32 = arith.constant 0 : i32
    %c0_i32_0 = arith.constant 0 : i32
    %c0_i32_1 = arith.constant 0 : i32
    return %c0_i32, %c0_i32_0 : i32, i32
  }
  func.func @transform_14(%arg0: i32) -> (i32, i32) {
    %c0_i32 = arith.constant 0 : i32
    %c0_i32_0 = arith.constant 0 : i32
    %c0_i32_1 = arith.constant 0 : i32
    return %c0_i32, %c0_i32_0 : i32, i32
  }
  func.func @transform_15(%arg0: i32) -> (i32, i32) {
    %c0_i32 = arith.constant 0 : i32
    %c0_i32_0 = arith.constant 0 : i32
    %c0_i32_1 = arith.constant 0 : i32
    return %c0_i32, %c0_i32_0 : i32, i32
  }
  func.func @transform_16(%arg0: i32) -> (i32, i32) {
    %c0_i32 = arith.constant 0 : i32
    %c0_i32_0 = arith.constant 0 : i32
    %c0_i32_1 = arith.constant 0 : i32
    return %c0_i32, %c0_i32_0 : i32, i32
  }
  func.func @transform_17(%arg0: i32) -> (i32, i32) {
    %c0_i32 = arith.constant 0 : i32
    %c0_i32_0 = arith.constant 0 : i32
    %c0_i32_1 = arith.constant 0 : i32
    return %c0_i32, %c0_i32_0 : i32, i32
  }
  func.func @transform_18(%arg0: i32) -> (i32, i32) {
    %c0_i32 = arith.constant 0 : i32
    %c0_i32_0 = arith.constant 0 : i32
    %c0_i32_1 = arith.constant 0 : i32
    return %c0_i32, %c0_i32_0 : i32, i32
  }
  func.func @transform_19(%arg0: i32) -> (i32, i32) {
    %c0_i32 = arith.constant 0 : i32
    %c0_i32_0 = arith.constant 0 : i32
    %c0_i32_1 = arith.constant 0 : i32
    return %c0_i32, %c0_i32_0 : i32, i32
  }
  func.func @transform_20(%arg0: i32) -> (i32, i32) {
    %c0_i32 = arith.constant 0 : i32
    %c0_i32_0 = arith.constant 0 : i32
    %c0_i32_1 = arith.constant 0 : i32
    return %c0_i32, %c0_i32_0 : i32, i32
  }
  func.func @transform_21(%arg0: i32) -> (i32, i32) {
    %c0_i32 = arith.constant 0 : i32
    %c0_i32_0 = arith.constant 0 : i32
    %c0_i32_1 = arith.constant 0 : i32
    return %c0_i32, %c0_i32_0 : i32, i32
  }
  func.func @transform_22(%arg0: i32) -> (i32, i32) {
    %c0_i32 = arith.constant 0 : i32
    %c0_i32_0 = arith.constant 0 : i32
    %c0_i32_1 = arith.constant 0 : i32
    return %c0_i32, %c0_i32_0 : i32, i32
  }
  func.func @transform_23(%arg0: i32) -> (i32, i32) {
    %c0_i32 = arith.constant 0 : i32
    %c0_i32_0 = arith.constant 0 : i32
    %c0_i32_1 = arith.constant 0 : i32
    return %c0_i32, %c0_i32_0 : i32, i32
  }
  func.func @transform_24(%arg0: i32) -> (i32, i32, i32) {
    %c0_i32 = arith.constant 0 : i32
    %c0_i32_0 = arith.constant 0 : i32
    %c0_i32_1 = arith.constant 0 : i32
    return %c0_i32, %arg0, %c0_i32_0 : i32, i32, i32
  }
}

module attributes {stable_mosaic.version = 14 : i64} {
  func.func @_order1_body(%arg0: i32, %arg1: memref<10x512x128xbf16, #tpu.memory_space<vmem>>, %arg2: memref<512x128xf32, #tpu.memory_space<vmem>>, %arg3: memref<1x128xf32, #tpu.memory_space<vmem>>, %arg4: memref<1x128xf32, #tpu.memory_space<vmem>>, %arg5: memref<1x128xf32, #tpu.memory_space<vmem>>, %arg6: memref<128x128xbf16, #tpu.memory_space<vmem>>, %arg7: memref<128x128xbf16, #tpu.memory_space<vmem>>, %arg8: memref<128x128xbf16, #tpu.memory_space<vmem>>, %arg9: memref<128x128xbf16, #tpu.memory_space<vmem>>, %arg10: memref<1x128xf32, #tpu.memory_space<vmem>>, %arg11: memref<1x128xf32, #tpu.memory_space<vmem>>, %arg12: memref<128x512xbf16, #tpu.memory_space<vmem>>, %arg13: memref<1x512xf32, #tpu.memory_space<vmem>>, %arg14: memref<512x128xbf16, #tpu.memory_space<vmem>>, %arg15: memref<1x128xf32, #tpu.memory_space<vmem>>, %arg16: memref<128x128xf32, #tpu.memory_space<vmem>>, %arg17: memref<1x128xf32, #tpu.memory_space<vmem>>, %arg18: memref<1x128xf32, #tpu.memory_space<vmem>>, %arg19: memref<1x128xf32, #tpu.memory_space<vmem>>, %arg20: memref<1x128xf32, #tpu.memory_space<vmem>>, %arg21: memref<1x2xf32, #tpu.memory_space<vmem>>, %arg22: memref<128x128xbf16, #tpu.memory_space<vmem>>, %arg23: memref<128x128xf32, #tpu.memory_space<vmem>>, %arg24: memref<128x2xf32, #tpu.memory_space<vmem>>, %arg25: memref<512x2xf32, #tpu.memory_space<vmem>>) attributes {dimension_semantics = [#tpu.dimension_semantics<arbitrary>], iteration_bounds = array<i64: 16>, scalar_prefetch = 0 : i64, scratch_operands = 0 : i64, tpu.core_type = #tpu.core_type<tc>, window_params = [{transform_indices = @transform_0, window_bounds = array<i64: 10, 512, 128>}, {transform_indices = @transform_1, window_bounds = array<i64: 512, 128>}, {pipeline_mode = #tpu.pipeline_mode<synchronous>, transform_indices = @transform_2, window_bounds = array<i64: 1, 128>}, {pipeline_mode = #tpu.pipeline_mode<synchronous>, transform_indices = @transform_3, window_bounds = array<i64: 1, 128>}, {pipeline_mode = #tpu.pipeline_mode<synchronous>, transform_indices = @transform_4, window_bounds = array<i64: 1, 128>}, {pipeline_mode = #tpu.pipeline_mode<synchronous>, transform_indices = @transform_5, window_bounds = array<i64: 128, 128>}, {pipeline_mode = #tpu.pipeline_mode<synchronous>, transform_indices = @transform_6, window_bounds = array<i64: 128, 128>}, {pipeline_mode = #tpu.pipeline_mode<synchronous>, transform_indices = @transform_7, window_bounds = array<i64: 128, 128>}, {pipeline_mode = #tpu.pipeline_mode<synchronous>, transform_indices = @transform_8, window_bounds = array<i64: 128, 128>}, {pipeline_mode = #tpu.pipeline_mode<synchronous>, transform_indices = @transform_9, window_bounds = array<i64: 1, 128>}, {pipeline_mode = #tpu.pipeline_mode<synchronous>, transform_indices = @transform_10, window_bounds = array<i64: 1, 128>}, {pipeline_mode = #tpu.pipeline_mode<synchronous>, transform_indices = @transform_11, window_bounds = array<i64: 128, 512>}, {pipeline_mode = #tpu.pipeline_mode<synchronous>, transform_indices = @transform_12, window_bounds = array<i64: 1, 512>}, {pipeline_mode = #tpu.pipeline_mode<synchronous>, transform_indices = @transform_13, window_bounds = array<i64: 512, 128>}, {pipeline_mode = #tpu.pipeline_mode<synchronous>, transform_indices = @transform_14, window_bounds = array<i64: 1, 128>}, {pipeline_mode = #tpu.pipeline_mode<synchronous>, transform_indices = @transform_15, window_bounds = array<i64: 128, 128>}, {pipeline_mode = #tpu.pipeline_mode<synchronous>, transform_indices = @transform_16, window_bounds = array<i64: 1, 128>}, {pipeline_mode = #tpu.pipeline_mode<synchronous>, transform_indices = @transform_17, window_bounds = array<i64: 1, 128>}, {pipeline_mode = #tpu.pipeline_mode<synchronous>, transform_indices = @transform_18, window_bounds = array<i64: 1, 128>}, {pipeline_mode = #tpu.pipeline_mode<synchronous>, transform_indices = @transform_19, window_bounds = array<i64: 1, 128>}, {pipeline_mode = #tpu.pipeline_mode<synchronous>, transform_indices = @transform_20, window_bounds = array<i64: 1, 2>}, {pipeline_mode = #tpu.pipeline_mode<synchronous>, transform_indices = @transform_21, window_bounds = array<i64: 128, 128>}, {pipeline_mode = #tpu.pipeline_mode<synchronous>, transform_indices = @transform_22, window_bounds = array<i64: 128, 128>}, {pipeline_mode = #tpu.pipeline_mode<synchronous>, transform_indices = @transform_23, window_bounds = array<i64: 128, 2>}, {transform_indices = @transform_24, window_bounds = array<i64: 512, 2>}]} {
    %get3A = arith.constant 0 : index
    %get3A_0 = arith.constant 0 : index
    %get3A_1 = vector.load %arg3[%get3A, %get3A_0] : memref<1x128xf32, #tpu.memory_space<vmem>>, vector<1x128xf32>
    %broadcast_in_dim3A = vector.shape_cast %get3A_1 : vector<1x128xf32> to vector<1x128xf32>
    %broadcast_in_dim3A_2 = vector.broadcast %broadcast_in_dim3A : vector<1x128xf32> to vector<512x128xf32>
    %get3A_3 = arith.constant 0 : index
    %get3A_4 = arith.constant 0 : index
    %get3A_5 = arith.constant 0 : index
    %get3A_6 = vector.load %arg1[%get3A_3, %get3A_4, %get3A_5] : memref<10x512x128xbf16, #tpu.memory_space<vmem>>, vector<1x512x128xbf16>
    %get3A_7 = vector.shape_cast %get3A_6 : vector<1x512x128xbf16> to vector<512x128xbf16>
    %get3A_8 = arith.constant 1 : index
    %get3A_9 = arith.constant 0 : index
    %get3A_10 = arith.constant 0 : index
    %get3A_11 = vector.load %arg1[%get3A_8, %get3A_9, %get3A_10] : memref<10x512x128xbf16, #tpu.memory_space<vmem>>, vector<1x512x128xbf16>
    %get3A_12 = vector.shape_cast %get3A_11 : vector<1x512x128xbf16> to vector<512x128xbf16>
    %get3A_13 = arith.constant 2 : index
    %get3A_14 = arith.constant 0 : index
    %get3A_15 = arith.constant 0 : index
    %get3A_16 = vector.load %arg1[%get3A_13, %get3A_14, %get3A_15] : memref<10x512x128xbf16, #tpu.memory_space<vmem>>, vector<1x512x128xbf16>
    %get3A_17 = vector.shape_cast %get3A_16 : vector<1x512x128xbf16> to vector<512x128xbf16>
    %get3A_18 = arith.constant 3 : index
    %get3A_19 = arith.constant 0 : index
    %get3A_20 = arith.constant 0 : index
    %get3A_21 = vector.load %arg1[%get3A_18, %get3A_19, %get3A_20] : memref<10x512x128xbf16, #tpu.memory_space<vmem>>, vector<1x512x128xbf16>
    %get3A_22 = vector.shape_cast %get3A_21 : vector<1x512x128xbf16> to vector<512x128xbf16>
    %get3A_23 = arith.constant 4 : index
    %get3A_24 = arith.constant 0 : index
    %get3A_25 = arith.constant 0 : index
    %get3A_26 = vector.load %arg1[%get3A_23, %get3A_24, %get3A_25] : memref<10x512x128xbf16, #tpu.memory_space<vmem>>, vector<1x512x128xbf16>
    %get3A_27 = vector.shape_cast %get3A_26 : vector<1x512x128xbf16> to vector<512x128xbf16>
    %get3A_28 = arith.constant 5 : index
    %get3A_29 = arith.constant 0 : index
    %get3A_30 = arith.constant 0 : index
    %get3A_31 = vector.load %arg1[%get3A_28, %get3A_29, %get3A_30] : memref<10x512x128xbf16, #tpu.memory_space<vmem>>, vector<1x512x128xbf16>
    %get3A_32 = vector.shape_cast %get3A_31 : vector<1x512x128xbf16> to vector<512x128xbf16>
    %get3A_33 = arith.constant 6 : index
    %get3A_34 = arith.constant 0 : index
    %get3A_35 = arith.constant 0 : index
    %get3A_36 = vector.load %arg1[%get3A_33, %get3A_34, %get3A_35] : memref<10x512x128xbf16, #tpu.memory_space<vmem>>, vector<1x512x128xbf16>
    %get3A_37 = vector.shape_cast %get3A_36 : vector<1x512x128xbf16> to vector<512x128xbf16>
    %get3A_38 = arith.constant 7 : index
    %get3A_39 = arith.constant 0 : index
    %get3A_40 = arith.constant 0 : index
    %get3A_41 = vector.load %arg1[%get3A_38, %get3A_39, %get3A_40] : memref<10x512x128xbf16, #tpu.memory_space<vmem>>, vector<1x512x128xbf16>
    %get3A_42 = vector.shape_cast %get3A_41 : vector<1x512x128xbf16> to vector<512x128xbf16>
    %get3A_43 = arith.constant 8 : index
    %get3A_44 = arith.constant 0 : index
    %get3A_45 = arith.constant 0 : index
    %get3A_46 = vector.load %arg1[%get3A_43, %get3A_44, %get3A_45] : memref<10x512x128xbf16, #tpu.memory_space<vmem>>, vector<1x512x128xbf16>
    %get3A_47 = vector.shape_cast %get3A_46 : vector<1x512x128xbf16> to vector<512x128xbf16>
    %get3A_48 = arith.constant 9 : index
    %get3A_49 = arith.constant 0 : index
    %get3A_50 = arith.constant 0 : index
    %get3A_51 = vector.load %arg1[%get3A_48, %get3A_49, %get3A_50] : memref<10x512x128xbf16, #tpu.memory_space<vmem>>, vector<1x512x128xbf16>
    %get3A_52 = vector.shape_cast %get3A_51 : vector<1x512x128xbf16> to vector<512x128xbf16>
    %get3A_53 = arith.constant 0 : index
    %get3A_54 = arith.constant 0 : index
    %get3A_55 = vector.load %arg2[%get3A_53, %get3A_54] : memref<512x128xf32, #tpu.memory_space<vmem>>, vector<512x128xf32>
    %convert_element_type3A = arith.extf %get3A_52 : vector<512x128xbf16> to vector<512x128xf32>
    %add3A = arith.addf %convert_element_type3A, %get3A_55 : vector<512x128xf32>
    %get3A_56 = arith.constant 0 : index
    %get3A_57 = arith.constant 0 : index
    %get3A_58 = vector.load %arg22[%get3A_56, %get3A_57] : memref<128x128xbf16, #tpu.memory_space<vmem>>, vector<128x128xbf16>
    %get3A_59 = arith.constant 0 : index
    %get3A_60 = arith.constant 0 : index
    %get3A_61 = vector.load %arg23[%get3A_59, %get3A_60] : memref<128x128xf32, #tpu.memory_space<vmem>>, vector<128x128xf32>
    %get3A_62 = arith.constant 0 : index
    %get3A_63 = arith.constant 0 : index
    %get3A_64 = vector.load %arg4[%get3A_62, %get3A_63] : memref<1x128xf32, #tpu.memory_space<vmem>>, vector<1x128xf32>
    %get3A_65 = arith.constant 0 : index
    %get3A_66 = arith.constant 0 : index
    %get3A_67 = vector.load %arg5[%get3A_65, %get3A_66] : memref<1x128xf32, #tpu.memory_space<vmem>>, vector<1x128xf32>
    %get3A_68 = arith.constant 0 : index
    %get3A_69 = arith.constant 0 : index
    %get3A_70 = vector.load %arg6[%get3A_68, %get3A_69] : memref<128x128xbf16, #tpu.memory_space<vmem>>, vector<128x128xbf16>
    %get3A_71 = arith.constant 0 : index
    %get3A_72 = arith.constant 0 : index
    %get3A_73 = vector.load %arg7[%get3A_71, %get3A_72] : memref<128x128xbf16, #tpu.memory_space<vmem>>, vector<128x128xbf16>
    %get3A_74 = arith.constant 0 : index
    %get3A_75 = arith.constant 0 : index
    %get3A_76 = vector.load %arg8[%get3A_74, %get3A_75] : memref<128x128xbf16, #tpu.memory_space<vmem>>, vector<128x128xbf16>
    %get3A_77 = arith.constant 0 : index
    %get3A_78 = arith.constant 0 : index
    %get3A_79 = vector.load %arg9[%get3A_77, %get3A_78] : memref<128x128xbf16, #tpu.memory_space<vmem>>, vector<128x128xbf16>
    %get3A_80 = arith.constant 0 : index
    %get3A_81 = arith.constant 0 : index
    %get3A_82 = vector.load %arg10[%get3A_80, %get3A_81] : memref<1x128xf32, #tpu.memory_space<vmem>>, vector<1x128xf32>
    %get3A_83 = arith.constant 0 : index
    %get3A_84 = arith.constant 0 : index
    %get3A_85 = vector.load %arg11[%get3A_83, %get3A_84] : memref<1x128xf32, #tpu.memory_space<vmem>>, vector<1x128xf32>
    %get3A_86 = arith.constant 0 : index
    %get3A_87 = arith.constant 0 : index
    %get3A_88 = vector.load %arg12[%get3A_86, %get3A_87] : memref<128x512xbf16, #tpu.memory_space<vmem>>, vector<128x512xbf16>
    %get3A_89 = arith.constant 0 : index
    %get3A_90 = arith.constant 0 : index
    %get3A_91 = vector.load %arg13[%get3A_89, %get3A_90] : memref<1x512xf32, #tpu.memory_space<vmem>>, vector<1x512xf32>
    %get3A_92 = arith.constant 0 : index
    %get3A_93 = arith.constant 0 : index
    %get3A_94 = vector.load %arg14[%get3A_92, %get3A_93] : memref<512x128xbf16, #tpu.memory_space<vmem>>, vector<512x128xbf16>
    %get3A_95 = arith.constant 0 : index
    %get3A_96 = arith.constant 0 : index
    %get3A_97 = vector.load %arg15[%get3A_95, %get3A_96] : memref<1x128xf32, #tpu.memory_space<vmem>>, vector<1x128xf32>
    %broadcast_in_dim3A_98 = vector.shape_cast %broadcast_in_dim3A_2 : vector<512x128xf32> to vector<1x512x128xf32>
    %broadcast_in_dim3A_99 = vector.shape_cast %get3A_7 : vector<512x128xbf16> to vector<1x512x128xbf16>
    %broadcast_in_dim3A_100 = vector.shape_cast %get3A_12 : vector<512x128xbf16> to vector<1x512x128xbf16>
    %broadcast_in_dim3A_101 = vector.shape_cast %get3A_17 : vector<512x128xbf16> to vector<1x512x128xbf16>
    %broadcast_in_dim3A_102 = vector.shape_cast %get3A_22 : vector<512x128xbf16> to vector<1x512x128xbf16>
    %broadcast_in_dim3A_103 = vector.shape_cast %get3A_27 : vector<512x128xbf16> to vector<1x512x128xbf16>
    %broadcast_in_dim3A_104 = vector.shape_cast %get3A_32 : vector<512x128xbf16> to vector<1x512x128xbf16>
    %broadcast_in_dim3A_105 = vector.shape_cast %get3A_37 : vector<512x128xbf16> to vector<1x512x128xbf16>
    %broadcast_in_dim3A_106 = vector.shape_cast %get3A_42 : vector<512x128xbf16> to vector<1x512x128xbf16>
    %broadcast_in_dim3A_107 = vector.shape_cast %get3A_47 : vector<512x128xbf16> to vector<1x512x128xbf16>
    %broadcast_in_dim3A_108 = vector.shape_cast %add3A : vector<512x128xf32> to vector<1x512x128xf32>
    %convert_element_type3A_109 = arith.extf %broadcast_in_dim3A_99 : vector<1x512x128xbf16> to vector<1x512x128xf32>
    %convert_element_type3A_110 = arith.extf %broadcast_in_dim3A_100 : vector<1x512x128xbf16> to vector<1x512x128xf32>
    %convert_element_type3A_111 = arith.extf %broadcast_in_dim3A_101 : vector<1x512x128xbf16> to vector<1x512x128xf32>
    %convert_element_type3A_112 = arith.extf %broadcast_in_dim3A_102 : vector<1x512x128xbf16> to vector<1x512x128xf32>
    %convert_element_type3A_113 = arith.extf %broadcast_in_dim3A_103 : vector<1x512x128xbf16> to vector<1x512x128xf32>
    %convert_element_type3A_114 = arith.extf %broadcast_in_dim3A_104 : vector<1x512x128xbf16> to vector<1x512x128xf32>
    %convert_element_type3A_115 = arith.extf %broadcast_in_dim3A_105 : vector<1x512x128xbf16> to vector<1x512x128xf32>
    %convert_element_type3A_116 = arith.extf %broadcast_in_dim3A_106 : vector<1x512x128xbf16> to vector<1x512x128xf32>
    %convert_element_type3A_117 = arith.extf %broadcast_in_dim3A_107 : vector<1x512x128xbf16> to vector<1x512x128xf32>
    %concatenate3A = tpu.concatenate %broadcast_in_dim3A_98, %convert_element_type3A_109, %convert_element_type3A_110, %convert_element_type3A_111, %convert_element_type3A_112, %convert_element_type3A_113, %convert_element_type3A_114, %convert_element_type3A_115, %convert_element_type3A_116, %convert_element_type3A_117, %broadcast_in_dim3A_108 in 0 : vector<1x512x128xf32>, vector<1x512x128xf32>, vector<1x512x128xf32>, vector<1x512x128xf32>, vector<1x512x128xf32>, vector<1x512x128xf32>, vector<1x512x128xf32>, vector<1x512x128xf32>, vector<1x512x128xf32>, vector<1x512x128xf32>, vector<1x512x128xf32> -> vector<11x512x128xf32>
    %reshape3A = vector.shape_cast %concatenate3A : vector<11x512x128xf32> to vector<5632x128xf32>
    %dot_general3A = arith.constant dense<0.000000e+00> : vector<5632x128xf32>
    %dot_general3A_118 = tpu.matmul %reshape3A, %get3A_61, %dot_general3A {dimension_numbers = #tpu.dot_dimension_numbers<[1], [0], [0], [1], [0, 0, 1, 1], [], []>, transpose_lhs_hint = false} : vector<5632x128xf32>, vector<128x128xf32>, vector<5632x128xf32> -> vector<5632x128xf32>
    %mul3A = arith.mulf %reshape3A, %reshape3A : vector<5632x128xf32>
    %dot_general3A_119 = arith.constant dense<0.000000e+00> : vector<5632x128xf32>
    %dot_general3A_120 = tpu.matmul %mul3A, %get3A_61, %dot_general3A_119 {dimension_numbers = #tpu.dot_dimension_numbers<[1], [0], [0], [1], [0, 0, 1, 1], [], []>, transpose_lhs_hint = false} : vector<5632x128xf32>, vector<128x128xf32>, vector<5632x128xf32> -> vector<5632x128xf32>
    %mul3A_121 = arith.mulf %dot_general3A_118, %dot_general3A_118 : vector<5632x128xf32>
    %sub3A = arith.subf %dot_general3A_120, %mul3A_121 : vector<5632x128xf32>
    %add3A_122 = arith.constant 9.99999974E-6 : f32
    %add3A_123 = vector.broadcast %add3A_122 : f32 to vector<5632x128xf32>
    %add3A_124 = arith.addf %sub3A, %add3A_123 : vector<5632x128xf32>
    %rsqrt3A = math.rsqrt %add3A_124 : vector<5632x128xf32>
    %convert_element_type3A_125 = arith.truncf %rsqrt3A : vector<5632x128xf32> to vector<5632x128xbf16>
    %convert_element_type3A_126 = arith.truncf %get3A_64 : vector<1x128xf32> to vector<1x128xbf16>
    %mul3A_127 = vector.broadcast %convert_element_type3A_126 : vector<1x128xbf16> to vector<5632x128xbf16>
    %mul3A_128 = arith.mulf %convert_element_type3A_125, %mul3A_127 : vector<5632x128xbf16>
    %sub3A_129 = arith.subf %reshape3A, %dot_general3A_118 : vector<5632x128xf32>
    %convert_element_type3A_130 = arith.truncf %sub3A_129 : vector<5632x128xf32> to vector<5632x128xbf16>
    %mul3A_131 = arith.mulf %convert_element_type3A_130, %mul3A_128 : vector<5632x128xbf16>
    %convert_element_type3A_132 = arith.truncf %get3A_67 : vector<1x128xf32> to vector<1x128xbf16>
    %add3A_133 = vector.broadcast %convert_element_type3A_132 : vector<1x128xbf16> to vector<5632x128xbf16>
    %add3A_134 = arith.addf %mul3A_131, %add3A_133 : vector<5632x128xbf16>
    %slice3A = vector.extract_strided_slice %add3A_134 {offsets = [0, 0], sizes = [512, 128], strides = [1, 1]} : vector<5632x128xbf16> to vector<512x128xbf16>
    %dot_general3A_135 = arith.constant dense<0.000000e+00> : vector<512x128xf32>
    %dot_general3A_136 = tpu.matmul %slice3A, %get3A_70, %dot_general3A_135 {dimension_numbers = #tpu.dot_dimension_numbers<[1], [0], [0], [1], [0, 0, 1, 1], [], []>, transpose_lhs_hint = false} : vector<512x128xbf16>, vector<128x128xbf16>, vector<512x128xf32> -> vector<512x128xf32>
    %convert_element_type3A_137 = arith.truncf %dot_general3A_136 : vector<512x128xf32> to vector<512x128xbf16>
    %dot_general3A_138 = arith.constant dense<0.000000e+00> : vector<5632x128xf32>
    %dot_general3A_139 = tpu.matmul %add3A_134, %get3A_73, %dot_general3A_138 {dimension_numbers = #tpu.dot_dimension_numbers<[1], [0], [0], [1], [0, 0, 1, 1], [], []>, transpose_lhs_hint = false} : vector<5632x128xbf16>, vector<128x128xbf16>, vector<5632x128xf32> -> vector<5632x128xf32>
    %convert_element_type3A_140 = arith.truncf %dot_general3A_139 : vector<5632x128xf32> to vector<5632x128xbf16>
    %reshape3A_141 = vector.shape_cast %convert_element_type3A_140 : vector<5632x128xbf16> to vector<11x512x128xbf16>
    %dot_general3A_142 = arith.constant dense<0.000000e+00> : vector<5632x128xf32>
    %dot_general3A_143 = tpu.matmul %add3A_134, %get3A_76, %dot_general3A_142 {dimension_numbers = #tpu.dot_dimension_numbers<[1], [0], [0], [1], [0, 0, 1, 1], [], []>, transpose_lhs_hint = false} : vector<5632x128xbf16>, vector<128x128xbf16>, vector<5632x128xf32> -> vector<5632x128xf32>
    %convert_element_type3A_144 = arith.truncf %dot_general3A_143 : vector<5632x128xf32> to vector<5632x128xbf16>
    %reshape3A_145 = vector.shape_cast %convert_element_type3A_144 : vector<5632x128xbf16> to vector<11x512x128xbf16>
    %broadcast_in_dim3A_146 = vector.shape_cast %convert_element_type3A_137 : vector<512x128xbf16> to vector<1x512x128xbf16>
    %mul3A_147 = vector.broadcast %broadcast_in_dim3A_146 : vector<1x512x128xbf16> to vector<11x512x128xbf16>
    %mul3A_148 = arith.mulf %mul3A_147, %reshape3A_141 : vector<11x512x128xbf16>
    %reshape3A_149 = vector.shape_cast %mul3A_148 : vector<11x512x128xbf16> to vector<5632x128xbf16>
    %dot_general3A_150 = arith.constant dense<0.000000e+00> : vector<5632x128xf32>
    %dot_general3A_151 = tpu.matmul %reshape3A_149, %get3A_58, %dot_general3A_150 {dimension_numbers = #tpu.dot_dimension_numbers<[1], [0], [0], [1], [0, 0, 1, 1], [], []>, transpose_lhs_hint = false} : vector<5632x128xbf16>, vector<128x128xbf16>, vector<5632x128xf32> -> vector<5632x128xf32>
    %convert_element_type3A_152 = arith.truncf %dot_general3A_151 : vector<5632x128xf32> to vector<5632x128xbf16>
    %reshape3A_153 = vector.shape_cast %convert_element_type3A_152 : vector<5632x128xbf16> to vector<11x512x128xbf16>
    %exp3A = math.exp %reshape3A_153 : vector<11x512x128xbf16>
    %convert_element_type3A_154 = arith.extf %exp3A : vector<11x512x128xbf16> to vector<11x512x128xf32>
    %reduce_sum3A = arith.constant dense<0.000000e+00> : vector<512x128xf32>
    %reduce_sum3A_155 = vector.multi_reduction <add>, %convert_element_type3A_154, %reduce_sum3A [0] : vector<11x512x128xf32> to vector<512x128xf32>
    %convert_element_type3A_156 = arith.truncf %reduce_sum3A_155 : vector<512x128xf32> to vector<512x128xbf16>
    %convert_element_type3A_157 = arith.extf %convert_element_type3A_156 : vector<512x128xbf16> to vector<512x128xf32>
    %mul3A_158 = arith.mulf %exp3A, %reshape3A_145 : vector<11x512x128xbf16>
    %convert_element_type3A_159 = arith.extf %mul3A_158 : vector<11x512x128xbf16> to vector<11x512x128xf32>
    %reduce_sum3A_160 = arith.constant dense<0.000000e+00> : vector<512x128xf32>
    %reduce_sum3A_161 = vector.multi_reduction <add>, %convert_element_type3A_159, %reduce_sum3A_160 [0] : vector<11x512x128xf32> to vector<512x128xf32>
    %convert_element_type3A_162 = arith.truncf %reduce_sum3A_161 : vector<512x128xf32> to vector<512x128xbf16>
    %convert_element_type3A_163 = arith.extf %convert_element_type3A_162 : vector<512x128xbf16> to vector<512x128xf32>
    %div3A = arith.divf %convert_element_type3A_163, %convert_element_type3A_157 : vector<512x128xf32>
    %convert_element_type3A_164 = arith.truncf %div3A : vector<512x128xf32> to vector<512x128xbf16>
    %dot_general3A_165 = arith.constant dense<0.000000e+00> : vector<512x128xf32>
    %dot_general3A_166 = tpu.matmul %convert_element_type3A_164, %get3A_79, %dot_general3A_165 {dimension_numbers = #tpu.dot_dimension_numbers<[1], [0], [0], [1], [0, 0, 1, 1], [], []>, transpose_lhs_hint = false} : vector<512x128xbf16>, vector<128x128xbf16>, vector<512x128xf32> -> vector<512x128xf32>
    %add3A_167 = arith.addf %broadcast_in_dim3A_2, %dot_general3A_166 : vector<512x128xf32>
    %dot_general3A_168 = arith.constant dense<0.000000e+00> : vector<512x128xf32>
    %dot_general3A_169 = tpu.matmul %add3A_167, %get3A_61, %dot_general3A_168 {dimension_numbers = #tpu.dot_dimension_numbers<[1], [0], [0], [1], [0, 0, 1, 1], [], []>, transpose_lhs_hint = false} : vector<512x128xf32>, vector<128x128xf32>, vector<512x128xf32> -> vector<512x128xf32>
    %mul3A_170 = arith.mulf %add3A_167, %add3A_167 : vector<512x128xf32>
    %dot_general3A_171 = arith.constant dense<0.000000e+00> : vector<512x128xf32>
    %dot_general3A_172 = tpu.matmul %mul3A_170, %get3A_61, %dot_general3A_171 {dimension_numbers = #tpu.dot_dimension_numbers<[1], [0], [0], [1], [0, 0, 1, 1], [], []>, transpose_lhs_hint = false} : vector<512x128xf32>, vector<128x128xf32>, vector<512x128xf32> -> vector<512x128xf32>
    %mul3A_173 = arith.mulf %dot_general3A_169, %dot_general3A_169 : vector<512x128xf32>
    %sub3A_174 = arith.subf %dot_general3A_172, %mul3A_173 : vector<512x128xf32>
    %add3A_175 = arith.constant 9.99999974E-6 : f32
    %add3A_176 = vector.broadcast %add3A_175 : f32 to vector<512x128xf32>
    %add3A_177 = arith.addf %sub3A_174, %add3A_176 : vector<512x128xf32>
    %rsqrt3A_178 = math.rsqrt %add3A_177 : vector<512x128xf32>
    %convert_element_type3A_179 = arith.truncf %rsqrt3A_178 : vector<512x128xf32> to vector<512x128xbf16>
    %convert_element_type3A_180 = arith.truncf %get3A_82 : vector<1x128xf32> to vector<1x128xbf16>
    %mul3A_181 = vector.broadcast %convert_element_type3A_180 : vector<1x128xbf16> to vector<512x128xbf16>
    %mul3A_182 = arith.mulf %convert_element_type3A_179, %mul3A_181 : vector<512x128xbf16>
    %sub3A_183 = arith.subf %add3A_167, %dot_general3A_169 : vector<512x128xf32>
    %convert_element_type3A_184 = arith.truncf %sub3A_183 : vector<512x128xf32> to vector<512x128xbf16>
    %mul3A_185 = arith.mulf %convert_element_type3A_184, %mul3A_182 : vector<512x128xbf16>
    %convert_element_type3A_186 = arith.truncf %get3A_85 : vector<1x128xf32> to vector<1x128xbf16>
    %add3A_187 = vector.broadcast %convert_element_type3A_186 : vector<1x128xbf16> to vector<512x128xbf16>
    %add3A_188 = arith.addf %mul3A_185, %add3A_187 : vector<512x128xbf16>
    %dot_general3A_189 = arith.constant dense<0.000000e+00> : vector<512x512xf32>
    %dot_general3A_190 = tpu.matmul %add3A_188, %get3A_88, %dot_general3A_189 {dimension_numbers = #tpu.dot_dimension_numbers<[1], [0], [0], [1], [0, 0, 1, 1], [], []>, transpose_lhs_hint = false} : vector<512x128xbf16>, vector<128x512xbf16>, vector<512x512xf32> -> vector<512x512xf32>
    %add3A_191 = vector.broadcast %get3A_91 : vector<1x512xf32> to vector<512x512xf32>
    %add3A_192 = arith.addf %dot_general3A_190, %add3A_191 : vector<512x512xf32>
    %convert_element_type3A_193 = arith.truncf %add3A_192 : vector<512x512xf32> to vector<512x512xbf16>
    %integer_pow3A = arith.mulf %convert_element_type3A_193, %convert_element_type3A_193 : vector<512x512xbf16>
    %integer_pow3A_194 = arith.mulf %convert_element_type3A_193, %integer_pow3A : vector<512x512xbf16>
    %mul3A_195 = arith.constant 4.467770e-02 : bf16
    %mul3A_196 = vector.broadcast %mul3A_195 : bf16 to vector<512x512xbf16>
    %mul3A_197 = arith.mulf %mul3A_196, %integer_pow3A_194 : vector<512x512xbf16>
    %add3A_198 = arith.addf %convert_element_type3A_193, %mul3A_197 : vector<512x512xbf16>
    %mul3A_199 = arith.constant 7.968750e-01 : bf16
    %mul3A_200 = vector.broadcast %mul3A_199 : bf16 to vector<512x512xbf16>
    %mul3A_201 = arith.mulf %mul3A_200, %add3A_198 : vector<512x512xbf16>
    %tanh3A = math.tanh %mul3A_201 : vector<512x512xbf16>
    %add3A_202 = arith.constant 1.000000e+00 : bf16
    %add3A_203 = vector.broadcast %add3A_202 : bf16 to vector<512x512xbf16>
    %add3A_204 = arith.addf %add3A_203, %tanh3A : vector<512x512xbf16>
    %mul3A_205 = arith.constant 5.000000e-01 : bf16
    %mul3A_206 = vector.broadcast %mul3A_205 : bf16 to vector<512x512xbf16>
    %mul3A_207 = arith.mulf %mul3A_206, %add3A_204 : vector<512x512xbf16>
    %mul3A_208 = arith.mulf %convert_element_type3A_193, %mul3A_207 : vector<512x512xbf16>
    %dot_general3A_209 = arith.constant dense<0.000000e+00> : vector<512x128xf32>
    %dot_general3A_210 = tpu.matmul %mul3A_208, %get3A_94, %dot_general3A_209 {dimension_numbers = #tpu.dot_dimension_numbers<[1], [0], [0], [1], [0, 0, 1, 1], [], []>, transpose_lhs_hint = false} : vector<512x512xbf16>, vector<512x128xbf16>, vector<512x128xf32> -> vector<512x128xf32>
    %add3A_211 = arith.addf %add3A_167, %dot_general3A_210 : vector<512x128xf32>
    %add3A_212 = vector.broadcast %get3A_97 : vector<1x128xf32> to vector<512x128xf32>
    %add3A_213 = arith.addf %add3A_211, %add3A_212 : vector<512x128xf32>
    %max3A = arith.constant 0.000000e+00 : f32
    %max3A_214 = vector.broadcast %max3A : f32 to vector<512x128xf32>
    %max3A_215 = arith.maximumf %add3A_213, %max3A_214 : vector<512x128xf32>
    %get3A_216 = arith.constant 0 : index
    %get3A_217 = arith.constant 0 : index
    %get3A_218 = vector.load %arg16[%get3A_216, %get3A_217] : memref<128x128xf32, #tpu.memory_space<vmem>>, vector<128x128xf32>
    %dot_general3A_219 = arith.constant dense<0.000000e+00> : vector<512x128xf32>
    %dot_general3A_220 = tpu.matmul %max3A_215, %get3A_218, %dot_general3A_219 {dimension_numbers = #tpu.dot_dimension_numbers<[1], [0], [0], [1], [0, 0, 1, 1], [], []>, transpose_lhs_hint = false} : vector<512x128xf32>, vector<128x128xf32>, vector<512x128xf32> -> vector<512x128xf32>
    %get3A_221 = arith.constant 0 : index
    %get3A_222 = arith.constant 0 : index
    %get3A_223 = vector.load %arg17[%get3A_221, %get3A_222] : memref<1x128xf32, #tpu.memory_space<vmem>>, vector<1x128xf32>
    %add3A_224 = vector.broadcast %get3A_223 : vector<1x128xf32> to vector<512x128xf32>
    %add3A_225 = arith.addf %dot_general3A_220, %add3A_224 : vector<512x128xf32>
    %get3A_226 = arith.constant 0 : index
    %get3A_227 = arith.constant 0 : index
    %get3A_228 = vector.load %arg18[%get3A_226, %get3A_227] : memref<1x128xf32, #tpu.memory_space<vmem>>, vector<1x128xf32>
    %get3A_229 = arith.constant 0 : index
    %get3A_230 = arith.constant 0 : index
    %get3A_231 = vector.load %arg19[%get3A_229, %get3A_230] : memref<1x128xf32, #tpu.memory_space<vmem>>, vector<1x128xf32>
    %get3A_232 = arith.constant 0 : index
    %get3A_233 = arith.constant 0 : index
    %get3A_234 = vector.load %arg23[%get3A_232, %get3A_233] : memref<128x128xf32, #tpu.memory_space<vmem>>, vector<128x128xf32>
    %dot_general3A_235 = arith.constant dense<0.000000e+00> : vector<512x128xf32>
    %dot_general3A_236 = tpu.matmul %add3A_225, %get3A_234, %dot_general3A_235 {dimension_numbers = #tpu.dot_dimension_numbers<[1], [0], [0], [1], [0, 0, 1, 1], [], []>, transpose_lhs_hint = false} : vector<512x128xf32>, vector<128x128xf32>, vector<512x128xf32> -> vector<512x128xf32>
    %mul3A_237 = arith.mulf %add3A_225, %add3A_225 : vector<512x128xf32>
    %dot_general3A_238 = arith.constant dense<0.000000e+00> : vector<512x128xf32>
    %dot_general3A_239 = tpu.matmul %mul3A_237, %get3A_234, %dot_general3A_238 {dimension_numbers = #tpu.dot_dimension_numbers<[1], [0], [0], [1], [0, 0, 1, 1], [], []>, transpose_lhs_hint = false} : vector<512x128xf32>, vector<128x128xf32>, vector<512x128xf32> -> vector<512x128xf32>
    %mul3A_240 = arith.mulf %dot_general3A_236, %dot_general3A_236 : vector<512x128xf32>
    %sub3A_241 = arith.subf %dot_general3A_239, %mul3A_240 : vector<512x128xf32>
    %sub3A_242 = arith.subf %add3A_225, %dot_general3A_236 : vector<512x128xf32>
    %add3A_243 = arith.constant 9.99999974E-6 : f32
    %add3A_244 = vector.broadcast %add3A_243 : f32 to vector<512x128xf32>
    %add3A_245 = arith.addf %sub3A_241, %add3A_244 : vector<512x128xf32>
    %rsqrt3A_246 = math.rsqrt %add3A_245 : vector<512x128xf32>
    %mul3A_247 = arith.mulf %sub3A_242, %rsqrt3A_246 : vector<512x128xf32>
    %mul3A_248 = vector.broadcast %get3A_228 : vector<1x128xf32> to vector<512x128xf32>
    %mul3A_249 = arith.mulf %mul3A_247, %mul3A_248 : vector<512x128xf32>
    %add3A_250 = vector.broadcast %get3A_231 : vector<1x128xf32> to vector<512x128xf32>
    %add3A_251 = arith.addf %mul3A_249, %add3A_250 : vector<512x128xf32>
    %max3A_252 = arith.constant 0.000000e+00 : f32
    %max3A_253 = vector.broadcast %max3A_252 : f32 to vector<512x128xf32>
    %max3A_254 = arith.maximumf %add3A_251, %max3A_253 : vector<512x128xf32>
    %get3A_255 = arith.constant 0 : index
    %get3A_256 = arith.constant 0 : index
    %get3A_257 = vector.load %arg20[%get3A_255, %get3A_256] : memref<1x128xf32, #tpu.memory_space<vmem>>, vector<1x128xf32>
    %mul3A_258 = vector.broadcast %get3A_257 : vector<1x128xf32> to vector<512x128xf32>
    %mul3A_259 = arith.mulf %max3A_254, %mul3A_258 : vector<512x128xf32>
    %get3A_260 = arith.constant 0 : index
    %get3A_261 = arith.constant 0 : index
    %get3A_262 = vector.load %arg24[%get3A_260, %get3A_261] : memref<128x2xf32, #tpu.memory_space<vmem>>, vector<128x2xf32>
    %dot_general3A_263 = arith.constant dense<0.000000e+00> : vector<512x2xf32>
    %dot_general3A_264 = tpu.matmul %mul3A_259, %get3A_262, %dot_general3A_263 {dimension_numbers = #tpu.dot_dimension_numbers<[1], [0], [0], [1], [0, 0, 1, 1], [], []>, transpose_lhs_hint = false} : vector<512x128xf32>, vector<128x2xf32>, vector<512x2xf32> -> vector<512x2xf32>
    %get3A_265 = arith.constant 0 : index
    %get3A_266 = arith.constant 0 : index
    %get3A_267 = vector.load %arg21[%get3A_265, %get3A_266] : memref<1x2xf32, #tpu.memory_space<vmem>>, vector<1x2xf32>
    %add3A_268 = vector.broadcast %get3A_267 : vector<1x2xf32> to vector<512x2xf32>
    %add3A_269 = arith.addf %dot_general3A_264, %add3A_268 : vector<512x2xf32>
    %swap3A = arith.constant 0 : index
    %swap3A_270 = arith.constant 0 : index
    %swap3A_271 = vector.load %arg25[%swap3A, %swap3A_270] : memref<512x2xf32, #tpu.memory_space<vmem>>, vector<512x2xf32>
    tpu.vector_store %arg25[%swap3A, %swap3A_270], %add3A_269 {strides = array<i32>} : memref<512x2xf32, #tpu.memory_space<vmem>>, vector<512x2xf32>,
    return
  }
  func.func @transform_0(%arg0: i32) -> (i32, i32, i32) {
    %c0_i32 = arith.constant 0 : i32
    %c0_i32_0 = arith.constant 0 : i32
    %c0_i32_1 = arith.constant 0 : i32
    return %c0_i32, %arg0, %c0_i32_0 : i32, i32, i32
  }
  func.func @transform_1(%arg0: i32) -> (i32, i32) {
    %c0_i32 = arith.constant 0 : i32
    %c0_i32_0 = arith.constant 0 : i32
    return %arg0, %c0_i32 : i32, i32
  }
  func.func @transform_2(%arg0: i32) -> (i32, i32) {
    %c0_i32 = arith.constant 0 : i32
    %c0_i32_0 = arith.constant 0 : i32
    %c0_i32_1 = arith.constant 0 : i32
    return %c0_i32, %c0_i32_0 : i32, i32
  }
  func.func @transform_3(%arg0: i32) -> (i32, i32) {
    %c0_i32 = arith.constant 0 : i32
    %c0_i32_0 = arith.constant 0 : i32
    %c0_i32_1 = arith.constant 0 : i32
    return %c0_i32, %c0_i32_0 : i32, i32
  }
  func.func @transform_4(%arg0: i32) -> (i32, i32) {
    %c0_i32 = arith.constant 0 : i32
    %c0_i32_0 = arith.constant 0 : i32
    %c0_i32_1 = arith.constant 0 : i32
    return %c0_i32, %c0_i32_0 : i32, i32
  }
  func.func @transform_5(%arg0: i32) -> (i32, i32) {
    %c0_i32 = arith.constant 0 : i32
    %c0_i32_0 = arith.constant 0 : i32
    %c0_i32_1 = arith.constant 0 : i32
    return %c0_i32, %c0_i32_0 : i32, i32
  }
  func.func @transform_6(%arg0: i32) -> (i32, i32) {
    %c0_i32 = arith.constant 0 : i32
    %c0_i32_0 = arith.constant 0 : i32
    %c0_i32_1 = arith.constant 0 : i32
    return %c0_i32, %c0_i32_0 : i32, i32
  }
  func.func @transform_7(%arg0: i32) -> (i32, i32) {
    %c0_i32 = arith.constant 0 : i32
    %c0_i32_0 = arith.constant 0 : i32
    %c0_i32_1 = arith.constant 0 : i32
    return %c0_i32, %c0_i32_0 : i32, i32
  }
  func.func @transform_8(%arg0: i32) -> (i32, i32) {
    %c0_i32 = arith.constant 0 : i32
    %c0_i32_0 = arith.constant 0 : i32
    %c0_i32_1 = arith.constant 0 : i32
    return %c0_i32, %c0_i32_0 : i32, i32
  }
  func.func @transform_9(%arg0: i32) -> (i32, i32) {
    %c0_i32 = arith.constant 0 : i32
    %c0_i32_0 = arith.constant 0 : i32
    %c0_i32_1 = arith.constant 0 : i32
    return %c0_i32, %c0_i32_0 : i32, i32
  }
  func.func @transform_10(%arg0: i32) -> (i32, i32) {
    %c0_i32 = arith.constant 0 : i32
    %c0_i32_0 = arith.constant 0 : i32
    %c0_i32_1 = arith.constant 0 : i32
    return %c0_i32, %c0_i32_0 : i32, i32
  }
  func.func @transform_11(%arg0: i32) -> (i32, i32) {
    %c0_i32 = arith.constant 0 : i32
    %c0_i32_0 = arith.constant 0 : i32
    %c0_i32_1 = arith.constant 0 : i32
    return %c0_i32, %c0_i32_0 : i32, i32
  }
  func.func @transform_12(%arg0: i32) -> (i32, i32) {
    %c0_i32 = arith.constant 0 : i32
    %c0_i32_0 = arith.constant 0 : i32
    %c0_i32_1 = arith.constant 0 : i32
    return %c0_i32, %c0_i32_0 : i32, i32
  }
  func.func @transform_13(%arg0: i32) -> (i32, i32) {
    %c0_i32 = arith.constant 0 : i32
    %c0_i32_0 = arith.constant 0 : i32
    %c0_i32_1 = arith.constant 0 : i32
    return %c0_i32, %c0_i32_0 : i32, i32
  }
  func.func @transform_14(%arg0: i32) -> (i32, i32) {
    %c0_i32 = arith.constant 0 : i32
    %c0_i32_0 = arith.constant 0 : i32
    %c0_i32_1 = arith.constant 0 : i32
    return %c0_i32, %c0_i32_0 : i32, i32
  }
  func.func @transform_15(%arg0: i32) -> (i32, i32) {
    %c0_i32 = arith.constant 0 : i32
    %c0_i32_0 = arith.constant 0 : i32
    %c0_i32_1 = arith.constant 0 : i32
    return %c0_i32, %c0_i32_0 : i32, i32
  }
  func.func @transform_16(%arg0: i32) -> (i32, i32) {
    %c0_i32 = arith.constant 0 : i32
    %c0_i32_0 = arith.constant 0 : i32
    %c0_i32_1 = arith.constant 0 : i32
    return %c0_i32, %c0_i32_0 : i32, i32
  }
  func.func @transform_17(%arg0: i32) -> (i32, i32) {
    %c0_i32 = arith.constant 0 : i32
    %c0_i32_0 = arith.constant 0 : i32
    %c0_i32_1 = arith.constant 0 : i32
    return %c0_i32, %c0_i32_0 : i32, i32
  }
  func.func @transform_18(%arg0: i32) -> (i32, i32) {
    %c0_i32 = arith.constant 0 : i32
    %c0_i32_0 = arith.constant 0 : i32
    %c0_i32_1 = arith.constant 0 : i32
    return %c0_i32, %c0_i32_0 : i32, i32
  }
  func.func @transform_19(%arg0: i32) -> (i32, i32) {
    %c0_i32 = arith.constant 0 : i32
    %c0_i32_0 = arith.constant 0 : i32
    %c0_i32_1 = arith.constant 0 : i32
    return %c0_i32, %c0_i32_0 : i32, i32
  }
  func.func @transform_20(%arg0: i32) -> (i32, i32) {
    %c0_i32 = arith.constant 0 : i32
    %c0_i32_0 = arith.constant 0 : i32
    %c0_i32_1 = arith.constant 0 : i32
    return %c0_i32, %c0_i32_0 : i32, i32
  }
  func.func @transform_21(%arg0: i32) -> (i32, i32) {
    %c0_i32 = arith.constant 0 : i32
    %c0_i32_0 = arith.constant 0 : i32
    %c0_i32_1 = arith.constant 0 : i32
    return %c0_i32, %c0_i32_0 : i32, i32
  }
  func.func @transform_22(%arg0: i32) -> (i32, i32) {
    %c0_i32 = arith.constant 0 : i32
    %c0_i32_0 = arith.constant 0 : i32
    %c0_i32_1 = arith.constant 0 : i32
    return %c0_i32, %c0_i32_0 : i32, i32
  }
  func.func @transform_23(%arg0: i32) -> (i32, i32) {
    %c0_i32 = arith.constant 0 : i32
    %c0_i32_0 = arith.constant 0 : i32
    %c0_i32_1 = arith.constant 0 : i32
    return %c0_i32, %c0_i32_0 : i32, i32
  }
  func.func @transform_24(%arg0: i32) -> (i32, i32) {
    %c0_i32 = arith.constant 0 : i32
    %c0_i32_0 = arith.constant 0 : i32
    return %arg0, %c0_i32 : i32, i32
  }
}

</mosaic_0001>

<sc_bundles>
// kernel: kernel.11.cloned.1.call-start
scs
__scs_entry_jumppad:
0x0: {  	(pc) =	sbr.rel $0x88, $3  }
0x1: {  	(tag) =	ssettag $0x0;
	lr =	simm.s32 $0x1  }
0x2: {  	[smem:$0x3F63] =	sst lr;
	_ =	strace $0xD0000000  }
0x3: {  	_ = 	snop  }
0x4: {  	_ = 	snop  }
0x5: {  	_ = 	snop  }
0x6: {  	_ = 	snop  }
0x7: {  	_ = 	snop  }
__scs_overlays_trampoline_lowered:
0x8: {  	[smem:$0x3F72] =	sst s0  }
0x9: {  	[smem:$0x3F73] =	sst s1  }
0xa: {  	[smem:$0x3F74] =	sst s2  }
0xb: {  	[smem:$0x3F75] =	sst s3  }
0xc: {  	[smem:$0x3F76] =	sst s4  }
0xd: {  	[smem:$0x3F77] =	sst s5  }
0xe: {  	[smem:$0x3F78] =	sst s6  }
0xf: {  	[smem:$0x3F79] =	sst s7  }
0x10: {  	[smem:$0x3F7A] =	sst s8  }
0x11: {  	[smem:$0x3F7B] =	sst s9;
	s0 =	simm.s32 @!p0 $0x0  }
0x12: {  	s1 =	sld [smem:$0x3F61];
	s0 =	simm.s32 @p0 $0x1  }
0x13: {  	[smem:$0x3F7C] =	sst s0;
	s0 =	simm.s32 @!p1 $0x0  }
0x14: {  	s2 =	sld [smem:$0x3F60];
	s0 =	simm.s32 @p1 $0x1  }
0x15: {  	[smem:$0x3F7D] =	sst s0;
	s0 =	simm.s32 @!p2 $0x0  }
0x16: {  	s3 =	sld [smem:$0x3FDB];
	s0 =	simm.s32 @p2 $0x1  }
0x17: {  	s4 =	simm.s32 $0x1BF5;
	[smem:$0x3F7F] =	sst s0  }
0x18: {  	s0 =	sld [smem:$0x3F62];
	_ =	swait.ge [sflag:s4], $0x0  }
0x19: {  	s7 =	sld [smem:$0x3F63]  }
0x1a: {  	s8 =	sadd.s32 $0xFFFFE003, lr  }
0x1b: {  	s9 =	sadd.s32 $0xFFFFFEF7, lr;
	s5 =	simm.s32 $0xFFFFFFFF;
	p2 =	slt.u32 s8, $0xFFFFF086  }
0x1c: {  	p1 =	slt.u32 s9, $0xF7A;
	s5 =	simm.s32 @!p2 $0x0  }
0x1d: {  	s5 =	simm.s32 @p1 $0x1;
	p0 =	seq.s32 s7, s2  }
0x1e: {  	s7 =	smul.u32 @!p0 $0xF7A, s2;
	p2 =	seq.s32 @!p0 s5, $0x0  }
0x1f: {  	s9 =	smul.u32 $0xF7A, s1;
	s8 =	simm.s32 @!p0 $0x1BF5;
	p2 =	por !p2, p0  }
0x20: {  	[sflag:s8] =	ssyncset.s32 @!p0 $0xFFFFF086;
	s6 =	sadd.s32 @!p0 s3, s7;
	s7 =	simm.s32 @!p0 $0x108  }
0x21: {  	s3 =	sadd.s32 s3, s9;
	s6 =	sadd.s32 @!p0 $0x88, s6;
	s7 =	simm.s32 @p2 $0x1082  }
0x22: {  	[simem:s7], [sflag:s8] =	dma.local @!p0 [hbm:s6], $0xF7A  }
0x23: {  	s9 =	sor.u32 $0xD0000000, s2;
	s6 =	simm.s32 $0x108;
	_ =	swait.ge @!p0 [sflag:s8], $0x0  }
0x24: {  	s3 =	sadd.s32 $0x88, s3;
	s6 =	simm.s32 @!p1 $0x1082;
	[sflag:s4] =	ssyncset.s32 $0xFFFFF086  }
0x25: {  	[simem:s6], [sflag:s4] =	dma.local [hbm:s3], $0xF7A  }
0x26: {  	[smem:$0x3F63] =	sst s1;
	(tag) =	ssettag s2;
	_ =	strace s9  }
0x27: {  	s1 =	sld [smem:$0x3F73]  }
0x28: {  	s2 =	sld [smem:$0x3F74]  }
0x29: {  	s4 =	sld [smem:$0x3F76]  }
0x2a: {  	p0 =	seq.s32 s5, $0x0;
	s5 =	sld [smem:$0x3F77]  }
0x2b: {  	s6 =	sld [smem:$0x3F78]  }
0x2c: {  	s7 =	sld [smem:$0x3F79]  }
0x2d: {  	s3 =	simm.s32 $0x108;
	s8 =	sld [smem:$0x3F7A]  }
0x2e: {  	s3 =	simm.s32 @!p0 $0x1082;
	s9 =	sld [smem:$0x3F7B]  }
0x2f: {  	lr =	sadd.s32 s0, s3;
	s0 =	sld [smem:$0x3F72]  }
0x30: {  	s3 =	sld [smem:$0x3F75]  }
0x31: {  	[smem:$0x3F7E] =	sst s10  }
0x32: {  	s10 =	sld [smem:$0x3F7C];
	_ =	sdelay $0x3  }
0x33: {  	p0 =	seq.s32 s10, $0x1;
	s10 =	sld [smem:$0x3F7E];
	_ =	sdelay $0x3  }
0x34: {  	[smem:$0x3F7E] =	sst s10  }
0x35: {  	s10 =	sld [smem:$0x3F7D];
	_ =	sdelay $0x3  }
0x36: {  	p1 =	seq.s32 s10, $0x1;
	s10 =	sld [smem:$0x3F7E];
	_ =	sdelay $0x3  }
0x37: {  	[smem:$0x3F7E] =	sst s10  }
0x38: {  	s10 =	sld [smem:$0x3F7F]  }
0x39: {  	_ = 	snop;
	(pc) =	sbr.ind lr, $3  }
0x3a: {  	_ = 	snop  }
0x3b: {  	_ = 	snop  }
0x3c: {  	p2 =	seq.s32 s10, $0x1;
	s10 =	sld [smem:$0x3F7E]  }
0x3d: {  	_ =	shalt  }
0x3e: {  	_ =	shalt  }
0x3f: {  	_ =	shalt  }
0x40: {  	_ =	shalt  }
0x41: {  	_ =	shalt  }
0x42: {  	_ =	shalt  }
0x43: {  	_ =	shalt  }
0x44: {  	_ =	shalt  }
0x45: {  	_ =	shalt  }
0x46: {  	_ =	shalt  }
0x47: {  	_ =	shalt  }
0x48: {  	_ =	shalt  }
0x49: {  	_ =	shalt  }
0x4a: {  	_ =	shalt  }
0x4b: {  	_ =	shalt  }
0x4c: {  	_ =	shalt  }
0x4d: {  	_ =	shalt  }
0x4e: {  	_ =	shalt  }
0x4f: {  	_ =	shalt  }
0x50: {  	_ =	shalt  }
0x51: {  	_ =	shalt  }
0x52: {  	_ =	shalt  }
0x53: {  	_ =	shalt  }
0x54: {  	_ =	shalt  }
0x55: {  	_ =	shalt  }
0x56: {  	_ =	shalt  }
0x57: {  	_ =	shalt  }
0x58: {  	_ =	shalt  }
0x59: {  	_ =	shalt  }
0x5a: {  	_ =	shalt  }
0x5b: {  	_ =	shalt  }
0x5c: {  	_ =	shalt  }
0x5d: {  	_ =	shalt  }
0x5e: {  	_ =	shalt  }
0x5f: {  	_ =	shalt  }
0x60: {  	_ =	shalt  }
0x61: {  	_ =	shalt  }
0x62: {  	_ =	shalt  }
0x63: {  	_ =	shalt  }
0x64: {  	_ =	shalt  }
0x65: {  	_ =	shalt  }
0x66: {  	_ =	shalt  }
0x67: {  	_ =	shalt  }
0x68: {  	_ =	shalt  }
0x69: {  	_ =	shalt  }
0x6a: {  	_ =	shalt  }
0x6b: {  	_ =	shalt  }
0x6c: {  	_ =	shalt  }
0x6d: {  	_ =	shalt  }
0x6e: {  	_ =	shalt  }
0x6f: {  	_ =	shalt  }
0x70: {  	_ =	shalt  }
0x71: {  	_ =	shalt  }
0x72: {  	_ =	shalt  }
0x73: {  	_ =	shalt  }
0x74: {  	_ =	shalt  }
0x75: {  	_ =	shalt  }
0x76: {  	_ =	shalt  }
0x77: {  	_ =	shalt  }
0x78: {  	_ =	shalt  }
0x79: {  	_ =	shalt  }
0x7a: {  	_ =	shalt  }
0x7b: {  	_ =	shalt  }
0x7c: {  	_ =	shalt  }
0x7d: {  	_ =	shalt  }
0x7e: {  	_ =	shalt  }
0x7f: {  	_ =	shalt  }
0x80: {  	_ =	shalt  }
0x81: {  	_ =	shalt  }
0x82: {  	_ =	shalt  }
0x83: {  	_ =	shalt  }
0x84: {  	_ =	shalt  }
0x85: {  	_ =	shalt  }
0x86: {  	_ =	shalt  }
0x87: {  	_ =	shalt  }
.Lfunc_end0:
.L_simem_size_0:
called_computation.1_lowered:
.L_overlay_start_0:
0x88: {  	s2 =	sld [smem:$0x3FD9]  }
0x89: {  	s3 =	sld [smem:$0x3FFE];
	_ =	sdelay $0x1  }
0x8a: {  	s1 =	srdreg.scid  }
0x8b: {  	s0 =	sand.u32 $0x1, s1  }
0x8c: {  	s17 =	sshll.u32 s0, $0xA;
	s2 =	sadd.s32 s3, s2  }
0x8d: {  	s2 =	sadd.s32 s2, s17  }
0x8e: {  	[smem:$0x3F8A] =	sst s2  }
0x8f: {  	_ = 	snop  }
0x90: {  	(tm) =	ssettm $0x1  }
0x91: {  	s18 =	sld [smem:$0x3FFB];
	_ =	sdelay $0x3  }
0x92: {  	_ =	strace s18  }
0x93: {  	s2 =	sld [smem:$0x3FFC];
	_ =	sdelay $0x3  }
0x94: {  	_ =	strace s2  }
0x95: {  	s2 =	sld [smem:$0x3FFD];
	_ =	sdelay $0x3  }
0x96: {  	_ =	strace s2  }
0x97: {  	_ =	strace $0x8FFFFFFF  }
0x98: {  	s19 =	sld [smem:$0x3FDB];
	_ =	sdelay $0x1  }
0x99: {  	s20 =	simm.s32 $_scs_section_size  }
0x9a: {  	s4 =	simm.s32 $_size__tile_overlayer_lowered;
	s5 =	simm.s32 $_tile_overlayer_lowered  }
0x9b: {  	s6 =	simm.s32 $0x1BFF;
	s21 =	sshll.u32 s5, $0x1;
	s3 =	sadd.s32 s20, s19  }
0x9c: {  	s22 =	simm.s32 $0x0;
	s4 =	sshll.u32 s4, $0x1;
	s5 =	sadd.s32 s21, s3  }
0x9d: {  	[timem:s22], [sflag:s6] =	dma.local [hbm:s5], s4  }
0x9e: {  	_ =	swait.ge [sflag:s6], s4  }
0x9f: {  	s4 =	ssub.s32 $0x0, s4;
	[sflag:s6] =	ssyncset.done $0x0  }
0xa0: {  	[sflag:s6] =	ssyncadd.s32 s4;
	_ =	sdelay $0x1  }
0xa1: {  	s23 =	simm.s32 $0x1B8B  }
0xa2: {  	_ =	swait.ge [sflag:s23], $0x1  }
0xa3: {  	[sflag:s23] =	ssyncset.done $0x0  }
0xa4: {  	[sflag:s23] =	ssyncadd.s32 $0xFFFFFFFF  }
0xa5: {  	s4 =	sld [smem:$0x0]  }
0xa6: {  	s5 =	sand.u32 $0xFFFFFFFE, s1  }
0xa7: {  	p0 =	sne.s32 s1, s5  }
0xa8: {  	s5 =	sshll.u32 @p0 s5, $0xE  }
0xa9: {  	s5 =	sadd.s32 @p0 $0x11B8D, s5;
	s6 =	sshll.u32 @p0 s4, $0x11  }
0xaa: {  	s5 =	sor.u32 @p0 s6, s5  }
0xab: {  	[sflag:s5] =	ssyncadd.remote.s32 @p0 $0x1;
	_ =	sdelay $0x1  }
0xac: {  	s5 =	simm.s32 @p0 $0x1B8D  }
0xad: {  	_ =	swait.eq @p0 [sflag:s5], $0x1  }
0xae: {  	[sflag:s5] =	ssyncadd.s32 @p0 $0xFFFFFFFF  }
0xaf: {  	s6 =	sshll.u32 @!p0 s1, $0xE  }
0xb0: {  	s6 =	sor.u32 @!p0 $0x4000, s6;
	s5 =	simm.s32 @!p0 $0x1B8D  }
0xb1: {  	s4 =	sshll.u32 @!p0 s4, $0x11;
	s6 =	sadd.s32 @!p0 $0x11B8D, s6;
	_ =	swait.eq @!p0 [sflag:s5], $0x1  }
0xb2: {  	s4 =	sor.u32 @!p0 s4, s6;
	[sflag:s5] =	ssyncadd.s32 @!p0 $0xFFFFFFFF  }
0xb3: {  	s25 =	simm.s32 $0x1B8E;
	s24 =	sld [smem:$0x3FFE];
	[sflag:s4] =	ssyncadd.remote.s32 @!p0 $0x1  }
0xb4: {  	s26 =	simm.s32 $execute0_lowered;
	[smem:$0x3FD2] =	sst s25  }
0xb5: {  	s5 =	sshll.u32 s26, $0x1;
	_ =	strace $0x80000049;
	[dreg:$0x1] =	wrdreg $0xFFFFFFFF  }
0xb6: {  	s28 =	simm.s32 $_size_execute0_lowered;
	s3 =	sadd.s32 s3, s5;
	[dreg:$0x0] =	wrdreg $0x0  }
0xb7: {  	s5 =	sshll.u32 s28, $0x1;
	[dreg:$0x2] =	wrdreg s3  }
0xb8: {  	[dreg:$0x3] =	wrdreg s5  }
0xb9: {  	[dreg:$0x4] =	wrdreg $0xC0  }
0xba: {  	_ =	task [dreg:s22], $0x5FFFF  }
0xbb: {  	[dreg:$0x1] =	wrdreg $0xFFFFFFFF  }
0xbc: {  	[dreg:$0x0] =	wrdreg $0x60  }
0xbd: {  	[dreg:$0x2] =	wrdreg s24  }
0xbe: {  	[dreg:$0x3] =	wrdreg $0x9  }
0xbf: {  	_ =	task.clear_ibuf [dreg:s22], $0x4FFFF;
	_ =	strace $0x90000049  }
0xc0: {  	s29 =	simm.s32 $0x9;
	_ =	strace $0x8000004B  }
0xc1: {  	_ =	swait.ge [sflag:s29], $0x1  }
0xc2: {  	[sflag:s29] =	ssyncadd.s32 $0xFFFFFFFF  }
0xc3: {  	_ =	strace $0x9000004B  }
0xc4: {  	_ =	sfence  }
0xc5: {  	s30 =	sld [smem:$0x0];
	_ =	sdelay $0x2  }
0xc6: {  	s31 =	sshll.u32 s1, $0xD;
	s1 =	sshrl.u32 s1, $0x2  }
0xc7: {  	s4 =	sand.u32 $0x4000, s31;
	s1 =	sadd.s32 s1, s30  }
0xc8: {  	s0 =	sor.u32 s4, s0;
	s1 =	sshll.u32 s1, $0x11  }
0xc9: {  	s0 =	sor.u32 s1, s0  }
0xca: {  	s0 =	sadd.s32 $0x8F2B, s0  }
0xcb: {  	[sflag:s0] =	ssyncadd.remote.s32 $0x1  }
0xcc: {  	_ =	sfence.sel $0xFFFF  }
0xcd: {  	[dreg:$0x0] =	wrdreg $0xFFFFFFFF;
	(pc) =	sbr.abs _section_cstart, $3  }
0xce: {  	[dreg:$0x1] =	wrdreg $0xFFFFFFFF  }
0xcf: {  	_ =	task.clear_ibuf [dreg:s22], $0x2FFFF;
	_ =	strace $0x9FFFFFFF  }
0xd0: {  	(tm) =	ssettm $0x7FFFFFFF  }
0xd1: {  	_ =	shalt  }
tec
execute0_lowered:
.L_overlay_start_1:
0x0: {  	(tag) =	ssettag $0x1  }
0x1: {  	s1 =	srdreg.scid  }
0x2: {  	s0 =	stileid.u32;
	s3 =	rddreg [dreg:$0x0]  }
0x3: {  	s2 =	simm.s32 $0x0;
	s8 =	simm.s32 $0x80;
	s9 =	simm.s32 $0x2600  }
0x4: {  	s10 =	simm.s32 $0x100;
	s11 =	simm.s32 $0x4600;
	s12 =	simm.s32 $0x180  }
0x5: {  	s13 =	simm.s32 $0x6600;
	s14 =	simm.s32 $0x200;
	s15 =	simm.s32 $0x8600  }
0x6: {  	s16 =	simm.s32 $0x280;
	s17 =	simm.s32 $0xA600;
	s18 =	simm.s32 $0x300  }
0x7: {  	s19 =	simm.s32 $0xC600;
	s20 =	simm.s32 $0x380;
	s21 =	simm.s32 $0xE600  }
0x8: {  	s22 =	simm.s32 $0x400;
	s1 =	sand.u32 $0x1, s1;
	s4 =	sshll.u32 s0, $0x1  }
0x9: {  	s23 =	simm.s32 $0x10600;
	s4 =	sor.u32 s1, s4;
	s1 =	ssub.s32 $0x2, s1  }
0xa: {  	s24 =	simm.s32 $0x480;
	s25 =	simm.s32 $0x12600;
	s26 =	sshrl.u32 s1, $0x1  }
0xb: {  	p0 =	por $0x0, $0x0;
	s28 =	simm.s32 $0x14600;
	s1 =	ssub.s32 s1, s26  }
0xc: {  	s29 =	simm.s32 $0x580;
	s5 =	smul.u32 $0xC0, s4;
	s1 =	smax.u32 s1, $0x1  }
0xd: {  	s30 =	simm.s32 $0x16600;
	s4 =	smul.u32 $0x3000, s4;
	p1 =	sne.s32 s1, $0x1  }
.Ltmp0:
0xe: {  	s7 =	simm.s32 $0x1;
	[smem:$0x7FF] =	sst s2;
	(pc) =	sbr.rel @!p1 .LBB2_3-.Ltmp0, $4  }
0xf: {  	s6 =	sadd.s32 $0x4DA00, s3;
	_ =	strace $0x8000004A;
	s5 =	sadd.s32 s5, s3  }
0x10: {  	s26 =	simm.s32 $0x500;
	s3 =	sadd.s32 s4, s3;
	s5 =	sadd.s32 $0x4E400, s5  }
0x11: {  	s4 =	sadd.s32 $0x4FC00, s3;
	s3 =	simm.s32 $0x2;
	[dreg:$0x2] =	wrdreg s5  }
0x12: {  	s31 =	sadd.s32 $0xFFFFFFFF, s1;
	s5 =	simm.s32 $0x600;
	s1 =	rddreg [dreg:$0x2]  }
0x13: {  	[tilespmem:s2], [sflag:$0x2] =	stream.linear.gather [hbm4b:s1+s2], $0x600, $0x38;
	[tilespmem:$0x18600] =	vst v63  }
0x14: {  	_ =	swait.ge [sflag:s3], $0x600  }
0x15: {  	[sflag:s3] =	ssyncset.done $0x0  }
0x16: {  	[sflag:s3] =	ssyncadd.s32 $0xFFFFFA00  }
0x17: {  	[tilespmem:s5], [sflag:$0x1] =	stream.indirect.gather [hbm4b:s6+s8], $0x40, s2, s8, $0xb8;
	[tilespmem:$0x18600] =	vst v63  }
0x18: {  	_ = 	snop  }
0x19: {  	[tilespmem:s9], [sflag:$0x1] =	stream.indirect.gather [hbm4b:s6+s8], $0x40, s8, s8, $0xb8;
	[tilespmem:$0x18600] =	vst v63  }
0x1a: {  	_ = 	snop  }
0x1b: {  	[tilespmem:s11], [sflag:$0x1] =	stream.indirect.gather [hbm4b:s6+s8], $0x40, s10, s8, $0xb8;
	[tilespmem:$0x18600] =	vst v63  }
0x1c: {  	_ = 	snop  }
0x1d: {  	[tilespmem:s13], [sflag:$0x1] =	stream.indirect.gather [hbm4b:s6+s8], $0x40, s12, s8, $0xb8;
	[tilespmem:$0x18600] =	vst v63  }
0x1e: {  	_ = 	snop  }
0x1f: {  	[tilespmem:s15], [sflag:$0x1] =	stream.indirect.gather [hbm4b:s6+s8], $0x40, s14, s8, $0xb8;
	[tilespmem:$0x18600] =	vst v63  }
0x20: {  	_ = 	snop  }
0x21: {  	[tilespmem:s17], [sflag:$0x1] =	stream.indirect.gather [hbm4b:s6+s8], $0x40, s16, s8, $0xb8;
	[tilespmem:$0x18600] =	vst v63  }
0x22: {  	_ = 	snop  }
0x23: {  	[tilespmem:s19], [sflag:$0x1] =	stream.indirect.gather [hbm4b:s6+s8], $0x40, s18, s8, $0xb8;
	[tilespmem:$0x18600] =	vst v63  }
0x24: {  	_ = 	snop  }
0x25: {  	[tilespmem:s21], [sflag:$0x1] =	stream.indirect.gather [hbm4b:s6+s8], $0x40, s20, s8, $0xb8;
	[tilespmem:$0x18600] =	vst v63  }
0x26: {  	_ = 	snop  }
0x27: {  	[tilespmem:s23], [sflag:$0x1] =	stream.indirect.gather [hbm4b:s6+s8], $0x40, s22, s8, $0xb8;
	[tilespmem:$0x18600] =	vst v63  }
0x28: {  	_ = 	snop  }
0x29: {  	[tilespmem:s25], [sflag:$0x1] =	stream.indirect.gather [hbm4b:s6+s8], $0x40, s24, s8, $0xb8;
	[tilespmem:$0x18600] =	vst v63  }
0x2a: {  	_ = 	snop  }
0x2b: {  	[tilespmem:s28], [sflag:$0x1] =	stream.indirect.gather [hbm4b:s6+s8], $0x40, s26, s8, $0xb8;
	[tilespmem:$0x18600] =	vst v63  }
0x2c: {  	_ = 	snop  }
0x2d: {  	[tilespmem:s30], [sflag:$0x1] =	stream.indirect.gather [hbm4b:s6+s8], $0x40, s29, s8, $0xb8;
	[tilespmem:$0x18600] =	vst v63  }
0x2e: {  	_ =	swait.ge [sflag:s7], $0x2000  }
0x2f: {  	[sflag:s7] =	ssyncset.done $0x0  }
0x30: {  	[sflag:s7] =	ssyncadd.s32 $0xFFFFE000  }
0x31: {  	_ =	swait.ge [sflag:s7], $0x2000  }
0x32: {  	[sflag:s7] =	ssyncset.done $0x0  }
0x33: {  	[sflag:s7] =	ssyncadd.s32 $0xFFFFE000  }
0x34: {  	_ =	swait.ge [sflag:s7], $0x2000  }
0x35: {  	[sflag:s7] =	ssyncset.done $0x0  }
0x36: {  	[sflag:s7] =	ssyncadd.s32 $0xFFFFE000  }
0x37: {  	_ =	swait.ge [sflag:s7], $0x2000  }
0x38: {  	[sflag:s7] =	ssyncset.done $0x0  }
0x39: {  	[sflag:s7] =	ssyncadd.s32 $0xFFFFE000  }
0x3a: {  	_ =	swait.ge [sflag:s7], $0x2000  }
0x3b: {  	[sflag:s7] =	ssyncset.done $0x0  }
0x3c: {  	[sflag:s7] =	ssyncadd.s32 $0xFFFFE000  }
0x3d: {  	_ =	swait.ge [sflag:s7], $0x2000  }
0x3e: {  	[sflag:s7] =	ssyncset.done $0x0  }
0x3f: {  	[sflag:s7] =	ssyncadd.s32 $0xFFFFE000  }
0x40: {  	_ =	swait.ge [sflag:s7], $0x2000  }
0x41: {  	[sflag:s7] =	ssyncset.done $0x0  }
0x42: {  	[sflag:s7] =	ssyncadd.s32 $0xFFFFE000  }
0x43: {  	_ =	swait.ge [sflag:s7], $0x2000  }
0x44: {  	[sflag:s7] =	ssyncset.done $0x0  }
0x45: {  	[sflag:s7] =	ssyncadd.s32 $0xFFFFE000  }
0x46: {  	_ =	swait.ge [sflag:s7], $0x2000  }
0x47: {  	[sflag:s7] =	ssyncset.done $0x0  }
0x48: {  	[sflag:s7] =	ssyncadd.s32 $0xFFFFE000  }
0x49: {  	_ =	swait.ge [sflag:s7], $0x2000  }
0x4a: {  	[sflag:s7] =	ssyncset.done $0x0  }
0x4b: {  	[sflag:s7] =	ssyncadd.s32 $0xFFFFE000  }
0x4c: {  	_ =	swait.ge [sflag:s7], $0x2000  }
0x4d: {  	[sflag:s7] =	ssyncset.done $0x0  }
0x4e: {  	[sflag:s7] =	ssyncadd.s32 $0xFFFFE000  }
0x4f: {  	p1 =	sne.s32 s31, $0x1;
	_ =	swait.ge [sflag:s7], $0x2000  }
.Ltmp1:
0x50: {  	[sflag:s7] =	ssyncset.done $0x0;
	(pc) =	sbr.rel @!p1 .LBB2_3-.Ltmp1, $4  }
0x51: {  	[sflag:s7] =	ssyncadd.s32 $0xFFFFE000  }
0x52: {  	[hbm4b:s4+s2] =	stream.linear.scatter [tilespmem:s5], [sflag:$0x2], $0x18000, $0x38;
	[tilespmem:$0x18600] =	vst v63  }
0x53: {  	s31 =	sadd.s32 $0xFFFFFFFF, s31;
	_ =	swait.ge [sflag:s3], $0x18000  }
0x54: {  	p0 =	por $0x1, $0x1;
	s1 =	rddreg [dreg:$0x2];
	[sflag:s3] =	ssyncset.done $0x0  }
.LBB2_2:
0x55: {  	[sflag:s3] =	ssyncadd.s32 $0xFFFE8000  }
0x56: {  	[tilespmem:s2], [sflag:$0x2] =	stream.linear.gather [hbm4b:s1+s2], $0x600, $0x38;
	[tilespmem:$0x18600] =	vst v63  }
0x57: {  	_ =	swait.ge [sflag:s3], $0x600  }
0x58: {  	[sflag:s3] =	ssyncset.done $0x0  }
0x59: {  	[sflag:s3] =	ssyncadd.s32 $0xFFFFFA00  }
0x5a: {  	[tilespmem:s5], [sflag:$0x1] =	stream.indirect.gather [hbm4b:s6+s8], $0x40, s2, s8, $0xb8;
	[tilespmem:$0x18600] =	vst v63  }
0x5b: {  	_ = 	snop  }
0x5c: {  	[tilespmem:s9], [sflag:$0x1] =	stream.indirect.gather [hbm4b:s6+s8], $0x40, s8, s8, $0xb8;
	[tilespmem:$0x18600] =	vst v63  }
0x5d: {  	_ = 	snop  }
0x5e: {  	[tilespmem:s11], [sflag:$0x1] =	stream.indirect.gather [hbm4b:s6+s8], $0x40, s10, s8, $0xb8;
	[tilespmem:$0x18600] =	vst v63  }
0x5f: {  	_ = 	snop  }
0x60: {  	[tilespmem:s13], [sflag:$0x1] =	stream.indirect.gather [hbm4b:s6+s8], $0x40, s12, s8, $0xb8;
	[tilespmem:$0x18600] =	vst v63  }
0x61: {  	_ = 	snop  }
0x62: {  	[tilespmem:s15], [sflag:$0x1] =	stream.indirect.gather [hbm4b:s6+s8], $0x40, s14, s8, $0xb8;
	[tilespmem:$0x18600] =	vst v63  }
0x63: {  	_ = 	snop  }
0x64: {  	[tilespmem:s17], [sflag:$0x1] =	stream.indirect.gather [hbm4b:s6+s8], $0x40, s16, s8, $0xb8;
	[tilespmem:$0x18600] =	vst v63  }
0x65: {  	_ = 	snop  }
0x66: {  	[tilespmem:s19], [sflag:$0x1] =	stream.indirect.gather [hbm4b:s6+s8], $0x40, s18, s8, $0xb8;
	[tilespmem:$0x18600] =	vst v63  }
0x67: {  	_ = 	snop  }
0x68: {  	[tilespmem:s21], [sflag:$0x1] =	stream.indirect.gather [hbm4b:s6+s8], $0x40, s20, s8, $0xb8;
	[tilespmem:$0x18600] =	vst v63  }
0x69: {  	_ = 	snop  }
0x6a: {  	[tilespmem:s23], [sflag:$0x1] =	stream.indirect.gather [hbm4b:s6+s8], $0x40, s22, s8, $0xb8;
	[tilespmem:$0x18600] =	vst v63  }
0x6b: {  	_ = 	snop  }
0x6c: {  	[tilespmem:s25], [sflag:$0x1] =	stream.indirect.gather [hbm4b:s6+s8], $0x40, s24, s8, $0xb8;
	[tilespmem:$0x18600] =	vst v63  }
0x6d: {  	_ = 	snop  }
0x6e: {  	[tilespmem:s28], [sflag:$0x1] =	stream.indirect.gather [hbm4b:s6+s8], $0x40, s26, s8, $0xb8;
	[tilespmem:$0x18600] =	vst v63  }
0x6f: {  	_ = 	snop  }
0x70: {  	[tilespmem:s30], [sflag:$0x1] =	stream.indirect.gather [hbm4b:s6+s8], $0x40, s29, s8, $0xb8;
	[tilespmem:$0x18600] =	vst v63  }
0x71: {  	_ =	swait.ge [sflag:s7], $0x2000  }
0x72: {  	[sflag:s7] =	ssyncset.done $0x0  }
0x73: {  	[sflag:s7] =	ssyncadd.s32 $0xFFFFE000  }
0x74: {  	_ =	swait.ge [sflag:s7], $0x2000  }
0x75: {  	[sflag:s7] =	ssyncset.done $0x0  }
0x76: {  	[sflag:s7] =	ssyncadd.s32 $0xFFFFE000  }
0x77: {  	_ =	swait.ge [sflag:s7], $0x2000  }
0x78: {  	[sflag:s7] =	ssyncset.done $0x0  }
0x79: {  	[sflag:s7] =	ssyncadd.s32 $0xFFFFE000  }
0x7a: {  	_ =	swait.ge [sflag:s7], $0x2000  }
0x7b: {  	[sflag:s7] =	ssyncset.done $0x0  }
0x7c: {  	[sflag:s7] =	ssyncadd.s32 $0xFFFFE000  }
0x7d: {  	_ =	swait.ge [sflag:s7], $0x2000  }
0x7e: {  	[sflag:s7] =	ssyncset.done $0x0  }
0x7f: {  	[sflag:s7] =	ssyncadd.s32 $0xFFFFE000  }
0x80: {  	_ =	swait.ge [sflag:s7], $0x2000  }
0x81: {  	[sflag:s7] =	ssyncset.done $0x0  }
0x82: {  	[sflag:s7] =	ssyncadd.s32 $0xFFFFE000  }
0x83: {  	_ =	swait.ge [sflag:s7], $0x2000  }
0x84: {  	[sflag:s7] =	ssyncset.done $0x0  }
0x85: {  	[sflag:s7] =	ssyncadd.s32 $0xFFFFE000  }
0x86: {  	_ =	swait.ge [sflag:s7], $0x2000  }
0x87: {  	[sflag:s7] =	ssyncset.done $0x0  }
0x88: {  	[sflag:s7] =	ssyncadd.s32 $0xFFFFE000  }
0x89: {  	_ =	swait.ge [sflag:s7], $0x2000  }
0x8a: {  	[sflag:s7] =	ssyncset.done $0x0  }
0x8b: {  	[sflag:s7] =	ssyncadd.s32 $0xFFFFE000  }
0x8c: {  	_ =	swait.ge [sflag:s7], $0x2000  }
0x8d: {  	[sflag:s7] =	ssyncset.done $0x0  }
0x8e: {  	[sflag:s7] =	ssyncadd.s32 $0xFFFFE000  }
0x8f: {  	_ =	swait.ge [sflag:s7], $0x2000  }
0x90: {  	[sflag:s7] =	ssyncset.done $0x0  }
0x91: {  	[sflag:s7] =	ssyncadd.s32 $0xFFFFE000  }
0x92: {  	p1 =	sne.s32 s31, $0x1;
	_ =	swait.ge [sflag:s7], $0x2000  }
.Ltmp2:
0x93: {  	[sflag:s7] =	ssyncset.done $0x0;
	(pc) =	sbr.rel @p1 .LBB2_2-.Ltmp2, $4  }
0x94: {  	[sflag:s7] =	ssyncadd.s32 $0xFFFFE000  }
0x95: {  	[hbm4b:s4+s2] =	stream.linear.scatter [tilespmem:s5], [sflag:$0x2], $0x18000, $0x38;
	[tilespmem:$0x18600] =	vst v63  }
0x96: {  	_ =	swait.ge [sflag:s3], $0x18000  }
0x97: {  	s31 =	sadd.s32 $0xFFFFFFFF, s31;
	s1 =	rddreg [dreg:$0x2];
	[sflag:s3] =	ssyncset.done $0x0  }
.LBB2_3:
0x98: {  	[sflag:s3] =	ssyncadd.s32 @p0 $0xFFFE8000  }
0x99: {  	[tilespmem:s2], [sflag:$0x2] =	stream.linear.gather [hbm4b:s1+s2], $0x600, $0x38;
	[tilespmem:$0x18600] =	vst v63  }
0x9a: {  	_ =	swait.ge [sflag:s3], $0x600  }
0x9b: {  	[sflag:s3] =	ssyncset.done $0x0  }
0x9c: {  	[sflag:s3] =	ssyncadd.s32 $0xFFFFFA00  }
0x9d: {  	[tilespmem:s5], [sflag:$0x1] =	stream.indirect.gather [hbm4b:s6+s8], $0x40, s2, s8, $0xb8;
	[tilespmem:$0x18600] =	vst v63  }
0x9e: {  	_ = 	snop  }
0x9f: {  	[tilespmem:s9], [sflag:$0x1] =	stream.indirect.gather [hbm4b:s6+s8], $0x40, s8, s8, $0xb8;
	[tilespmem:$0x18600] =	vst v63  }
0xa0: {  	_ = 	snop  }
0xa1: {  	[tilespmem:s11], [sflag:$0x1] =	stream.indirect.gather [hbm4b:s6+s8], $0x40, s10, s8, $0xb8;
	[tilespmem:$0x18600] =	vst v63  }
0xa2: {  	_ = 	snop  }
0xa3: {  	[tilespmem:s13], [sflag:$0x1] =	stream.indirect.gather [hbm4b:s6+s8], $0x40, s12, s8, $0xb8;
	[tilespmem:$0x18600] =	vst v63  }
0xa4: {  	_ = 	snop  }
0xa5: {  	[tilespmem:s15], [sflag:$0x1] =	stream.indirect.gather [hbm4b:s6+s8], $0x40, s14, s8, $0xb8;
	[tilespmem:$0x18600] =	vst v63  }
0xa6: {  	_ = 	snop  }
0xa7: {  	[tilespmem:s17], [sflag:$0x1] =	stream.indirect.gather [hbm4b:s6+s8], $0x40, s16, s8, $0xb8;
	[tilespmem:$0x18600] =	vst v63  }
0xa8: {  	_ = 	snop  }
0xa9: {  	[tilespmem:s19], [sflag:$0x1] =	stream.indirect.gather [hbm4b:s6+s8], $0x40, s18, s8, $0xb8;
	[tilespmem:$0x18600] =	vst v63  }
0xaa: {  	_ = 	snop  }
0xab: {  	[tilespmem:s21], [sflag:$0x1] =	stream.indirect.gather [hbm4b:s6+s8], $0x40, s20, s8, $0xb8;
	[tilespmem:$0x18600] =	vst v63  }
0xac: {  	_ = 	snop  }
0xad: {  	[tilespmem:s23], [sflag:$0x1] =	stream.indirect.gather [hbm4b:s6+s8], $0x40, s22, s8, $0xb8;
	[tilespmem:$0x18600] =	vst v63  }
0xae: {  	_ = 	snop  }
0xaf: {  	[tilespmem:s25], [sflag:$0x1] =	stream.indirect.gather [hbm4b:s6+s8], $0x40, s24, s8, $0xb8;
	[tilespmem:$0x18600] =	vst v63  }
0xb0: {  	_ = 	snop  }
0xb1: {  	[tilespmem:s28], [sflag:$0x1] =	stream.indirect.gather [hbm4b:s6+s8], $0x40, s26, s8, $0xb8;
	[tilespmem:$0x18600] =	vst v63  }
0xb2: {  	_ = 	snop  }
0xb3: {  	[tilespmem:s30], [sflag:$0x1] =	stream.indirect.gather [hbm4b:s6+s8], $0x40, s29, s8, $0xb8;
	[tilespmem:$0x18600] =	vst v63  }
0xb4: {  	_ =	swait.ge [sflag:s7], $0x2000  }
0xb5: {  	[sflag:s7] =	ssyncset.done $0x0  }
0xb6: {  	[sflag:s7] =	ssyncadd.s32 $0xFFFFE000  }
0xb7: {  	_ =	swait.ge [sflag:s7], $0x2000  }
0xb8: {  	[sflag:s7] =	ssyncset.done $0x0  }
0xb9: {  	[sflag:s7] =	ssyncadd.s32 $0xFFFFE000  }
0xba: {  	_ =	swait.ge [sflag:s7], $0x2000  }
0xbb: {  	[sflag:s7] =	ssyncset.done $0x0  }
0xbc: {  	[sflag:s7] =	ssyncadd.s32 $0xFFFFE000  }
0xbd: {  	_ =	swait.ge [sflag:s7], $0x2000  }
0xbe: {  	[sflag:s7] =	ssyncset.done $0x0  }
0xbf: {  	[sflag:s7] =	ssyncadd.s32 $0xFFFFE000  }
0xc0: {  	_ =	swait.ge [sflag:s7], $0x2000  }
0xc1: {  	[sflag:s7] =	ssyncset.done $0x0  }
0xc2: {  	[sflag:s7] =	ssyncadd.s32 $0xFFFFE000  }
0xc3: {  	_ =	swait.ge [sflag:s7], $0x2000  }
0xc4: {  	[sflag:s7] =	ssyncset.done $0x0  }
0xc5: {  	[sflag:s7] =	ssyncadd.s32 $0xFFFFE000  }
0xc6: {  	_ =	swait.ge [sflag:s7], $0x2000  }
0xc7: {  	[sflag:s7] =	ssyncset.done $0x0  }
0xc8: {  	[sflag:s7] =	ssyncadd.s32 $0xFFFFE000  }
0xc9: {  	_ =	swait.ge [sflag:s7], $0x2000  }
0xca: {  	[sflag:s7] =	ssyncset.done $0x0  }
0xcb: {  	[sflag:s7] =	ssyncadd.s32 $0xFFFFE000  }
0xcc: {  	_ =	swait.ge [sflag:s7], $0x2000  }
0xcd: {  	[sflag:s7] =	ssyncset.done $0x0  }
0xce: {  	[sflag:s7] =	ssyncadd.s32 $0xFFFFE000  }
0xcf: {  	_ =	swait.ge [sflag:s7], $0x2000  }
0xd0: {  	[sflag:s7] =	ssyncset.done $0x0  }
0xd1: {  	[sflag:s7] =	ssyncadd.s32 $0xFFFFE000  }
0xd2: {  	_ =	swait.ge [sflag:s7], $0x2000  }
0xd3: {  	[sflag:s7] =	ssyncset.done $0x0  }
0xd4: {  	[sflag:s7] =	ssyncadd.s32 $0xFFFFE000  }
0xd5: {  	_ =	swait.ge [sflag:s7], $0x2000  }
0xd6: {  	[sflag:s7] =	ssyncset.done $0x0  }
0xd7: {  	[sflag:s7] =	ssyncadd.s32 $0xFFFFE000  }
0xd8: {  	[hbm4b:s4+s2] =	stream.linear.scatter [tilespmem:s5], [sflag:$0x2], $0x18000, $0x38;
	[tilespmem:$0x18600] =	vst v63  }
0xd9: {  	_ =	swait.ge [sflag:s3], $0x18000  }
0xda: {  	[sflag:s3] =	ssyncset.done $0x0  }
0xdb: {  	[sflag:s3] =	ssyncadd.s32 $0xFFFE8000  }
0xdc: {  	_ =	sfence.sel $0x180000  }
0xdd: {  	[bflag:$0x0] =	sbarrier.arrive $0xFFFF  }
0xde: {  	_ =	strace $0x9000004A  }
0xdf: {  	[bflag:$0x2] =	sbarrier.arrive $0xFFFF  }
0xe0: {  	p0 =	sne.s32 s0, $0x0;
	s0 =	rddreg [dreg:$0x1]  }
0xe1: {  	s0 =	sadd.s32 @!p0 $0x100000, s0  }
0xe2: {  	[sflag:s0] =	ssyncadd.tile.s32 @!p0 $0x1;
	_ =	shalt  }
.Lfunc_end2:
_tile_overlayer_lowered:
.L_overlay_start_2:
0xe3: {  	(tag) =	ssettag $0x2  }
0xe4: {  	s0 =	rddreg [dreg:$0x0];
	s2 =	stileid.u32  }
0xe5: {  	s1 =	rddreg [dreg:$0x1];
	p0 =	sne.s32 s2, $0x0  }
0xe6: {  	s3 =	rddreg [dreg:$0x2];
	[bflag:$0x3] =	sbarrier.arrive $0xFFFF;
	s2 =	simm.s32 @!p0 $0x1C02  }
0xe7: {  	[timem:s3], [sflag:s2] =	dma.local @!p0 [hbm:s0], s1  }
0xe8: {  	s0 =	simm.s32 @!p0 $0x2  }
0xe9: {  	_ =	swait.ge @!p0 [sflag:s0], s1  }
0xea: {  	s1 =	ssub.s32 @!p0 $0x0, s1;
	[sflag:s0] =	ssyncset.done @!p0 $0x0  }
0xeb: {  	[sflag:s0] =	ssyncadd.s32 @!p0 s1  }
0xec: {  	[bflag:$0x3] =	sbarrier.arrive $0xFFFF  }
0xed: {  	_ =	shalt  }

// kernel: kernel.14.cloned.1.call-start
scs
__scs_entry_jumppad:
0x0: {  	(pc) =	sbr.rel $0x88, $3  }
0x1: {  	(tag) =	ssettag $0x0;
	lr =	simm.s32 $0x1  }
0x2: {  	[smem:$0x3F63] =	sst lr;
	_ =	strace $0xD0000000  }
0x3: {  	_ = 	snop  }
0x4: {  	_ = 	snop  }
0x5: {  	_ = 	snop  }
0x6: {  	_ = 	snop  }
0x7: {  	_ = 	snop  }
__scs_overlays_trampoline_lowered:
0x8: {  	[smem:$0x3F72] =	sst s0  }
0x9: {  	[smem:$0x3F73] =	sst s1  }
0xa: {  	[smem:$0x3F74] =	sst s2  }
0xb: {  	[smem:$0x3F75] =	sst s3  }
0xc: {  	[smem:$0x3F76] =	sst s4  }
0xd: {  	[smem:$0x3F77] =	sst s5  }
0xe: {  	[smem:$0x3F78] =	sst s6  }
0xf: {  	[smem:$0x3F79] =	sst s7  }
0x10: {  	[smem:$0x3F7A] =	sst s8  }
0x11: {  	[smem:$0x3F7B] =	sst s9;
	s0 =	simm.s32 @!p0 $0x0  }
0x12: {  	s1 =	sld [smem:$0x3F61];
	s0 =	simm.s32 @p0 $0x1  }
0x13: {  	[smem:$0x3F7C] =	sst s0;
	s0 =	simm.s32 @!p1 $0x0  }
0x14: {  	s2 =	sld [smem:$0x3F60];
	s0 =	simm.s32 @p1 $0x1  }
0x15: {  	[smem:$0x3F7D] =	sst s0;
	s0 =	simm.s32 @!p2 $0x0  }
0x16: {  	s3 =	sld [smem:$0x3FDB];
	s0 =	simm.s32 @p2 $0x1  }
0x17: {  	s4 =	simm.s32 $0x1BF5;
	[smem:$0x3F7F] =	sst s0  }
0x18: {  	s0 =	sld [smem:$0x3F62];
	_ =	swait.ge [sflag:s4], $0x0  }
0x19: {  	s7 =	sld [smem:$0x3F63]  }
0x1a: {  	s8 =	sadd.s32 $0xFFFFE003, lr  }
0x1b: {  	s9 =	sadd.s32 $0xFFFFFEF7, lr;
	s5 =	simm.s32 $0xFFFFFFFF;
	p2 =	slt.u32 s8, $0xFFFFF086  }
0x1c: {  	p1 =	slt.u32 s9, $0xF7A;
	s5 =	simm.s32 @!p2 $0x0  }
0x1d: {  	s5 =	simm.s32 @p1 $0x1;
	p0 =	seq.s32 s7, s2  }
0x1e: {  	s7 =	smul.u32 @!p0 $0xF7A, s2;
	p2 =	seq.s32 @!p0 s5, $0x0  }
0x1f: {  	s9 =	smul.u32 $0xF7A, s1;
	s8 =	simm.s32 @!p0 $0x1BF5;
	p2 =	por !p2, p0  }
0x20: {  	[sflag:s8] =	ssyncset.s32 @!p0 $0xFFFFF086;
	s6 =	sadd.s32 @!p0 s3, s7;
	s7 =	simm.s32 @!p0 $0x108  }
0x21: {  	s3 =	sadd.s32 s3, s9;
	s6 =	sadd.s32 @!p0 $0x88, s6;
	s7 =	simm.s32 @p2 $0x1082  }
0x22: {  	[simem:s7], [sflag:s8] =	dma.local @!p0 [hbm:s6], $0xF7A  }
0x23: {  	s9 =	sor.u32 $0xD0000000, s2;
	s6 =	simm.s32 $0x108;
	_ =	swait.ge @!p0 [sflag:s8], $0x0  }
0x24: {  	s3 =	sadd.s32 $0x88, s3;
	s6 =	simm.s32 @!p1 $0x1082;
	[sflag:s4] =	ssyncset.s32 $0xFFFFF086  }
0x25: {  	[simem:s6], [sflag:s4] =	dma.local [hbm:s3], $0xF7A  }
0x26: {  	[smem:$0x3F63] =	sst s1;
	(tag) =	ssettag s2;
	_ =	strace s9  }
0x27: {  	s1 =	sld [smem:$0x3F73]  }
0x28: {  	s2 =	sld [smem:$0x3F74]  }
0x29: {  	s4 =	sld [smem:$0x3F76]  }
0x2a: {  	p0 =	seq.s32 s5, $0x0;
	s5 =	sld [smem:$0x3F77]  }
0x2b: {  	s6 =	sld [smem:$0x3F78]  }
0x2c: {  	s7 =	sld [smem:$0x3F79]  }
0x2d: {  	s3 =	simm.s32 $0x108;
	s8 =	sld [smem:$0x3F7A]  }
0x2e: {  	s3 =	simm.s32 @!p0 $0x1082;
	s9 =	sld [smem:$0x3F7B]  }
0x2f: {  	lr =	sadd.s32 s0, s3;
	s0 =	sld [smem:$0x3F72]  }
0x30: {  	s3 =	sld [smem:$0x3F75]  }
0x31: {  	[smem:$0x3F7E] =	sst s10  }
0x32: {  	s10 =	sld [smem:$0x3F7C];
	_ =	sdelay $0x3  }
0x33: {  	p0 =	seq.s32 s10, $0x1;
	s10 =	sld [smem:$0x3F7E];
	_ =	sdelay $0x3  }
0x34: {  	[smem:$0x3F7E] =	sst s10  }
0x35: {  	s10 =	sld [smem:$0x3F7D];
	_ =	sdelay $0x3  }
0x36: {  	p1 =	seq.s32 s10, $0x1;
	s10 =	sld [smem:$0x3F7E];
	_ =	sdelay $0x3  }
0x37: {  	[smem:$0x3F7E] =	sst s10  }
0x38: {  	s10 =	sld [smem:$0x3F7F]  }
0x39: {  	_ = 	snop;
	(pc) =	sbr.ind lr, $3  }
0x3a: {  	_ = 	snop  }
0x3b: {  	_ = 	snop  }
0x3c: {  	p2 =	seq.s32 s10, $0x1;
	s10 =	sld [smem:$0x3F7E]  }
0x3d: {  	_ =	shalt  }
0x3e: {  	_ =	shalt  }
0x3f: {  	_ =	shalt  }
0x40: {  	_ =	shalt  }
0x41: {  	_ =	shalt  }
0x42: {  	_ =	shalt  }
0x43: {  	_ =	shalt  }
0x44: {  	_ =	shalt  }
0x45: {  	_ =	shalt  }
0x46: {  	_ =	shalt  }
0x47: {  	_ =	shalt  }
0x48: {  	_ =	shalt  }
0x49: {  	_ =	shalt  }
0x4a: {  	_ =	shalt  }
0x4b: {  	_ =	shalt  }
0x4c: {  	_ =	shalt  }
0x4d: {  	_ =	shalt  }
0x4e: {  	_ =	shalt  }
0x4f: {  	_ =	shalt  }
0x50: {  	_ =	shalt  }
0x51: {  	_ =	shalt  }
0x52: {  	_ =	shalt  }
0x53: {  	_ =	shalt  }
0x54: {  	_ =	shalt  }
0x55: {  	_ =	shalt  }
0x56: {  	_ =	shalt  }
0x57: {  	_ =	shalt  }
0x58: {  	_ =	shalt  }
0x59: {  	_ =	shalt  }
0x5a: {  	_ =	shalt  }
0x5b: {  	_ =	shalt  }
0x5c: {  	_ =	shalt  }
0x5d: {  	_ =	shalt  }
0x5e: {  	_ =	shalt  }
0x5f: {  	_ =	shalt  }
0x60: {  	_ =	shalt  }
0x61: {  	_ =	shalt  }
0x62: {  	_ =	shalt  }
0x63: {  	_ =	shalt  }
0x64: {  	_ =	shalt  }
0x65: {  	_ =	shalt  }
0x66: {  	_ =	shalt  }
0x67: {  	_ =	shalt  }
0x68: {  	_ =	shalt  }
0x69: {  	_ =	shalt  }
0x6a: {  	_ =	shalt  }
0x6b: {  	_ =	shalt  }
0x6c: {  	_ =	shalt  }
0x6d: {  	_ =	shalt  }
0x6e: {  	_ =	shalt  }
0x6f: {  	_ =	shalt  }
0x70: {  	_ =	shalt  }
0x71: {  	_ =	shalt  }
0x72: {  	_ =	shalt  }
0x73: {  	_ =	shalt  }
0x74: {  	_ =	shalt  }
0x75: {  	_ =	shalt  }
0x76: {  	_ =	shalt  }
0x77: {  	_ =	shalt  }
0x78: {  	_ =	shalt  }
0x79: {  	_ =	shalt  }
0x7a: {  	_ =	shalt  }
0x7b: {  	_ =	shalt  }
0x7c: {  	_ =	shalt  }
0x7d: {  	_ =	shalt  }
0x7e: {  	_ =	shalt  }
0x7f: {  	_ =	shalt  }
0x80: {  	_ =	shalt  }
0x81: {  	_ =	shalt  }
0x82: {  	_ =	shalt  }
0x83: {  	_ =	shalt  }
0x84: {  	_ =	shalt  }
0x85: {  	_ =	shalt  }
0x86: {  	_ =	shalt  }
0x87: {  	_ =	shalt  }
.Lfunc_end0:
.L_simem_size_0:
called_computation.2_lowered:
.L_overlay_start_0:
0x88: {  	s2 =	sld [smem:$0x3FD9]  }
0x89: {  	s3 =	sld [smem:$0x3FFE];
	_ =	sdelay $0x1  }
0x8a: {  	s1 =	srdreg.scid  }
0x8b: {  	s0 =	sand.u32 $0x1, s1  }
0x8c: {  	s17 =	sshll.u32 s0, $0xA;
	s2 =	sadd.s32 s3, s2  }
0x8d: {  	s2 =	sadd.s32 s2, s17  }
0x8e: {  	[smem:$0x3F8A] =	sst s2  }
0x8f: {  	_ = 	snop  }
0x90: {  	s18 =	sld [smem:$0x3FC5];
	(tm) =	ssettm $0x1  }
0x91: {  	s19 =	sld [smem:$0x3FFB];
	_ =	sdelay $0x3  }
0x92: {  	_ =	strace s19  }
0x93: {  	s2 =	sld [smem:$0x3FFC];
	_ =	sdelay $0x3  }
0x94: {  	_ =	strace s2  }
0x95: {  	s2 =	sld [smem:$0x3FFD];
	_ =	sdelay $0x3  }
0x96: {  	_ =	strace s2  }
0x97: {  	_ =	strace $0x8FFFFFFF  }
0x98: {  	s20 =	sld [smem:$0x3FDB];
	_ =	sdelay $0x1  }
0x99: {  	s4 =	simm.s32 $_scs_section_size  }
0x9a: {  	s5 =	simm.s32 $_size__tile_overlayer_lowered;
	s6 =	simm.s32 $_tile_overlayer_lowered  }
0x9b: {  	s7 =	simm.s32 $0x1BFF;
	s21 =	sshll.u32 s6, $0x1;
	s4 =	sadd.s32 s4, s20  }
0x9c: {  	s22 =	simm.s32 $0x0;
	s5 =	sshll.u32 s5, $0x1;
	s6 =	sadd.s32 s21, s4  }
0x9d: {  	[timem:s22], [sflag:s7] =	dma.local [hbm:s6], s5  }
0x9e: {  	_ =	swait.ge [sflag:s7], s5  }
0x9f: {  	s5 =	ssub.s32 $0x0, s5;
	[sflag:s7] =	ssyncset.done $0x0  }
0xa0: {  	[sflag:s7] =	ssyncadd.s32 s5;
	_ =	sdelay $0x1  }
0xa1: {  	s23 =	simm.s32 $0x1B8B  }
0xa2: {  	_ =	swait.ge [sflag:s23], $0x1  }
0xa3: {  	[sflag:s23] =	ssyncset.done $0x0  }
0xa4: {  	[sflag:s23] =	ssyncadd.s32 $0xFFFFFFFF  }
0xa5: {  	s5 =	sld [smem:$0x0]  }
0xa6: {  	s6 =	sand.u32 $0xFFFFFFFE, s1  }
0xa7: {  	p0 =	sne.s32 s1, s6  }
0xa8: {  	s6 =	sshll.u32 @p0 s6, $0xE  }
0xa9: {  	s6 =	sadd.s32 @p0 $0x11B8D, s6;
	s7 =	sshll.u32 @p0 s5, $0x11  }
0xaa: {  	s6 =	sor.u32 @p0 s7, s6  }
0xab: {  	[sflag:s6] =	ssyncadd.remote.s32 @p0 $0x1;
	_ =	sdelay $0x1  }
0xac: {  	s6 =	simm.s32 @p0 $0x1B8D  }
0xad: {  	_ =	swait.eq @p0 [sflag:s6], $0x1  }
0xae: {  	[sflag:s6] =	ssyncadd.s32 @p0 $0xFFFFFFFF  }
0xaf: {  	s7 =	sshll.u32 @!p0 s1, $0xE  }
0xb0: {  	s7 =	sor.u32 @!p0 $0x4000, s7;
	s6 =	simm.s32 @!p0 $0x1B8D  }
0xb1: {  	s5 =	sshll.u32 @!p0 s5, $0x11;
	s7 =	sadd.s32 @!p0 $0x11B8D, s7;
	_ =	swait.eq @!p0 [sflag:s6], $0x1  }
0xb2: {  	s5 =	sor.u32 @!p0 s5, s7;
	[sflag:s6] =	ssyncadd.s32 @!p0 $0xFFFFFFFF  }
0xb3: {  	s25 =	simm.s32 $0x1B8E;
	s24 =	sld [smem:$0x3FFE];
	[sflag:s5] =	ssyncadd.remote.s32 @!p0 $0x1  }
0xb4: {  	s26 =	simm.s32 $execute0_lowered;
	[smem:$0x3FD2] =	sst s25  }
0xb5: {  	s6 =	sshll.u32 s26, $0x1;
	_ =	strace $0x8000004C;
	[dreg:$0x1] =	wrdreg $0xFFFFFFFF  }
0xb6: {  	s28 =	simm.s32 $_size_execute0_lowered;
	s4 =	sadd.s32 s4, s6;
	[dreg:$0x0] =	wrdreg $0x0  }
0xb7: {  	s6 =	sshll.u32 s28, $0x1;
	[dreg:$0x2] =	wrdreg s4  }
0xb8: {  	[dreg:$0x3] =	wrdreg s6  }
0xb9: {  	[dreg:$0x4] =	wrdreg $0xC0  }
0xba: {  	_ =	task [dreg:s22], $0x5FFFF  }
0xbb: {  	[dreg:$0x1] =	wrdreg $0xFFFFFFFF  }
0xbc: {  	[dreg:$0x0] =	wrdreg $0x60  }
0xbd: {  	[dreg:$0x2] =	wrdreg s24  }
0xbe: {  	[dreg:$0x3] =	wrdreg s18  }
0xbf: {  	[dreg:$0x4] =	wrdreg $0xA  }
0xc0: {  	_ =	task.clear_ibuf [dreg:s22], $0x5FFFF;
	_ =	strace $0x9000004C  }
0xc1: {  	s29 =	simm.s32 $0xA;
	_ =	strace $0x8000004E  }
0xc2: {  	_ =	swait.ge [sflag:s29], $0x1  }
0xc3: {  	[sflag:s29] =	ssyncadd.s32 $0xFFFFFFFF  }
0xc4: {  	_ =	strace $0x9000004E  }
0xc5: {  	_ =	sfence  }
0xc6: {  	s30 =	sld [smem:$0x0];
	_ =	sdelay $0x2  }
0xc7: {  	s31 =	sshll.u32 s1, $0xD;
	s1 =	sshrl.u32 s1, $0x2  }
0xc8: {  	s4 =	sand.u32 $0x4000, s31;
	s1 =	sadd.s32 s1, s30  }
0xc9: {  	s0 =	sor.u32 s4, s0;
	s1 =	sshll.u32 s1, $0x11  }
0xca: {  	s0 =	sor.u32 s1, s0  }
0xcb: {  	s0 =	sadd.s32 $0x8F2B, s0  }
0xcc: {  	[sflag:s0] =	ssyncadd.remote.s32 $0x1  }
0xcd: {  	_ =	sfence.sel $0xFFFF  }
0xce: {  	[dreg:$0x0] =	wrdreg $0xFFFFFFFF;
	(pc) =	sbr.abs _section_cstart, $3  }
0xcf: {  	[dreg:$0x1] =	wrdreg $0xFFFFFFFF  }
0xd0: {  	_ =	task.clear_ibuf [dreg:s22], $0x2FFFF;
	_ =	strace $0x9FFFFFFF  }
0xd1: {  	(tm) =	ssettm $0x7FFFFFFF  }
tec
execute0_lowered:
.L_overlay_start_1:
0x0: {  	(tag) =	ssettag $0x1  }
0x1: {  	s14 =	rddreg [dreg:$0x0]  }
0x2: {  	s1 =	srdreg.scid;
	s0 =	stileid.u32  }
0x3: {  	s3 =	rddreg [dreg:$0x1];
	s15 =	sand.u32 $0x1, s1;
	s4 =	sshll.u32 s0, $0x1  }
0x4: {  	s2 =	simm.s32 $0x0;
	s1 =	rddreg [dreg:$0x2];
	s16 =	sor.u32 s15, s4  }
0x5: {  	[smem:$0x7FF] =	sst s2;
	s4 =	sshll.u32 s16, $0x6  }
0x6: {  	_ =	strace $0x8000004D;
	s4 =	sadd.s32 s3, s4;
	s3 =	simm.s32 $0x2  }
0x7: {  	[tilespmem:s2], [sflag:$0x2] =	stream.linear.gather [hbm4b:s4+s2], $0x200, $0x38;
	[tilespmem:$0x8200] =	vst v63  }
0x8: {  	_ =	swait.ge [sflag:s3], $0x200  }
0x9: {  	s6 =	simm.s32 $0x80;
	[sflag:s3] =	ssyncset.done $0x0  }
0xa: {  	s7 =	simm.s32 $0x200;
	s5 =	sadd.s32 $0xBC00, s14;
	[sflag:s3] =	ssyncadd.s32 $0xFFFFFE00  }
0xb: {  	[tilespmem:s7], [sflag:$0x1] =	stream.indirect.gather [hbm4b:s5+s6], $0x40, s2, s6, $0xb8;
	[tilespmem:$0x8200] =	vst v63  }
0xc: {  	s8 =	simm.s32 $0x2200  }
0xd: {  	[tilespmem:s8], [sflag:$0x1] =	stream.indirect.gather [hbm4b:s5+s6], $0x40, s6, s6, $0xb8;
	[tilespmem:$0x8200] =	vst v63  }
0xe: {  	s9 =	simm.s32 $0x100;
	s10 =	simm.s32 $0x4200  }
0xf: {  	[tilespmem:s10], [sflag:$0x1] =	stream.indirect.gather [hbm4b:s5+s6], $0x40, s9, s6, $0xb8;
	[tilespmem:$0x8200] =	vst v63  }
0x10: {  	s11 =	simm.s32 $0x180;
	s12 =	simm.s32 $0x6200;
	s13 =	simm.s32 $0x1  }
0x11: {  	[tilespmem:s12], [sflag:$0x1] =	stream.indirect.gather [hbm4b:s5+s6], $0x40, s11, s6, $0xb8;
	[tilespmem:$0x8200] =	vst v63  }
0x12: {  	_ =	swait.ge [sflag:s13], $0x2000  }
0x13: {  	[sflag:s13] =	ssyncset.done $0x0  }
0x14: {  	[sflag:s13] =	ssyncadd.s32 $0xFFFFE000  }
0x15: {  	_ =	swait.ge [sflag:s13], $0x2000  }
0x16: {  	[sflag:s13] =	ssyncset.done $0x0  }
0x17: {  	s15 =	ssub.s32 $0x2, s15;
	[sflag:s13] =	ssyncadd.s32 $0xFFFFE000  }
0x18: {  	s17 =	sshrl.u32 s15, $0x1;
	_ =	swait.ge [sflag:s13], $0x2000  }
0x19: {  	s15 =	ssub.s32 s15, s17;
	[sflag:s13] =	ssyncset.done $0x0  }
0x1a: {  	s15 =	smax.u32 s15, $0x1;
	[sflag:s13] =	ssyncadd.s32 $0xFFFFE000  }
0x1b: {  	s16 =	sshll.u32 s16, $0xC;
	p0 =	sne.s32 s15, $0x1;
	_ =	swait.ge [sflag:s13], $0x2000  }
.Ltmp0:
0x1c: {  	s14 =	sadd.s32 s16, s14;
	[sflag:s13] =	ssyncset.done $0x0;
	(pc) =	sbr.rel @!p0 .LBB2_2-.Ltmp0, $4  }
0x1d: {  	s14 =	sadd.s32 $0x1BC00, s14;
	[sflag:s13] =	ssyncadd.s32 $0xFFFFE000  }
0x1e: {  	[hbm4b:s14+s2] =	stream.linear.scatter [tilespmem:s7], [sflag:$0x2], $0x8000, $0x38;
	[tilespmem:$0x8200] =	vst v63  }
0x1f: {  	_ =	swait.ge [sflag:s3], $0x8000  }
0x20: {  	s15 =	sadd.s32 $0xFFFFFFFF, s15;
	[sflag:s3] =	ssyncset.done $0x0  }
.LBB2_1:
0x21: {  	p0 =	sne.s32 s15, $0x1;
	s15 =	sadd.s32 $0xFFFFFFFF, s15;
	[sflag:s3] =	ssyncadd.s32 $0xFFFF8000  }
0x22: {  	[tilespmem:s2], [sflag:$0x2] =	stream.linear.gather [hbm4b:s4+s2], $0x200, $0x38;
	[tilespmem:$0x8200] =	vst v63  }
0x23: {  	_ =	swait.ge [sflag:s3], $0x200  }
0x24: {  	[sflag:s3] =	ssyncset.done $0x0  }
0x25: {  	[sflag:s3] =	ssyncadd.s32 $0xFFFFFE00  }
0x26: {  	[tilespmem:s7], [sflag:$0x1] =	stream.indirect.gather [hbm4b:s5+s6], $0x40, s2, s6, $0xb8;
	[tilespmem:$0x8200] =	vst v63  }
0x27: {  	_ = 	snop  }
0x28: {  	[tilespmem:s8], [sflag:$0x1] =	stream.indirect.gather [hbm4b:s5+s6], $0x40, s6, s6, $0xb8;
	[tilespmem:$0x8200] =	vst v63  }
0x29: {  	_ = 	snop  }
0x2a: {  	[tilespmem:s10], [sflag:$0x1] =	stream.indirect.gather [hbm4b:s5+s6], $0x40, s9, s6, $0xb8;
	[tilespmem:$0x8200] =	vst v63  }
0x2b: {  	_ = 	snop  }
0x2c: {  	[tilespmem:s12], [sflag:$0x1] =	stream.indirect.gather [hbm4b:s5+s6], $0x40, s11, s6, $0xb8;
	[tilespmem:$0x8200] =	vst v63  }
0x2d: {  	_ =	swait.ge [sflag:s13], $0x2000  }
0x2e: {  	[sflag:s13] =	ssyncset.done $0x0  }
0x2f: {  	[sflag:s13] =	ssyncadd.s32 $0xFFFFE000  }
0x30: {  	_ =	swait.ge [sflag:s13], $0x2000  }
0x31: {  	[sflag:s13] =	ssyncset.done $0x0  }
0x32: {  	[sflag:s13] =	ssyncadd.s32 $0xFFFFE000  }
0x33: {  	_ =	swait.ge [sflag:s13], $0x2000  }
0x34: {  	[sflag:s13] =	ssyncset.done $0x0  }
0x35: {  	[sflag:s13] =	ssyncadd.s32 $0xFFFFE000  }
0x36: {  	_ =	swait.ge [sflag:s13], $0x2000  }
.Ltmp1:
0x37: {  	[sflag:s13] =	ssyncset.done $0x0;
	(pc) =	sbr.rel @p0 .LBB2_1-.Ltmp1, $4  }
0x38: {  	[sflag:s13] =	ssyncadd.s32 $0xFFFFE000  }
0x39: {  	[hbm4b:s14+s2] =	stream.linear.scatter [tilespmem:s7], [sflag:$0x2], $0x8000, $0x38;
	[tilespmem:$0x8200] =	vst v63  }
0x3a: {  	_ =	swait.ge [sflag:s3], $0x8000  }
0x3b: {  	[sflag:s3] =	ssyncset.done $0x0  }
.LBB2_2:
0x3c: {  	[sflag:s3] =	ssyncadd.s32 $0xFFFF8000  }
0x3d: {  	_ =	sfence.sel $0x180000  }
0x3e: {  	[bflag:$0x0] =	sbarrier.arrive $0xFFFF  }
0x3f: {  	p0 =	sne.s32 s0, $0x0;
	_ =	strace $0x9000004D  }
0x40: {  	s0 =	sadd.s32 @!p0 $0x100000, s1;
	[bflag:$0x2] =	sbarrier.arrive $0xFFFF  }
0x41: {  	[sflag:s0] =	ssyncadd.tile.s32 @!p0 $0x1;
	_ =	shalt  }
.Lfunc_end2:
_tile_overlayer_lowered:
.L_overlay_start_2:
0x42: {  	(tag) =	ssettag $0x2  }
0x43: {  	s0 =	rddreg [dreg:$0x0];
	s2 =	stileid.u32  }
0x44: {  	s1 =	rddreg [dreg:$0x1];
	p0 =	sne.s32 s2, $0x0  }
0x45: {  	s3 =	rddreg [dreg:$0x2];
	[bflag:$0x3] =	sbarrier.arrive $0xFFFF;
	s2 =	simm.s32 @!p0 $0x1C02  }
0x46: {  	[timem:s3], [sflag:s2] =	dma.local @!p0 [hbm:s0], s1  }
0x47: {  	s0 =	simm.s32 @!p0 $0x2  }
0x48: {  	_ =	swait.ge @!p0 [sflag:s0], s1  }
0x49: {  	s1 =	ssub.s32 @!p0 $0x0, s1;
	[sflag:s0] =	ssyncset.done @!p0 $0x0  }
0x4a: {  	[sflag:s0] =	ssyncadd.s32 @!p0 s1  }
0x4b: {  	[bflag:$0x3] =	sbarrier.arrive $0xFFFF  }
0x4c: {  	_ =	shalt  }

// kernel: kernel.8.cloned.1.call-start
scs
__scs_entry_jumppad:
0x0: {  	(pc) =	sbr.rel $0x88, $3  }
0x1: {  	(tag) =	ssettag $0x0;
	lr =	simm.s32 $0x1  }
0x2: {  	[smem:$0x3F63] =	sst lr;
	_ =	strace $0xD0000000  }
0x3: {  	_ = 	snop  }
0x4: {  	_ = 	snop  }
0x5: {  	_ = 	snop  }
0x6: {  	_ = 	snop  }
0x7: {  	_ = 	snop  }
__scs_overlays_trampoline_lowered:
0x8: {  	[smem:$0x3F72] =	sst s0  }
0x9: {  	[smem:$0x3F73] =	sst s1  }
0xa: {  	[smem:$0x3F74] =	sst s2  }
0xb: {  	[smem:$0x3F75] =	sst s3  }
0xc: {  	[smem:$0x3F76] =	sst s4  }
0xd: {  	[smem:$0x3F77] =	sst s5  }
0xe: {  	[smem:$0x3F78] =	sst s6  }
0xf: {  	[smem:$0x3F79] =	sst s7  }
0x10: {  	[smem:$0x3F7A] =	sst s8  }
0x11: {  	[smem:$0x3F7B] =	sst s9;
	s0 =	simm.s32 @!p0 $0x0  }
0x12: {  	s1 =	sld [smem:$0x3F61];
	s0 =	simm.s32 @p0 $0x1  }
0x13: {  	[smem:$0x3F7C] =	sst s0;
	s0 =	simm.s32 @!p1 $0x0  }
0x14: {  	s2 =	sld [smem:$0x3F60];
	s0 =	simm.s32 @p1 $0x1  }
0x15: {  	[smem:$0x3F7D] =	sst s0;
	s0 =	simm.s32 @!p2 $0x0  }
0x16: {  	s3 =	sld [smem:$0x3FDB];
	s0 =	simm.s32 @p2 $0x1  }
0x17: {  	s4 =	simm.s32 $0x1BF5;
	[smem:$0x3F7F] =	sst s0  }
0x18: {  	s0 =	sld [smem:$0x3F62];
	_ =	swait.ge [sflag:s4], $0x0  }
0x19: {  	s7 =	sld [smem:$0x3F63]  }
0x1a: {  	s8 =	sadd.s32 $0xFFFFE003, lr  }
0x1b: {  	s9 =	sadd.s32 $0xFFFFFEF7, lr;
	s5 =	simm.s32 $0xFFFFFFFF;
	p2 =	slt.u32 s8, $0xFFFFF086  }
0x1c: {  	p1 =	slt.u32 s9, $0xF7A;
	s5 =	simm.s32 @!p2 $0x0  }
0x1d: {  	s5 =	simm.s32 @p1 $0x1;
	p0 =	seq.s32 s7, s2  }
0x1e: {  	s7 =	smul.u32 @!p0 $0xF7A, s2;
	p2 =	seq.s32 @!p0 s5, $0x0  }
0x1f: {  	s9 =	smul.u32 $0xF7A, s1;
	s8 =	simm.s32 @!p0 $0x1BF5;
	p2 =	por !p2, p0  }
0x20: {  	[sflag:s8] =	ssyncset.s32 @!p0 $0xFFFFF086;
	s6 =	sadd.s32 @!p0 s3, s7;
	s7 =	simm.s32 @!p0 $0x108  }
0x21: {  	s3 =	sadd.s32 s3, s9;
	s6 =	sadd.s32 @!p0 $0x88, s6;
	s7 =	simm.s32 @p2 $0x1082  }
0x22: {  	[simem:s7], [sflag:s8] =	dma.local @!p0 [hbm:s6], $0xF7A  }
0x23: {  	s9 =	sor.u32 $0xD0000000, s2;
	s6 =	simm.s32 $0x108;
	_ =	swait.ge @!p0 [sflag:s8], $0x0  }
0x24: {  	s3 =	sadd.s32 $0x88, s3;
	s6 =	simm.s32 @!p1 $0x1082;
	[sflag:s4] =	ssyncset.s32 $0xFFFFF086  }
0x25: {  	[simem:s6], [sflag:s4] =	dma.local [hbm:s3], $0xF7A  }
0x26: {  	[smem:$0x3F63] =	sst s1;
	(tag) =	ssettag s2;
	_ =	strace s9  }
0x27: {  	s1 =	sld [smem:$0x3F73]  }
0x28: {  	s2 =	sld [smem:$0x3F74]  }
0x29: {  	s4 =	sld [smem:$0x3F76]  }
0x2a: {  	p0 =	seq.s32 s5, $0x0;
	s5 =	sld [smem:$0x3F77]  }
0x2b: {  	s6 =	sld [smem:$0x3F78]  }
0x2c: {  	s7 =	sld [smem:$0x3F79]  }
0x2d: {  	s3 =	simm.s32 $0x108;
	s8 =	sld [smem:$0x3F7A]  }
0x2e: {  	s3 =	simm.s32 @!p0 $0x1082;
	s9 =	sld [smem:$0x3F7B]  }
0x2f: {  	lr =	sadd.s32 s0, s3;
	s0 =	sld [smem:$0x3F72]  }
0x30: {  	s3 =	sld [smem:$0x3F75]  }
0x31: {  	[smem:$0x3F7E] =	sst s10  }
0x32: {  	s10 =	sld [smem:$0x3F7C];
	_ =	sdelay $0x3  }
0x33: {  	p0 =	seq.s32 s10, $0x1;
	s10 =	sld [smem:$0x3F7E];
	_ =	sdelay $0x3  }
0x34: {  	[smem:$0x3F7E] =	sst s10  }
0x35: {  	s10 =	sld [smem:$0x3F7D];
	_ =	sdelay $0x3  }
0x36: {  	p1 =	seq.s32 s10, $0x1;
	s10 =	sld [smem:$0x3F7E];
	_ =	sdelay $0x3  }
0x37: {  	[smem:$0x3F7E] =	sst s10  }
0x38: {  	s10 =	sld [smem:$0x3F7F]  }
0x39: {  	_ = 	snop;
	(pc) =	sbr.ind lr, $3  }
0x3a: {  	_ = 	snop  }
0x3b: {  	_ = 	snop  }
0x3c: {  	p2 =	seq.s32 s10, $0x1;
	s10 =	sld [smem:$0x3F7E]  }
0x3d: {  	_ =	shalt  }
0x3e: {  	_ =	shalt  }
0x3f: {  	_ =	shalt  }
0x40: {  	_ =	shalt  }
0x41: {  	_ =	shalt  }
0x42: {  	_ =	shalt  }
0x43: {  	_ =	shalt  }
0x44: {  	_ =	shalt  }
0x45: {  	_ =	shalt  }
0x46: {  	_ =	shalt  }
0x47: {  	_ =	shalt  }
0x48: {  	_ =	shalt  }
0x49: {  	_ =	shalt  }
0x4a: {  	_ =	shalt  }
0x4b: {  	_ =	shalt  }
0x4c: {  	_ =	shalt  }
0x4d: {  	_ =	shalt  }
0x4e: {  	_ =	shalt  }
0x4f: {  	_ =	shalt  }
0x50: {  	_ =	shalt  }
0x51: {  	_ =	shalt  }
0x52: {  	_ =	shalt  }
0x53: {  	_ =	shalt  }
0x54: {  	_ =	shalt  }
0x55: {  	_ =	shalt  }
0x56: {  	_ =	shalt  }
0x57: {  	_ =	shalt  }
0x58: {  	_ =	shalt  }
0x59: {  	_ =	shalt  }
0x5a: {  	_ =	shalt  }
0x5b: {  	_ =	shalt  }
0x5c: {  	_ =	shalt  }
0x5d: {  	_ =	shalt  }
0x5e: {  	_ =	shalt  }
0x5f: {  	_ =	shalt  }
0x60: {  	_ =	shalt  }
0x61: {  	_ =	shalt  }
0x62: {  	_ =	shalt  }
0x63: {  	_ =	shalt  }
0x64: {  	_ =	shalt  }
0x65: {  	_ =	shalt  }
0x66: {  	_ =	shalt  }
0x67: {  	_ =	shalt  }
0x68: {  	_ =	shalt  }
0x69: {  	_ =	shalt  }
0x6a: {  	_ =	shalt  }
0x6b: {  	_ =	shalt  }
0x6c: {  	_ =	shalt  }
0x6d: {  	_ =	shalt  }
0x6e: {  	_ =	shalt  }
0x6f: {  	_ =	shalt  }
0x70: {  	_ =	shalt  }
0x71: {  	_ =	shalt  }
0x72: {  	_ =	shalt  }
0x73: {  	_ =	shalt  }
0x74: {  	_ =	shalt  }
0x75: {  	_ =	shalt  }
0x76: {  	_ =	shalt  }
0x77: {  	_ =	shalt  }
0x78: {  	_ =	shalt  }
0x79: {  	_ =	shalt  }
0x7a: {  	_ =	shalt  }
0x7b: {  	_ =	shalt  }
0x7c: {  	_ =	shalt  }
0x7d: {  	_ =	shalt  }
0x7e: {  	_ =	shalt  }
0x7f: {  	_ =	shalt  }
0x80: {  	_ =	shalt  }
0x81: {  	_ =	shalt  }
0x82: {  	_ =	shalt  }
0x83: {  	_ =	shalt  }
0x84: {  	_ =	shalt  }
0x85: {  	_ =	shalt  }
0x86: {  	_ =	shalt  }
0x87: {  	_ =	shalt  }
.Lfunc_end0:
.L_simem_size_0:
called_computation_lowered:
.L_overlay_start_0:
0x88: {  	s2 =	sld [smem:$0x3FD9]  }
0x89: {  	s3 =	sld [smem:$0x3FFE];
	_ =	sdelay $0x1  }
0x8a: {  	s1 =	srdreg.scid  }
0x8b: {  	s0 =	sand.u32 $0x1, s1  }
0x8c: {  	s16 =	sshll.u32 s0, $0xA;
	s2 =	sadd.s32 s3, s2  }
0x8d: {  	s2 =	sadd.s32 s2, s16  }
0x8e: {  	[smem:$0x3F8A] =	sst s2  }
0x8f: {  	_ = 	snop  }
0x90: {  	(tm) =	ssettm $0x1  }
0x91: {  	s17 =	sld [smem:$0x3FFB];
	_ =	sdelay $0x3  }
0x92: {  	_ =	strace s17  }
0x93: {  	s2 =	sld [smem:$0x3FFC];
	_ =	sdelay $0x3  }
0x94: {  	_ =	strace s2  }
0x95: {  	s2 =	sld [smem:$0x3FFD];
	_ =	sdelay $0x3  }
0x96: {  	_ =	strace s2  }
0x97: {  	_ =	strace $0x8FFFFFFF  }
0x98: {  	s18 =	sld [smem:$0x3FDB];
	_ =	sdelay $0x1  }
0x99: {  	s19 =	simm.s32 $_scs_section_size  }
0x9a: {  	s4 =	simm.s32 $_size__tile_overlayer_lowered;
	s5 =	simm.s32 $_tile_overlayer_lowered  }
0x9b: {  	s22 =	simm.s32 $0x1BFF;
	s21 =	sshll.u32 s5, $0x1;
	s2 =	sadd.s32 s19, s18  }
0x9c: {  	s6 =	simm.s32 $0x0;
	s20 =	sshll.u32 s4, $0x1;
	s4 =	sadd.s32 s21, s2  }
0x9d: {  	[timem:s6], [sflag:s22] =	dma.local [hbm:s4], s20  }
0x9e: {  	_ =	swait.ge [sflag:s22], s20  }
0x9f: {  	s3 =	ssub.s32 $0x0, s20;
	[sflag:s22] =	ssyncset.done $0x0  }
0xa0: {  	[sflag:s22] =	ssyncadd.s32 s3;
	_ =	sdelay $0x1  }
0xa1: {  	s23 =	simm.s32 $0x1B8B  }
0xa2: {  	_ =	swait.ge [sflag:s23], $0x1  }
0xa3: {  	[sflag:s23] =	ssyncset.done $0x0  }
0xa4: {  	s25 =	simm.s32 $0x1B8E;
	s24 =	sld [smem:$0x3FFE];
	[sflag:s23] =	ssyncadd.s32 $0xFFFFFFFF  }
0xa5: {  	s26 =	simm.s32 $execute0_lowered;
	[smem:$0x3FD2] =	sst s25  }
0xa6: {  	s4 =	sshll.u32 s26, $0x1;
	_ =	strace $0x80000046;
	[dreg:$0x1] =	wrdreg $0xFFFFFFFF  }
0xa7: {  	s28 =	simm.s32 $_size_execute0_lowered;
	s2 =	sadd.s32 s2, s4;
	[dreg:$0x0] =	wrdreg $0x0  }
0xa8: {  	s4 =	sshll.u32 s28, $0x1;
	[dreg:$0x2] =	wrdreg s2  }
0xa9: {  	[dreg:$0x3] =	wrdreg s4  }
0xaa: {  	[dreg:$0x4] =	wrdreg $0xC0  }
0xab: {  	_ =	task [dreg:s6], $0x5FFFF  }
0xac: {  	[dreg:$0x1] =	wrdreg $0xFFFFFFFF  }
0xad: {  	[dreg:$0x0] =	wrdreg $0x60  }
0xae: {  	[dreg:$0x2] =	wrdreg s24  }
0xaf: {  	[dreg:$0x3] =	wrdreg $0xA  }
0xb0: {  	_ =	task.clear_ibuf [dreg:s6], $0x4FFFF;
	_ =	strace $0x90000046  }
0xb1: {  	s29 =	simm.s32 $0xA;
	_ =	strace $0x80000048  }
0xb2: {  	_ =	swait.ge [sflag:s29], $0x1  }
0xb3: {  	[sflag:s29] =	ssyncadd.s32 $0xFFFFFFFF  }
0xb4: {  	_ =	strace $0x90000048  }
0xb5: {  	_ =	sfence  }
0xb6: {  	s30 =	sld [smem:$0x0];
	_ =	sdelay $0x2  }
0xb7: {  	s31 =	sshll.u32 s1, $0xD;
	s1 =	sshrl.u32 s1, $0x2  }
0xb8: {  	s3 =	sand.u32 $0x4000, s31;
	s1 =	sadd.s32 s1, s30  }
0xb9: {  	s0 =	sor.u32 s3, s0;
	s1 =	sshll.u32 s1, $0x11  }
0xba: {  	s0 =	sor.u32 s1, s0  }
0xbb: {  	s0 =	sadd.s32 $0x8F2B, s0  }
0xbc: {  	[sflag:s0] =	ssyncadd.remote.s32 $0x1  }
0xbd: {  	_ =	sfence.sel $0xFFFF  }
0xbe: {  	[dreg:$0x0] =	wrdreg $0xFFFFFFFF;
	(pc) =	sbr.abs _section_cstart, $3  }
0xbf: {  	[dreg:$0x1] =	wrdreg $0xFFFFFFFF  }
0xc0: {  	_ =	task.clear_ibuf [dreg:s6], $0x2FFFF;
	_ =	strace $0x9FFFFFFF  }
0xc1: {  	(tm) =	ssettm $0x7FFFFFFF  }
tec
execute0_lowered:
.L_overlay_start_1:
0x0: {  	(tag) =	ssettag $0x1  }
0x1: {  	s1 =	srdreg.scid;
	s0 =	stileid.u32  }
0x2: {  	s23 =	sand.u32 $0x1, s1;
	s31 =	sshll.u32 s0, $0x1  }
0x3: {  	s22 =	rddreg [dreg:$0x0];
	s24 =	sor.u32 s23, s31  }
0x4: {  	s2 =	simm.s32 $0x0;
	s1 =	rddreg [dreg:$0x1];
	s3 =	sshll.u32 s24, $0x7  }
0x5: {  	[smem:$0x7FF] =	sst s2;
	s3 =	sadd.s32 s3, s22  }
0x6: {  	_ =	strace $0x80000047;
	s4 =	sadd.s32 $0xCA00, s3;
	s3 =	simm.s32 $0x2  }
0x7: {  	[tilespmem:s2], [sflag:$0x2] =	stream.linear.gather [hbm4b:s4+s2], $0x400, $0x38;
	[tilespmem:$0x10400] =	vst v63  }
0x8: {  	_ =	swait.ge [sflag:s3], $0x400  }
0x9: {  	s6 =	simm.s32 $0x80;
	[sflag:s3] =	ssyncset.done $0x0  }
0xa: {  	s7 =	simm.s32 $0x400;
	s5 =	sadd.s32 $0xBC00, s22;
	[sflag:s3] =	ssyncadd.s32 $0xFFFFFC00  }
0xb: {  	[tilespmem:s7], [sflag:$0x1] =	stream.indirect.gather [hbm4b:s5+s6], $0x40, s2, s6, $0xb8;
	[tilespmem:$0x10400] =	vst v63  }
0xc: {  	s8 =	simm.s32 $0x2400  }
0xd: {  	[tilespmem:s8], [sflag:$0x1] =	stream.indirect.gather [hbm4b:s5+s6], $0x40, s6, s6, $0xb8;
	[tilespmem:$0x10400] =	vst v63  }
0xe: {  	s9 =	simm.s32 $0x100;
	s10 =	simm.s32 $0x4400  }
0xf: {  	[tilespmem:s10], [sflag:$0x1] =	stream.indirect.gather [hbm4b:s5+s6], $0x40, s9, s6, $0xb8;
	[tilespmem:$0x10400] =	vst v63  }
0x10: {  	s11 =	simm.s32 $0x180;
	s12 =	simm.s32 $0x6400  }
0x11: {  	[tilespmem:s12], [sflag:$0x1] =	stream.indirect.gather [hbm4b:s5+s6], $0x40, s11, s6, $0xb8;
	[tilespmem:$0x10400] =	vst v63  }
0x12: {  	s13 =	simm.s32 $0x200;
	s14 =	simm.s32 $0x8400  }
0x13: {  	[tilespmem:s14], [sflag:$0x1] =	stream.indirect.gather [hbm4b:s5+s6], $0x40, s13, s6, $0xb8;
	[tilespmem:$0x10400] =	vst v63  }
0x14: {  	s15 =	simm.s32 $0x280;
	s16 =	simm.s32 $0xA400  }
0x15: {  	[tilespmem:s16], [sflag:$0x1] =	stream.indirect.gather [hbm4b:s5+s6], $0x40, s15, s6, $0xb8;
	[tilespmem:$0x10400] =	vst v63  }
0x16: {  	s17 =	simm.s32 $0x300;
	s18 =	simm.s32 $0xC400  }
0x17: {  	[tilespmem:s18], [sflag:$0x1] =	stream.indirect.gather [hbm4b:s5+s6], $0x40, s17, s6, $0xb8;
	[tilespmem:$0x10400] =	vst v63  }
0x18: {  	s19 =	simm.s32 $0x380;
	s20 =	simm.s32 $0xE400;
	s21 =	simm.s32 $0x1  }
0x19: {  	[tilespmem:s20], [sflag:$0x1] =	stream.indirect.gather [hbm4b:s5+s6], $0x40, s19, s6, $0xb8;
	[tilespmem:$0x10400] =	vst v63  }
0x1a: {  	_ =	swait.ge [sflag:s21], $0x2000  }
0x1b: {  	[sflag:s21] =	ssyncset.done $0x0  }
0x1c: {  	[sflag:s21] =	ssyncadd.s32 $0xFFFFE000  }
0x1d: {  	_ =	swait.ge [sflag:s21], $0x2000  }
0x1e: {  	[sflag:s21] =	ssyncset.done $0x0  }
0x1f: {  	[sflag:s21] =	ssyncadd.s32 $0xFFFFE000  }
0x20: {  	_ =	swait.ge [sflag:s21], $0x2000  }
0x21: {  	[sflag:s21] =	ssyncset.done $0x0  }
0x22: {  	[sflag:s21] =	ssyncadd.s32 $0xFFFFE000  }
0x23: {  	_ =	swait.ge [sflag:s21], $0x2000  }
0x24: {  	[sflag:s21] =	ssyncset.done $0x0  }
0x25: {  	[sflag:s21] =	ssyncadd.s32 $0xFFFFE000  }
0x26: {  	_ =	swait.ge [sflag:s21], $0x2000  }
0x27: {  	[sflag:s21] =	ssyncset.done $0x0  }
0x28: {  	[sflag:s21] =	ssyncadd.s32 $0xFFFFE000  }
0x29: {  	_ =	swait.ge [sflag:s21], $0x2000  }
0x2a: {  	[sflag:s21] =	ssyncset.done $0x0  }
0x2b: {  	s23 =	ssub.s32 $0x2, s23;
	[sflag:s21] =	ssyncadd.s32 $0xFFFFE000  }
0x2c: {  	s25 =	sshrl.u32 s23, $0x1;
	_ =	swait.ge [sflag:s21], $0x2000  }
0x2d: {  	s23 =	ssub.s32 s23, s25;
	[sflag:s21] =	ssyncset.done $0x0  }
0x2e: {  	s23 =	smax.u32 s23, $0x1;
	[sflag:s21] =	ssyncadd.s32 $0xFFFFE000  }
0x2f: {  	s24 =	sshll.u32 s24, $0xD;
	p0 =	sne.s32 s23, $0x1;
	_ =	swait.ge [sflag:s21], $0x2000  }
.Ltmp0:
0x30: {  	s22 =	sadd.s32 s24, s22;
	[sflag:s21] =	ssyncset.done $0x0;
	(pc) =	sbr.rel @!p0 .LBB2_2-.Ltmp0, $4  }
0x31: {  	s22 =	sadd.s32 $0xDA00, s22;
	[sflag:s21] =	ssyncadd.s32 $0xFFFFE000  }
0x32: {  	[hbm4b:s22+s2] =	stream.linear.scatter [tilespmem:s7], [sflag:$0x2], $0x10000, $0x38;
	[tilespmem:$0x10400] =	vst v63  }
0x33: {  	_ =	swait.ge [sflag:s3], $0x10000  }
0x34: {  	s23 =	sadd.s32 $0xFFFFFFFF, s23;
	[sflag:s3] =	ssyncset.done $0x0  }
.LBB2_1:
0x35: {  	p0 =	sne.s32 s23, $0x1;
	s23 =	sadd.s32 $0xFFFFFFFF, s23;
	[sflag:s3] =	ssyncadd.s32 $0xFFFF0000  }
0x36: {  	[tilespmem:s2], [sflag:$0x2] =	stream.linear.gather [hbm4b:s4+s2], $0x400, $0x38;
	[tilespmem:$0x10400] =	vst v63  }
0x37: {  	_ =	swait.ge [sflag:s3], $0x400  }
0x38: {  	[sflag:s3] =	ssyncset.done $0x0  }
0x39: {  	[sflag:s3] =	ssyncadd.s32 $0xFFFFFC00  }
0x3a: {  	[tilespmem:s7], [sflag:$0x1] =	stream.indirect.gather [hbm4b:s5+s6], $0x40, s2, s6, $0xb8;
	[tilespmem:$0x10400] =	vst v63  }
0x3b: {  	_ = 	snop  }
0x3c: {  	[tilespmem:s8], [sflag:$0x1] =	stream.indirect.gather [hbm4b:s5+s6], $0x40, s6, s6, $0xb8;
	[tilespmem:$0x10400] =	vst v63  }
0x3d: {  	_ = 	snop  }
0x3e: {  	[tilespmem:s10], [sflag:$0x1] =	stream.indirect.gather [hbm4b:s5+s6], $0x40, s9, s6, $0xb8;
	[tilespmem:$0x10400] =	vst v63  }
0x3f: {  	_ = 	snop  }
0x40: {  	[tilespmem:s12], [sflag:$0x1] =	stream.indirect.gather [hbm4b:s5+s6], $0x40, s11, s6, $0xb8;
	[tilespmem:$0x10400] =	vst v63  }
0x41: {  	_ = 	snop  }
0x42: {  	[tilespmem:s14], [sflag:$0x1] =	stream.indirect.gather [hbm4b:s5+s6], $0x40, s13, s6, $0xb8;
	[tilespmem:$0x10400] =	vst v63  }
0x43: {  	_ = 	snop  }
0x44: {  	[tilespmem:s16], [sflag:$0x1] =	stream.indirect.gather [hbm4b:s5+s6], $0x40, s15, s6, $0xb8;
	[tilespmem:$0x10400] =	vst v63  }
0x45: {  	_ = 	snop  }
0x46: {  	[tilespmem:s18], [sflag:$0x1] =	stream.indirect.gather [hbm4b:s5+s6], $0x40, s17, s6, $0xb8;
	[tilespmem:$0x10400] =	vst v63  }
0x47: {  	_ = 	snop  }
0x48: {  	[tilespmem:s20], [sflag:$0x1] =	stream.indirect.gather [hbm4b:s5+s6], $0x40, s19, s6, $0xb8;
	[tilespmem:$0x10400] =	vst v63  }
0x49: {  	_ =	swait.ge [sflag:s21], $0x2000  }
0x4a: {  	[sflag:s21] =	ssyncset.done $0x0  }
0x4b: {  	[sflag:s21] =	ssyncadd.s32 $0xFFFFE000  }
0x4c: {  	_ =	swait.ge [sflag:s21], $0x2000  }
0x4d: {  	[sflag:s21] =	ssyncset.done $0x0  }
0x4e: {  	[sflag:s21] =	ssyncadd.s32 $0xFFFFE000  }
0x4f: {  	_ =	swait.ge [sflag:s21], $0x2000  }
0x50: {  	[sflag:s21] =	ssyncset.done $0x0  }
0x51: {  	[sflag:s21] =	ssyncadd.s32 $0xFFFFE000  }
0x52: {  	_ =	swait.ge [sflag:s21], $0x2000  }
0x53: {  	[sflag:s21] =	ssyncset.done $0x0  }
0x54: {  	[sflag:s21] =	ssyncadd.s32 $0xFFFFE000  }
0x55: {  	_ =	swait.ge [sflag:s21], $0x2000  }
0x56: {  	[sflag:s21] =	ssyncset.done $0x0  }
0x57: {  	[sflag:s21] =	ssyncadd.s32 $0xFFFFE000  }
0x58: {  	_ =	swait.ge [sflag:s21], $0x2000  }
0x59: {  	[sflag:s21] =	ssyncset.done $0x0  }
0x5a: {  	[sflag:s21] =	ssyncadd.s32 $0xFFFFE000  }
0x5b: {  	_ =	swait.ge [sflag:s21], $0x2000  }
0x5c: {  	[sflag:s21] =	ssyncset.done $0x0  }
0x5d: {  	[sflag:s21] =	ssyncadd.s32 $0xFFFFE000  }
0x5e: {  	_ =	swait.ge [sflag:s21], $0x2000  }
.Ltmp1:
0x5f: {  	[sflag:s21] =	ssyncset.done $0x0;
	(pc) =	sbr.rel @p0 .LBB2_1-.Ltmp1, $4  }
0x60: {  	[sflag:s21] =	ssyncadd.s32 $0xFFFFE000  }
0x61: {  	[hbm4b:s22+s2] =	stream.linear.scatter [tilespmem:s7], [sflag:$0x2], $0x10000, $0x38;
	[tilespmem:$0x10400] =	vst v63  }
0x62: {  	_ =	swait.ge [sflag:s3], $0x10000  }
0x63: {  	[sflag:s3] =	ssyncset.done $0x0  }
.LBB2_2:
0x64: {  	[sflag:s3] =	ssyncadd.s32 $0xFFFF0000  }
0x65: {  	_ =	sfence.sel $0x180000  }
0x66: {  	[bflag:$0x0] =	sbarrier.arrive $0xFFFF  }
0x67: {  	p0 =	sne.s32 s0, $0x0;
	_ =	strace $0x90000047  }
0x68: {  	s0 =	sadd.s32 @!p0 $0x100000, s1;
	[bflag:$0x2] =	sbarrier.arrive $0xFFFF  }
0x69: {  	[sflag:s0] =	ssyncadd.tile.s32 @!p0 $0x1;
	_ =	shalt  }
.Lfunc_end2:
_tile_overlayer_lowered:
.L_overlay_start_2:
0x6a: {  	(tag) =	ssettag $0x2  }
0x6b: {  	s0 =	rddreg [dreg:$0x0];
	s2 =	stileid.u32  }
0x6c: {  	s1 =	rddreg [dreg:$0x1];
	p0 =	sne.s32 s2, $0x0  }
0x6d: {  	s3 =	rddreg [dreg:$0x2];
	[bflag:$0x3] =	sbarrier.arrive $0xFFFF;
	s2 =	simm.s32 @!p0 $0x1C02  }
0x6e: {  	[timem:s3], [sflag:s2] =	dma.local @!p0 [hbm:s0], s1  }
0x6f: {  	s0 =	simm.s32 @!p0 $0x2  }
0x70: {  	_ =	swait.ge @!p0 [sflag:s0], s1  }
0x71: {  	s1 =	ssub.s32 @!p0 $0x0, s1;
	[sflag:s0] =	ssyncset.done @!p0 $0x0  }
0x72: {  	[sflag:s0] =	ssyncadd.s32 @!p0 s1  }
0x73: {  	[bflag:$0x3] =	sbarrier.arrive $0xFFFF  }
0x74: {  	_ =	shalt  }

</sc_bundles>
